<compile_context>
chip_gen: v7x
topology: tpu7x:2x2x1
jax: 0.10.2.dev20260603
libtpu: 0.0.44.dev20260713+nightly
codegen_flags: <defaults>
</compile_context>

<pallas_src>
import functools

import jax
import jax.numpy as jnp
from jax import lax
from jax.experimental import pallas as pl
from jax.experimental.pallas import tpu as pltpu
from jax.experimental.pallas import tpu_sc as plsc

N_ACTIONS = 18
EPS = 0.99
LO = EPS / N_ACTIONS
HI = 1.0 - EPS + EPS / N_ACTIONS

L = 16
NC, NS = 2, 16
NW = NC * NS
NSLOT = 16


def kernel(obs, q_table):
    B = obs.shape[0]
    A = q_table.shape[1]
    b_per_w = B // NW
    n_groups = b_per_w // L
    n_pairs = n_groups // 2

    qT = q_table.T

    mesh = plsc.VectorSubcoreMesh(core_axis_name="c", subcore_axis_name="s")

    @functools.partial(
        pl.kernel,
        out_type=jax.ShapeDtypeStruct((A, B), jnp.float32),
        mesh=mesh,
        scratch_types=[
            pltpu.VMEM((b_per_w // 128, 128), jnp.int32),
            pltpu.VMEM((2 * NSLOT * A, 128), jnp.float32),
            pltpu.VMEM((A, b_per_w), jnp.float32),
            pltpu.SemaphoreType.DMA,
            pltpu.SemaphoreType.DMA,
        ],
        compiler_params=pltpu.CompilerParams(
            needs_layout_passes=False, use_tc_tiling_on_sc=True
        ),
    )
    def qpolicy(obs_hbm, qT_hbm, outT_hbm, obs_v, slots_v, out_v,
                sem0, sem1):
        wid = lax.axis_index("s") * NC + lax.axis_index("c")
        base = pl.multiple_of(wid * b_per_w, 128)

        obs_copies = [
            pltpu.async_copy(
                obs_hbm.at[pl.ds(base + r * 128, 128)], obs_v.at[r], sem0
            )
            for r in range(b_per_w // 128)
        ]
        for cp in obs_copies:
            cp.wait()

        lane = lax.iota(jnp.int32, L)
        zero = jnp.zeros((L,), jnp.int32)

        def obs_group(g):
            return plsc.load_gather(
                obs_v, [zero + g // 8, lane + lax.rem(g, 8) * L]
            )

        def fire(g, buf, sem):
            iv = obs_group(g)
            for k in range(NSLOT):
                i = iv[k]
                tile0 = pl.multiple_of((i // 128) * 128, 128)
                pltpu.async_copy(
                    qT_hbm.at[:, pl.ds(tile0, 128)],
                    slots_v.at[pl.ds((buf * NSLOT + k) * A, A)],
                    sem,
                )

        def drain(buf, sem):
            pltpu.make_async_copy(
                qT_hbm.at[:, pl.ds(0, 128)],
                slots_v.at[pl.ds(buf * NSLOT * A, NSLOT * A)],
                sem,
            ).wait()

        lo = jnp.full((L,), LO, jnp.float32)
        hi = jnp.full((L,), HI, jnp.float32)

        def compute(g, buf):
            iv = obs_group(g)
            incol = lax.rem(iv, 128)
            rowv = (lane + buf * NSLOT) * A
            best = plsc.load_gather(slots_v, [rowv, incol])
            besta = zero
            for a in range(1, A):
                ca = jnp.full((L,), a, jnp.int32)
                va = plsc.load_gather(slots_v, [rowv + ca, incol])
                m = va > best
                best = jnp.where(m, va, best)
                besta = jnp.where(m, ca, besta)
            cols = lane + g * L
            for a in range(A):
                ca = jnp.full((L,), a, jnp.int32)
                vals = jnp.where(besta == ca, hi, lo)
                plsc.store_scatter(out_v, [ca, cols], vals)

        fire(0, 0, sem0)

        def pair_body(p, carry):
            g0 = p * 2
            fire(g0 + 1, 1, sem1)
            drain(0, sem0)
            compute(g0, 0)

            @pl.when(g0 + 2 < n_groups)
            def _():
                fire(g0 + 2, 0, sem0)

            drain(1, sem1)
            compute(g0 + 1, 1)
            return carry

        lax.fori_loop(0, n_pairs, pair_body, 0)
        pltpu.sync_copy(out_v, outT_hbm.at[:, pl.ds(base, b_per_w)])

    return qpolicy(obs, qT).T

# --- scband reference (transcript-rebuilt; emitter-appended) ---
"""Pipeline reference for scband-qlearning-policy-model-66735201845292 (READ-ONLY COPY).

The authoritative reference and input builder live on the scoring server;
editing this copy changes nothing except your own understanding.
"""

import jax, jax.numpy as jnp
import numpy as np

NUM_STATES = 1000000
N_ACTIONS = 18
BATCH = 16384
EPS = 0.99


def setup_inputs(seed: int = 0) -> dict:
    key = jax.random.key(seed)
    k1, k2 = jax.random.split(key)
    obs = jax.random.randint(k1, (BATCH,), 0, NUM_STATES, dtype=jnp.int32)
    q_table = jax.random.normal(k2, (NUM_STATES, N_ACTIONS), dtype=jnp.float32)
    return {"obs": obs, "q_table": q_table}


def reference(obs, q_table):
    # q_vals = self.q_table[obs.long()]  -> row gather
    q_vals = jnp.take(q_table, obs, axis=0)
    # greedy = argmax over action dim
    greedy = jnp.argmax(q_vals, axis=1)
    n_actions = q_vals.shape[1]
    eps = EPS
    # probs = full_like(q_vals, eps / n_actions)
    probs = jnp.full(q_vals.shape, eps / max(n_actions, 1), dtype=jnp.float32)
    # probs.scatter_(1, greedy.view(-1,1), 1 - eps + eps/n) -> per-row overwrite at greedy index
    rows = jnp.arange(q_vals.shape[0])
    probs = probs.at[rows, greedy].set(1.0 - eps + eps / max(n_actions, 1))
    # Categorical(probs=probs) is parameterized entirely by probs; return probs
    # (the second output of the torch forward is None)
    return probs

if __name__ == "__main__":
    import jax
    _d = setup_inputs()
    print(jax.jit(kernel)(*tuple(_d.values())))

</pallas_src>

<mosaic_0001>
#map = affine_map<(d0, d1) -> (0)>
#map1 = affine_map<(d0, d1) -> (0, 0)>
module attributes {stable_mosaic.version = 14 : i64} {
  func.func @qpolicy(%arg0: i32, %arg1: i32, %arg2: memref<16384xi32, #tpu.memory_space<hbm>>, %arg3: memref<18x1000000xf32, #tpu.memory_space<hbm>>, %arg4: memref<18x16384xf32, #tpu.memory_space<hbm>>, %arg5: memref<4x128xi32, #tpu.memory_space<vmem>>, %arg6: memref<576x128xf32, #tpu.memory_space<vmem>>, %arg7: memref<18x512xf32, #tpu.memory_space<vmem>>, %arg8: memref<!tpu.dma_semaphore, #tpu.memory_space<semaphore_mem>>, %arg9: memref<!tpu.dma_semaphore, #tpu.memory_space<semaphore_mem>>) attributes {dimension_semantics = [#tpu.dimension_semantics<core_parallel>, #tpu.dimension_semantics<subcore_parallel>], iteration_bounds = array<i64: 2, 16>, scalar_prefetch = 0 : i64, scratch_operands = 5 : i64, tpu.core_type = #tpu.core_type<sc_vector_subcore>, window_params = [{transform_indices = #map}, {transform_indices = #map1}, {transform_indices = #map1}]} {
    %mul3A = arith.constant 2 : i32
    %mul3A_0 = arith.muli %arg1, %mul3A : i32
    %add3A = arith.addi %mul3A_0, %arg0 : i32
    %mul3A_1 = arith.constant 512 : i32
    %mul3A_2 = arith.muli %add3A, %mul3A_1 : i32
    %multiple_of3A = tpu.assume_multiple %mul3A_2, 128 : i32
    %add3A_3 = arith.constant 0 : i32
    %add3A_4 = arith.addi %multiple_of3A, %add3A_3 : i32
    %dma_start3A = arith.constant 0 : i32
    %dma_start3A_5 = arith.constant 0 : i32
    %dma_start3A_6 = tpu.memref_slice %arg5[%dma_start3A, %dma_start3A_5] : memref<4x128xi32, #tpu.memory_space<vmem>> -> memref<1x128xi32, #tpu.memory_space<vmem>>
    %dma_start3A_7 = tpu.memref_squeeze %dma_start3A_6 : memref<1x128xi32, #tpu.memory_space<vmem>> -> memref<128xi32, #tpu.memory_space<vmem>>
    %dma_start3A_8 = tpu.memref_slice %arg2[%add3A_4] : memref<16384xi32, #tpu.memory_space<hbm>> -> memref<128xi32, #tpu.memory_space<hbm>>
    %dma_start3A_9 = arith.constant 0 : i32
    %dma_start3A_10 = tpu.memref_slice %arg5[%dma_start3A, %dma_start3A_9] : memref<4x128xi32, #tpu.memory_space<vmem>> -> memref<1x128xi32, #tpu.memory_space<vmem>>
    %dma_start3A_11 = tpu.memref_squeeze %dma_start3A_10 : memref<1x128xi32, #tpu.memory_space<vmem>> -> memref<128xi32, #tpu.memory_space<vmem>>
    %dma_start3A_12 = tpu.memref_slice %arg2[%add3A_4] : memref<16384xi32, #tpu.memory_space<hbm>> -> memref<128xi32, #tpu.memory_space<hbm>>
    tpu.enqueue_dma source(%dma_start3A_12 : memref<128xi32, #tpu.memory_space<hbm>>) target(%dma_start3A_11 : memref<128xi32, #tpu.memory_space<vmem>>) target_semaphore(%arg8 : memref<!tpu.dma_semaphore, #tpu.memory_space<semaphore_mem>>)
    %add3A_13 = arith.constant 128 : i32
    %add3A_14 = arith.addi %multiple_of3A, %add3A_13 : i32
    %dma_start3A_15 = arith.constant 1 : i32
    %dma_start3A_16 = arith.constant 0 : i32
    %dma_start3A_17 = tpu.memref_slice %arg5[%dma_start3A_15, %dma_start3A_16] : memref<4x128xi32, #tpu.memory_space<vmem>> -> memref<1x128xi32, #tpu.memory_space<vmem>>
    %dma_start3A_18 = tpu.memref_squeeze %dma_start3A_17 : memref<1x128xi32, #tpu.memory_space<vmem>> -> memref<128xi32, #tpu.memory_space<vmem>>
    %dma_start3A_19 = tpu.memref_slice %arg2[%add3A_14] : memref<16384xi32, #tpu.memory_space<hbm>> -> memref<128xi32, #tpu.memory_space<hbm>>
    %dma_start3A_20 = arith.constant 0 : i32
    %dma_start3A_21 = tpu.memref_slice %arg5[%dma_start3A_15, %dma_start3A_20] : memref<4x128xi32, #tpu.memory_space<vmem>> -> memref<1x128xi32, #tpu.memory_space<vmem>>
    %dma_start3A_22 = tpu.memref_squeeze %dma_start3A_21 : memref<1x128xi32, #tpu.memory_space<vmem>> -> memref<128xi32, #tpu.memory_space<vmem>>
    %dma_start3A_23 = tpu.memref_slice %arg2[%add3A_14] : memref<16384xi32, #tpu.memory_space<hbm>> -> memref<128xi32, #tpu.memory_space<hbm>>
    tpu.enqueue_dma source(%dma_start3A_23 : memref<128xi32, #tpu.memory_space<hbm>>) target(%dma_start3A_22 : memref<128xi32, #tpu.memory_space<vmem>>) target_semaphore(%arg8 : memref<!tpu.dma_semaphore, #tpu.memory_space<semaphore_mem>>)
    %add3A_24 = arith.constant 256 : i32
    %add3A_25 = arith.addi %multiple_of3A, %add3A_24 : i32
    %dma_start3A_26 = arith.constant 2 : i32
    %dma_start3A_27 = arith.constant 0 : i32
    %dma_start3A_28 = tpu.memref_slice %arg5[%dma_start3A_26, %dma_start3A_27] : memref<4x128xi32, #tpu.memory_space<vmem>> -> memref<1x128xi32, #tpu.memory_space<vmem>>
    %dma_start3A_29 = tpu.memref_squeeze %dma_start3A_28 : memref<1x128xi32, #tpu.memory_space<vmem>> -> memref<128xi32, #tpu.memory_space<vmem>>
    %dma_start3A_30 = tpu.memref_slice %arg2[%add3A_25] : memref<16384xi32, #tpu.memory_space<hbm>> -> memref<128xi32, #tpu.memory_space<hbm>>
    %dma_start3A_31 = arith.constant 0 : i32
    %dma_start3A_32 = tpu.memref_slice %arg5[%dma_start3A_26, %dma_start3A_31] : memref<4x128xi32, #tpu.memory_space<vmem>> -> memref<1x128xi32, #tpu.memory_space<vmem>>
    %dma_start3A_33 = tpu.memref_squeeze %dma_start3A_32 : memref<1x128xi32, #tpu.memory_space<vmem>> -> memref<128xi32, #tpu.memory_space<vmem>>
    %dma_start3A_34 = tpu.memref_slice %arg2[%add3A_25] : memref<16384xi32, #tpu.memory_space<hbm>> -> memref<128xi32, #tpu.memory_space<hbm>>
    tpu.enqueue_dma source(%dma_start3A_34 : memref<128xi32, #tpu.memory_space<hbm>>) target(%dma_start3A_33 : memref<128xi32, #tpu.memory_space<vmem>>) target_semaphore(%arg8 : memref<!tpu.dma_semaphore, #tpu.memory_space<semaphore_mem>>)
    %add3A_35 = arith.constant 384 : i32
    %add3A_36 = arith.addi %multiple_of3A, %add3A_35 : i32
    %dma_start3A_37 = arith.constant 3 : i32
    %dma_start3A_38 = arith.constant 0 : i32
    %dma_start3A_39 = tpu.memref_slice %arg5[%dma_start3A_37, %dma_start3A_38] : memref<4x128xi32, #tpu.memory_space<vmem>> -> memref<1x128xi32, #tpu.memory_space<vmem>>
    %dma_start3A_40 = tpu.memref_squeeze %dma_start3A_39 : memref<1x128xi32, #tpu.memory_space<vmem>> -> memref<128xi32, #tpu.memory_space<vmem>>
    %dma_start3A_41 = tpu.memref_slice %arg2[%add3A_36] : memref<16384xi32, #tpu.memory_space<hbm>> -> memref<128xi32, #tpu.memory_space<hbm>>
    %dma_start3A_42 = arith.constant 0 : i32
    %dma_start3A_43 = tpu.memref_slice %arg5[%dma_start3A_37, %dma_start3A_42] : memref<4x128xi32, #tpu.memory_space<vmem>> -> memref<1x128xi32, #tpu.memory_space<vmem>>
    %dma_start3A_44 = tpu.memref_squeeze %dma_start3A_43 : memref<1x128xi32, #tpu.memory_space<vmem>> -> memref<128xi32, #tpu.memory_space<vmem>>
    %dma_start3A_45 = tpu.memref_slice %arg2[%add3A_36] : memref<16384xi32, #tpu.memory_space<hbm>> -> memref<128xi32, #tpu.memory_space<hbm>>
    tpu.enqueue_dma source(%dma_start3A_45 : memref<128xi32, #tpu.memory_space<hbm>>) target(%dma_start3A_44 : memref<128xi32, #tpu.memory_space<vmem>>) target_semaphore(%arg8 : memref<!tpu.dma_semaphore, #tpu.memory_space<semaphore_mem>>)
    %dma_wait3A = arith.constant 0 : i32
    %dma_wait3A_46 = arith.constant 0 : i32
    %dma_wait3A_47 = tpu.memref_slice %arg5[%dma_wait3A, %dma_wait3A_46] : memref<4x128xi32, #tpu.memory_space<vmem>> -> memref<1x128xi32, #tpu.memory_space<vmem>>
    %dma_wait3A_48 = tpu.memref_squeeze %dma_wait3A_47 : memref<1x128xi32, #tpu.memory_space<vmem>> -> memref<128xi32, #tpu.memory_space<vmem>>
    %dma_wait3A_49 = tpu.memref_slice %arg2[%add3A_4] : memref<16384xi32, #tpu.memory_space<hbm>> -> memref<128xi32, #tpu.memory_space<hbm>>
    %dma_wait3A_50 = arith.constant 0 : i32
    %dma_wait3A_51 = tpu.memref_slice %arg5[%dma_wait3A, %dma_wait3A_50] : memref<4x128xi32, #tpu.memory_space<vmem>> -> memref<1x128xi32, #tpu.memory_space<vmem>>
    %dma_wait3A_52 = tpu.memref_squeeze %dma_wait3A_51 : memref<1x128xi32, #tpu.memory_space<vmem>> -> memref<128xi32, #tpu.memory_space<vmem>>
    %dma_wait3A_53 = tpu.memref_slice %arg2[%add3A_4] : memref<16384xi32, #tpu.memory_space<hbm>> -> memref<128xi32, #tpu.memory_space<hbm>>
    tpu.wait_dma2 semaphore(%arg8 : memref<!tpu.dma_semaphore, #tpu.memory_space<semaphore_mem>>) src(%dma_wait3A_53 : memref<128xi32, #tpu.memory_space<hbm>>) dst(%dma_wait3A_52 : memref<128xi32, #tpu.memory_space<vmem>>)
    %dma_wait3A_54 = arith.constant 1 : i32
    %dma_wait3A_55 = arith.constant 0 : i32
    %dma_wait3A_56 = tpu.memref_slice %arg5[%dma_wait3A_54, %dma_wait3A_55] : memref<4x128xi32, #tpu.memory_space<vmem>> -> memref<1x128xi32, #tpu.memory_space<vmem>>
    %dma_wait3A_57 = tpu.memref_squeeze %dma_wait3A_56 : memref<1x128xi32, #tpu.memory_space<vmem>> -> memref<128xi32, #tpu.memory_space<vmem>>
    %dma_wait3A_58 = tpu.memref_slice %arg2[%add3A_14] : memref<16384xi32, #tpu.memory_space<hbm>> -> memref<128xi32, #tpu.memory_space<hbm>>
    %dma_wait3A_59 = arith.constant 0 : i32
    %dma_wait3A_60 = tpu.memref_slice %arg5[%dma_wait3A_54, %dma_wait3A_59] : memref<4x128xi32, #tpu.memory_space<vmem>> -> memref<1x128xi32, #tpu.memory_space<vmem>>
    %dma_wait3A_61 = tpu.memref_squeeze %dma_wait3A_60 : memref<1x128xi32, #tpu.memory_space<vmem>> -> memref<128xi32, #tpu.memory_space<vmem>>
    %dma_wait3A_62 = tpu.memref_slice %arg2[%add3A_14] : memref<16384xi32, #tpu.memory_space<hbm>> -> memref<128xi32, #tpu.memory_space<hbm>>
    tpu.wait_dma2 semaphore(%arg8 : memref<!tpu.dma_semaphore, #tpu.memory_space<semaphore_mem>>) src(%dma_wait3A_62 : memref<128xi32, #tpu.memory_space<hbm>>) dst(%dma_wait3A_61 : memref<128xi32, #tpu.memory_space<vmem>>)
    %dma_wait3A_63 = arith.constant 2 : i32
    %dma_wait3A_64 = arith.constant 0 : i32
    %dma_wait3A_65 = tpu.memref_slice %arg5[%dma_wait3A_63, %dma_wait3A_64] : memref<4x128xi32, #tpu.memory_space<vmem>> -> memref<1x128xi32, #tpu.memory_space<vmem>>
    %dma_wait3A_66 = tpu.memref_squeeze %dma_wait3A_65 : memref<1x128xi32, #tpu.memory_space<vmem>> -> memref<128xi32, #tpu.memory_space<vmem>>
    %dma_wait3A_67 = tpu.memref_slice %arg2[%add3A_25] : memref<16384xi32, #tpu.memory_space<hbm>> -> memref<128xi32, #tpu.memory_space<hbm>>
    %dma_wait3A_68 = arith.constant 0 : i32
    %dma_wait3A_69 = tpu.memref_slice %arg5[%dma_wait3A_63, %dma_wait3A_68] : memref<4x128xi32, #tpu.memory_space<vmem>> -> memref<1x128xi32, #tpu.memory_space<vmem>>
    %dma_wait3A_70 = tpu.memref_squeeze %dma_wait3A_69 : memref<1x128xi32, #tpu.memory_space<vmem>> -> memref<128xi32, #tpu.memory_space<vmem>>
    %dma_wait3A_71 = tpu.memref_slice %arg2[%add3A_25] : memref<16384xi32, #tpu.memory_space<hbm>> -> memref<128xi32, #tpu.memory_space<hbm>>
    tpu.wait_dma2 semaphore(%arg8 : memref<!tpu.dma_semaphore, #tpu.memory_space<semaphore_mem>>) src(%dma_wait3A_71 : memref<128xi32, #tpu.memory_space<hbm>>) dst(%dma_wait3A_70 : memref<128xi32, #tpu.memory_space<vmem>>)
    %dma_wait3A_72 = arith.constant 3 : i32
    %dma_wait3A_73 = arith.constant 0 : i32
    %dma_wait3A_74 = tpu.memref_slice %arg5[%dma_wait3A_72, %dma_wait3A_73] : memref<4x128xi32, #tpu.memory_space<vmem>> -> memref<1x128xi32, #tpu.memory_space<vmem>>
    %dma_wait3A_75 = tpu.memref_squeeze %dma_wait3A_74 : memref<1x128xi32, #tpu.memory_space<vmem>> -> memref<128xi32, #tpu.memory_space<vmem>>
    %dma_wait3A_76 = tpu.memref_slice %arg2[%add3A_36] : memref<16384xi32, #tpu.memory_space<hbm>> -> memref<128xi32, #tpu.memory_space<hbm>>
    %dma_wait3A_77 = arith.constant 0 : i32
    %dma_wait3A_78 = tpu.memref_slice %arg5[%dma_wait3A_72, %dma_wait3A_77] : memref<4x128xi32, #tpu.memory_space<vmem>> -> memref<1x128xi32, #tpu.memory_space<vmem>>
    %dma_wait3A_79 = tpu.memref_squeeze %dma_wait3A_78 : memref<1x128xi32, #tpu.memory_space<vmem>> -> memref<128xi32, #tpu.memory_space<vmem>>
    %dma_wait3A_80 = tpu.memref_slice %arg2[%add3A_36] : memref<16384xi32, #tpu.memory_space<hbm>> -> memref<128xi32, #tpu.memory_space<hbm>>
    tpu.wait_dma2 semaphore(%arg8 : memref<!tpu.dma_semaphore, #tpu.memory_space<semaphore_mem>>) src(%dma_wait3A_80 : memref<128xi32, #tpu.memory_space<hbm>>) dst(%dma_wait3A_79 : memref<128xi32, #tpu.memory_space<vmem>>)
    %iota3A = tpu.iota {dimensions = array<i32: 0>} : vector<16xi32>
    %broadcast_in_dim3A = arith.constant 0 : i32
    %broadcast_in_dim3A_81 = vector.broadcast %broadcast_in_dim3A : i32 to vector<16xi32>
    %broadcast_in_dim3A_82 = arith.constant 5.500000e-02 : f32
    %broadcast_in_dim3A_83 = vector.broadcast %broadcast_in_dim3A_82 : f32 to vector<16xf32>
    %broadcast_in_dim3A_84 = arith.constant 6.500000e-02 : f32
    %broadcast_in_dim3A_85 = vector.broadcast %broadcast_in_dim3A_84 : f32 to vector<16xf32>
    %add3A_86 = arith.constant 0 : i32
    %add3A_87 = vector.broadcast %add3A_86 : i32 to vector<16xi32>
    %add3A_88 = arith.addi %broadcast_in_dim3A_81, %add3A_87 : vector<16xi32>
    %rem3A = arith.constant 0 : i32
    %rem3A_89 = arith.constant 8 : i32
    %rem3A_90 = arith.remsi %rem3A, %rem3A_89 : i32
    %mul3A_91 = arith.constant 16 : i32
    %mul3A_92 = arith.muli %rem3A_90, %mul3A_91 : i32
    %add3A_93 = vector.broadcast %mul3A_92 : i32 to vector<16xi32>
    %add3A_94 = arith.addi %iota3A, %add3A_93 : vector<16xi32>
    %gather3A = tpu.vector_load_idx %arg5[%add3A_88, %add3A_94] : memref<4x128xi32, #tpu.memory_space<vmem>>[vector<16xi32>, vector<16xi32>], vector<16xi32>,
    %slice3A = vector.extract_strided_slice %gather3A {offsets = [0], sizes = [1], strides = [1]} : vector<16xi32> to vector<1xi32>
    %squeeze3A = vector.extract %slice3A[0] : i32 from vector<1xi32>
    %jit3A = arith.constant 128 : i32
    %div3A = arith.divsi %squeeze3A, %jit3A : i32
    %sign3A = arith.constant 0 : i32
    %sign3A_95 = arith.cmpi sgt, %squeeze3A, %sign3A : i32
    %sign3A_96 = arith.extui %sign3A_95 : i1 to i32
    %sign3A_97 = arith.constant 0 : i32
    %sign3A_98 = arith.cmpi slt, %squeeze3A, %sign3A_97 : i32
    %sign3A_99 = arith.extui %sign3A_98 : i1 to i32
    %sign3A_100 = arith.subi %sign3A_96, %sign3A_99 : i32
    %sign3A_101 = arith.constant 0 : i32
    %sign3A_102 = arith.cmpi sgt, %jit3A, %sign3A_101 : i32
    %sign3A_103 = arith.extui %sign3A_102 : i1 to i32
    %sign3A_104 = arith.constant 0 : i32
    %sign3A_105 = arith.cmpi slt, %jit3A, %sign3A_104 : i32
    %sign3A_106 = arith.extui %sign3A_105 : i1 to i32
    %sign3A_107 = arith.subi %sign3A_103, %sign3A_106 : i32
    %ne3A = arith.cmpi ne, %sign3A_100, %sign3A_107 : i32
    %rem3A_108 = arith.remsi %squeeze3A, %jit3A : i32
    %ne3A_109 = arith.constant 0 : i32
    %ne3A_110 = arith.cmpi ne, %rem3A_108, %ne3A_109 : i32
    %and3A = arith.andi %ne3A, %ne3A_110 : i1
    %sub3A = arith.constant 1 : i32
    %sub3A_111 = arith.subi %div3A, %sub3A : i32
    %select_n3A = arith.select %and3A, %sub3A_111, %div3A : i32
    %mul3A_112 = arith.constant 128 : i32
    %mul3A_113 = arith.muli %select_n3A, %mul3A_112 : i32
    %multiple_of3A_114 = tpu.assume_multiple %mul3A_113, 128 : i32
    %dma_start3A_115 = arith.constant 0 : i32
    %dma_start3A_116 = arith.constant 0 : i32
    %dma_start3A_117 = tpu.memref_slice %arg6[%dma_start3A_115, %dma_start3A_116] : memref<576x128xf32, #tpu.memory_space<vmem>> -> memref<18x128xf32, #tpu.memory_space<vmem>>
    %dma_start3A_118 = arith.constant 0 : i32
    %dma_start3A_119 = tpu.memref_slice %arg3[%dma_start3A_118, %multiple_of3A_114] : memref<18x1000000xf32, #tpu.memory_space<hbm>> -> memref<18x128xf32, #tpu.memory_space<hbm>>
    %dma_start3A_120 = arith.constant 0 : i32
    %dma_start3A_121 = arith.constant 0 : i32
    %dma_start3A_122 = tpu.memref_slice %arg6[%dma_start3A_120, %dma_start3A_121] : memref<576x128xf32, #tpu.memory_space<vmem>> -> memref<18x128xf32, #tpu.memory_space<vmem>>
    %dma_start3A_123 = arith.constant 0 : i32
    %dma_start3A_124 = tpu.memref_slice %arg3[%dma_start3A_123, %multiple_of3A_114] : memref<18x1000000xf32, #tpu.memory_space<hbm>> -> memref<18x128xf32, #tpu.memory_space<hbm>>
    tpu.enqueue_dma source(%dma_start3A_124 : memref<18x128xf32, #tpu.memory_space<hbm>>) target(%dma_start3A_122 : memref<18x128xf32, #tpu.memory_space<vmem>>) target_semaphore(%arg8 : memref<!tpu.dma_semaphore, #tpu.memory_space<semaphore_mem>>)
    %slice3A_125 = vector.extract_strided_slice %gather3A {offsets = [1], sizes = [1], strides = [1]} : vector<16xi32> to vector<1xi32>
    %squeeze3A_126 = vector.extract %slice3A_125[0] : i32 from vector<1xi32>
    %jit3A_127 = arith.constant 128 : i32
    %div3A_128 = arith.divsi %squeeze3A_126, %jit3A_127 : i32
    %sign3A_129 = arith.constant 0 : i32
    %sign3A_130 = arith.cmpi sgt, %squeeze3A_126, %sign3A_129 : i32
    %sign3A_131 = arith.extui %sign3A_130 : i1 to i32
    %sign3A_132 = arith.constant 0 : i32
    %sign3A_133 = arith.cmpi slt, %squeeze3A_126, %sign3A_132 : i32
    %sign3A_134 = arith.extui %sign3A_133 : i1 to i32
    %sign3A_135 = arith.subi %sign3A_131, %sign3A_134 : i32
    %sign3A_136 = arith.constant 0 : i32
    %sign3A_137 = arith.cmpi sgt, %jit3A_127, %sign3A_136 : i32
    %sign3A_138 = arith.extui %sign3A_137 : i1 to i32
    %sign3A_139 = arith.constant 0 : i32
    %sign3A_140 = arith.cmpi slt, %jit3A_127, %sign3A_139 : i32
    %sign3A_141 = arith.extui %sign3A_140 : i1 to i32
    %sign3A_142 = arith.subi %sign3A_138, %sign3A_141 : i32
    %ne3A_143 = arith.cmpi ne, %sign3A_135, %sign3A_142 : i32
    %rem3A_144 = arith.remsi %squeeze3A_126, %jit3A_127 : i32
    %ne3A_145 = arith.constant 0 : i32
    %ne3A_146 = arith.cmpi ne, %rem3A_144, %ne3A_145 : i32
    %and3A_147 = arith.andi %ne3A_143, %ne3A_146 : i1
    %sub3A_148 = arith.constant 1 : i32
    %sub3A_149 = arith.subi %div3A_128, %sub3A_148 : i32
    %select_n3A_150 = arith.select %and3A_147, %sub3A_149, %div3A_128 : i32
    %mul3A_151 = arith.constant 128 : i32
    %mul3A_152 = arith.muli %select_n3A_150, %mul3A_151 : i32
    %multiple_of3A_153 = tpu.assume_multiple %mul3A_152, 128 : i32
    %dma_start3A_154 = arith.constant 18 : i32
    %dma_start3A_155 = arith.constant 0 : i32
    %dma_start3A_156 = tpu.memref_slice %arg6[%dma_start3A_154, %dma_start3A_155] : memref<576x128xf32, #tpu.memory_space<vmem>> -> memref<18x128xf32, #tpu.memory_space<vmem>>
    %dma_start3A_157 = arith.constant 0 : i32
    %dma_start3A_158 = tpu.memref_slice %arg3[%dma_start3A_157, %multiple_of3A_153] : memref<18x1000000xf32, #tpu.memory_space<hbm>> -> memref<18x128xf32, #tpu.memory_space<hbm>>
    %dma_start3A_159 = arith.constant 18 : i32
    %dma_start3A_160 = arith.constant 0 : i32
    %dma_start3A_161 = tpu.memref_slice %arg6[%dma_start3A_159, %dma_start3A_160] : memref<576x128xf32, #tpu.memory_space<vmem>> -> memref<18x128xf32, #tpu.memory_space<vmem>>
    %dma_start3A_162 = arith.constant 0 : i32
    %dma_start3A_163 = tpu.memref_slice %arg3[%dma_start3A_162, %multiple_of3A_153] : memref<18x1000000xf32, #tpu.memory_space<hbm>> -> memref<18x128xf32, #tpu.memory_space<hbm>>
    tpu.enqueue_dma source(%dma_start3A_163 : memref<18x128xf32, #tpu.memory_space<hbm>>) target(%dma_start3A_161 : memref<18x128xf32, #tpu.memory_space<vmem>>) target_semaphore(%arg8 : memref<!tpu.dma_semaphore, #tpu.memory_space<semaphore_mem>>)
    %slice3A_164 = vector.extract_strided_slice %gather3A {offsets = [2], sizes = [1], strides = [1]} : vector<16xi32> to vector<1xi32>
    %squeeze3A_165 = vector.extract %slice3A_164[0] : i32 from vector<1xi32>
    %jit3A_166 = arith.constant 128 : i32
    %div3A_167 = arith.divsi %squeeze3A_165, %jit3A_166 : i32
    %sign3A_168 = arith.constant 0 : i32
    %sign3A_169 = arith.cmpi sgt, %squeeze3A_165, %sign3A_168 : i32
    %sign3A_170 = arith.extui %sign3A_169 : i1 to i32
    %sign3A_171 = arith.constant 0 : i32
    %sign3A_172 = arith.cmpi slt, %squeeze3A_165, %sign3A_171 : i32
    %sign3A_173 = arith.extui %sign3A_172 : i1 to i32
    %sign3A_174 = arith.subi %sign3A_170, %sign3A_173 : i32
    %sign3A_175 = arith.constant 0 : i32
    %sign3A_176 = arith.cmpi sgt, %jit3A_166, %sign3A_175 : i32
    %sign3A_177 = arith.extui %sign3A_176 : i1 to i32
    %sign3A_178 = arith.constant 0 : i32
    %sign3A_179 = arith.cmpi slt, %jit3A_166, %sign3A_178 : i32
    %sign3A_180 = arith.extui %sign3A_179 : i1 to i32
    %sign3A_181 = arith.subi %sign3A_177, %sign3A_180 : i32
    %ne3A_182 = arith.cmpi ne, %sign3A_174, %sign3A_181 : i32
    %rem3A_183 = arith.remsi %squeeze3A_165, %jit3A_166 : i32
    %ne3A_184 = arith.constant 0 : i32
    %ne3A_185 = arith.cmpi ne, %rem3A_183, %ne3A_184 : i32
    %and3A_186 = arith.andi %ne3A_182, %ne3A_185 : i1
    %sub3A_187 = arith.constant 1 : i32
    %sub3A_188 = arith.subi %div3A_167, %sub3A_187 : i32
    %select_n3A_189 = arith.select %and3A_186, %sub3A_188, %div3A_167 : i32
    %mul3A_190 = arith.constant 128 : i32
    %mul3A_191 = arith.muli %select_n3A_189, %mul3A_190 : i32
    %multiple_of3A_192 = tpu.assume_multiple %mul3A_191, 128 : i32
    %dma_start3A_193 = arith.constant 36 : i32
    %dma_start3A_194 = arith.constant 0 : i32
    %dma_start3A_195 = tpu.memref_slice %arg6[%dma_start3A_193, %dma_start3A_194] : memref<576x128xf32, #tpu.memory_space<vmem>> -> memref<18x128xf32, #tpu.memory_space<vmem>>
    %dma_start3A_196 = arith.constant 0 : i32
    %dma_start3A_197 = tpu.memref_slice %arg3[%dma_start3A_196, %multiple_of3A_192] : memref<18x1000000xf32, #tpu.memory_space<hbm>> -> memref<18x128xf32, #tpu.memory_space<hbm>>
    %dma_start3A_198 = arith.constant 36 : i32
    %dma_start3A_199 = arith.constant 0 : i32
    %dma_start3A_200 = tpu.memref_slice %arg6[%dma_start3A_198, %dma_start3A_199] : memref<576x128xf32, #tpu.memory_space<vmem>> -> memref<18x128xf32, #tpu.memory_space<vmem>>
    %dma_start3A_201 = arith.constant 0 : i32
    %dma_start3A_202 = tpu.memref_slice %arg3[%dma_start3A_201, %multiple_of3A_192] : memref<18x1000000xf32, #tpu.memory_space<hbm>> -> memref<18x128xf32, #tpu.memory_space<hbm>>
    tpu.enqueue_dma source(%dma_start3A_202 : memref<18x128xf32, #tpu.memory_space<hbm>>) target(%dma_start3A_200 : memref<18x128xf32, #tpu.memory_space<vmem>>) target_semaphore(%arg8 : memref<!tpu.dma_semaphore, #tpu.memory_space<semaphore_mem>>)
    %slice3A_203 = vector.extract_strided_slice %gather3A {offsets = [3], sizes = [1], strides = [1]} : vector<16xi32> to vector<1xi32>
    %squeeze3A_204 = vector.extract %slice3A_203[0] : i32 from vector<1xi32>
    %jit3A_205 = arith.constant 128 : i32
    %div3A_206 = arith.divsi %squeeze3A_204, %jit3A_205 : i32
    %sign3A_207 = arith.constant 0 : i32
    %sign3A_208 = arith.cmpi sgt, %squeeze3A_204, %sign3A_207 : i32
    %sign3A_209 = arith.extui %sign3A_208 : i1 to i32
    %sign3A_210 = arith.constant 0 : i32
    %sign3A_211 = arith.cmpi slt, %squeeze3A_204, %sign3A_210 : i32
    %sign3A_212 = arith.extui %sign3A_211 : i1 to i32
    %sign3A_213 = arith.subi %sign3A_209, %sign3A_212 : i32
    %sign3A_214 = arith.constant 0 : i32
    %sign3A_215 = arith.cmpi sgt, %jit3A_205, %sign3A_214 : i32
    %sign3A_216 = arith.extui %sign3A_215 : i1 to i32
    %sign3A_217 = arith.constant 0 : i32
    %sign3A_218 = arith.cmpi slt, %jit3A_205, %sign3A_217 : i32
    %sign3A_219 = arith.extui %sign3A_218 : i1 to i32
    %sign3A_220 = arith.subi %sign3A_216, %sign3A_219 : i32
    %ne3A_221 = arith.cmpi ne, %sign3A_213, %sign3A_220 : i32
    %rem3A_222 = arith.remsi %squeeze3A_204, %jit3A_205 : i32
    %ne3A_223 = arith.constant 0 : i32
    %ne3A_224 = arith.cmpi ne, %rem3A_222, %ne3A_223 : i32
    %and3A_225 = arith.andi %ne3A_221, %ne3A_224 : i1
    %sub3A_226 = arith.constant 1 : i32
    %sub3A_227 = arith.subi %div3A_206, %sub3A_226 : i32
    %select_n3A_228 = arith.select %and3A_225, %sub3A_227, %div3A_206 : i32
    %mul3A_229 = arith.constant 128 : i32
    %mul3A_230 = arith.muli %select_n3A_228, %mul3A_229 : i32
    %multiple_of3A_231 = tpu.assume_multiple %mul3A_230, 128 : i32
    %dma_start3A_232 = arith.constant 54 : i32
    %dma_start3A_233 = arith.constant 0 : i32
    %dma_start3A_234 = tpu.memref_slice %arg6[%dma_start3A_232, %dma_start3A_233] : memref<576x128xf32, #tpu.memory_space<vmem>> -> memref<18x128xf32, #tpu.memory_space<vmem>>
    %dma_start3A_235 = arith.constant 0 : i32
    %dma_start3A_236 = tpu.memref_slice %arg3[%dma_start3A_235, %multiple_of3A_231] : memref<18x1000000xf32, #tpu.memory_space<hbm>> -> memref<18x128xf32, #tpu.memory_space<hbm>>
    %dma_start3A_237 = arith.constant 54 : i32
    %dma_start3A_238 = arith.constant 0 : i32
    %dma_start3A_239 = tpu.memref_slice %arg6[%dma_start3A_237, %dma_start3A_238] : memref<576x128xf32, #tpu.memory_space<vmem>> -> memref<18x128xf32, #tpu.memory_space<vmem>>
    %dma_start3A_240 = arith.constant 0 : i32
    %dma_start3A_241 = tpu.memref_slice %arg3[%dma_start3A_240, %multiple_of3A_231] : memref<18x1000000xf32, #tpu.memory_space<hbm>> -> memref<18x128xf32, #tpu.memory_space<hbm>>
    tpu.enqueue_dma source(%dma_start3A_241 : memref<18x128xf32, #tpu.memory_space<hbm>>) target(%dma_start3A_239 : memref<18x128xf32, #tpu.memory_space<vmem>>) target_semaphore(%arg8 : memref<!tpu.dma_semaphore, #tpu.memory_space<semaphore_mem>>)
    %slice3A_242 = vector.extract_strided_slice %gather3A {offsets = [4], sizes = [1], strides = [1]} : vector<16xi32> to vector<1xi32>
    %squeeze3A_243 = vector.extract %slice3A_242[0] : i32 from vector<1xi32>
    %jit3A_244 = arith.constant 128 : i32
    %div3A_245 = arith.divsi %squeeze3A_243, %jit3A_244 : i32
    %sign3A_246 = arith.constant 0 : i32
    %sign3A_247 = arith.cmpi sgt, %squeeze3A_243, %sign3A_246 : i32
    %sign3A_248 = arith.extui %sign3A_247 : i1 to i32
    %sign3A_249 = arith.constant 0 : i32
    %sign3A_250 = arith.cmpi slt, %squeeze3A_243, %sign3A_249 : i32
    %sign3A_251 = arith.extui %sign3A_250 : i1 to i32
    %sign3A_252 = arith.subi %sign3A_248, %sign3A_251 : i32
    %sign3A_253 = arith.constant 0 : i32
    %sign3A_254 = arith.cmpi sgt, %jit3A_244, %sign3A_253 : i32
    %sign3A_255 = arith.extui %sign3A_254 : i1 to i32
    %sign3A_256 = arith.constant 0 : i32
    %sign3A_257 = arith.cmpi slt, %jit3A_244, %sign3A_256 : i32
    %sign3A_258 = arith.extui %sign3A_257 : i1 to i32
    %sign3A_259 = arith.subi %sign3A_255, %sign3A_258 : i32
    %ne3A_260 = arith.cmpi ne, %sign3A_252, %sign3A_259 : i32
    %rem3A_261 = arith.remsi %squeeze3A_243, %jit3A_244 : i32
    %ne3A_262 = arith.constant 0 : i32
    %ne3A_263 = arith.cmpi ne, %rem3A_261, %ne3A_262 : i32
    %and3A_264 = arith.andi %ne3A_260, %ne3A_263 : i1
    %sub3A_265 = arith.constant 1 : i32
    %sub3A_266 = arith.subi %div3A_245, %sub3A_265 : i32
    %select_n3A_267 = arith.select %and3A_264, %sub3A_266, %div3A_245 : i32
    %mul3A_268 = arith.constant 128 : i32
    %mul3A_269 = arith.muli %select_n3A_267, %mul3A_268 : i32
    %multiple_of3A_270 = tpu.assume_multiple %mul3A_269, 128 : i32
    %dma_start3A_271 = arith.constant 72 : i32
    %dma_start3A_272 = arith.constant 0 : i32
    %dma_start3A_273 = tpu.memref_slice %arg6[%dma_start3A_271, %dma_start3A_272] : memref<576x128xf32, #tpu.memory_space<vmem>> -> memref<18x128xf32, #tpu.memory_space<vmem>>
    %dma_start3A_274 = arith.constant 0 : i32
    %dma_start3A_275 = tpu.memref_slice %arg3[%dma_start3A_274, %multiple_of3A_270] : memref<18x1000000xf32, #tpu.memory_space<hbm>> -> memref<18x128xf32, #tpu.memory_space<hbm>>
    %dma_start3A_276 = arith.constant 72 : i32
    %dma_start3A_277 = arith.constant 0 : i32
    %dma_start3A_278 = tpu.memref_slice %arg6[%dma_start3A_276, %dma_start3A_277] : memref<576x128xf32, #tpu.memory_space<vmem>> -> memref<18x128xf32, #tpu.memory_space<vmem>>
    %dma_start3A_279 = arith.constant 0 : i32
    %dma_start3A_280 = tpu.memref_slice %arg3[%dma_start3A_279, %multiple_of3A_270] : memref<18x1000000xf32, #tpu.memory_space<hbm>> -> memref<18x128xf32, #tpu.memory_space<hbm>>
    tpu.enqueue_dma source(%dma_start3A_280 : memref<18x128xf32, #tpu.memory_space<hbm>>) target(%dma_start3A_278 : memref<18x128xf32, #tpu.memory_space<vmem>>) target_semaphore(%arg8 : memref<!tpu.dma_semaphore, #tpu.memory_space<semaphore_mem>>)
    %slice3A_281 = vector.extract_strided_slice %gather3A {offsets = [5], sizes = [1], strides = [1]} : vector<16xi32> to vector<1xi32>
    %squeeze3A_282 = vector.extract %slice3A_281[0] : i32 from vector<1xi32>
    %jit3A_283 = arith.constant 128 : i32
    %div3A_284 = arith.divsi %squeeze3A_282, %jit3A_283 : i32
    %sign3A_285 = arith.constant 0 : i32
    %sign3A_286 = arith.cmpi sgt, %squeeze3A_282, %sign3A_285 : i32
    %sign3A_287 = arith.extui %sign3A_286 : i1 to i32
    %sign3A_288 = arith.constant 0 : i32
    %sign3A_289 = arith.cmpi slt, %squeeze3A_282, %sign3A_288 : i32
    %sign3A_290 = arith.extui %sign3A_289 : i1 to i32
    %sign3A_291 = arith.subi %sign3A_287, %sign3A_290 : i32
    %sign3A_292 = arith.constant 0 : i32
    %sign3A_293 = arith.cmpi sgt, %jit3A_283, %sign3A_292 : i32
    %sign3A_294 = arith.extui %sign3A_293 : i1 to i32
    %sign3A_295 = arith.constant 0 : i32
    %sign3A_296 = arith.cmpi slt, %jit3A_283, %sign3A_295 : i32
    %sign3A_297 = arith.extui %sign3A_296 : i1 to i32
    %sign3A_298 = arith.subi %sign3A_294, %sign3A_297 : i32
    %ne3A_299 = arith.cmpi ne, %sign3A_291, %sign3A_298 : i32
    %rem3A_300 = arith.remsi %squeeze3A_282, %jit3A_283 : i32
    %ne3A_301 = arith.constant 0 : i32
    %ne3A_302 = arith.cmpi ne, %rem3A_300, %ne3A_301 : i32
    %and3A_303 = arith.andi %ne3A_299, %ne3A_302 : i1
    %sub3A_304 = arith.constant 1 : i32
    %sub3A_305 = arith.subi %div3A_284, %sub3A_304 : i32
    %select_n3A_306 = arith.select %and3A_303, %sub3A_305, %div3A_284 : i32
    %mul3A_307 = arith.constant 128 : i32
    %mul3A_308 = arith.muli %select_n3A_306, %mul3A_307 : i32
    %multiple_of3A_309 = tpu.assume_multiple %mul3A_308, 128 : i32
    %dma_start3A_310 = arith.constant 90 : i32
    %dma_start3A_311 = arith.constant 0 : i32
    %dma_start3A_312 = tpu.memref_slice %arg6[%dma_start3A_310, %dma_start3A_311] : memref<576x128xf32, #tpu.memory_space<vmem>> -> memref<18x128xf32, #tpu.memory_space<vmem>>
    %dma_start3A_313 = arith.constant 0 : i32
    %dma_start3A_314 = tpu.memref_slice %arg3[%dma_start3A_313, %multiple_of3A_309] : memref<18x1000000xf32, #tpu.memory_space<hbm>> -> memref<18x128xf32, #tpu.memory_space<hbm>>
    %dma_start3A_315 = arith.constant 90 : i32
    %dma_start3A_316 = arith.constant 0 : i32
    %dma_start3A_317 = tpu.memref_slice %arg6[%dma_start3A_315, %dma_start3A_316] : memref<576x128xf32, #tpu.memory_space<vmem>> -> memref<18x128xf32, #tpu.memory_space<vmem>>
    %dma_start3A_318 = arith.constant 0 : i32
    %dma_start3A_319 = tpu.memref_slice %arg3[%dma_start3A_318, %multiple_of3A_309] : memref<18x1000000xf32, #tpu.memory_space<hbm>> -> memref<18x128xf32, #tpu.memory_space<hbm>>
    tpu.enqueue_dma source(%dma_start3A_319 : memref<18x128xf32, #tpu.memory_space<hbm>>) target(%dma_start3A_317 : memref<18x128xf32, #tpu.memory_space<vmem>>) target_semaphore(%arg8 : memref<!tpu.dma_semaphore, #tpu.memory_space<semaphore_mem>>)
    %slice3A_320 = vector.extract_strided_slice %gather3A {offsets = [6], sizes = [1], strides = [1]} : vector<16xi32> to vector<1xi32>
    %squeeze3A_321 = vector.extract %slice3A_320[0] : i32 from vector<1xi32>
    %jit3A_322 = arith.constant 128 : i32
    %div3A_323 = arith.divsi %squeeze3A_321, %jit3A_322 : i32
    %sign3A_324 = arith.constant 0 : i32
    %sign3A_325 = arith.cmpi sgt, %squeeze3A_321, %sign3A_324 : i32
    %sign3A_326 = arith.extui %sign3A_325 : i1 to i32
    %sign3A_327 = arith.constant 0 : i32
    %sign3A_328 = arith.cmpi slt, %squeeze3A_321, %sign3A_327 : i32
    %sign3A_329 = arith.extui %sign3A_328 : i1 to i32
    %sign3A_330 = arith.subi %sign3A_326, %sign3A_329 : i32
    %sign3A_331 = arith.constant 0 : i32
    %sign3A_332 = arith.cmpi sgt, %jit3A_322, %sign3A_331 : i32
    %sign3A_333 = arith.extui %sign3A_332 : i1 to i32
    %sign3A_334 = arith.constant 0 : i32
    %sign3A_335 = arith.cmpi slt, %jit3A_322, %sign3A_334 : i32
    %sign3A_336 = arith.extui %sign3A_335 : i1 to i32
    %sign3A_337 = arith.subi %sign3A_333, %sign3A_336 : i32
    %ne3A_338 = arith.cmpi ne, %sign3A_330, %sign3A_337 : i32
    %rem3A_339 = arith.remsi %squeeze3A_321, %jit3A_322 : i32
    %ne3A_340 = arith.constant 0 : i32
    %ne3A_341 = arith.cmpi ne, %rem3A_339, %ne3A_340 : i32
    %and3A_342 = arith.andi %ne3A_338, %ne3A_341 : i1
    %sub3A_343 = arith.constant 1 : i32
    %sub3A_344 = arith.subi %div3A_323, %sub3A_343 : i32
    %select_n3A_345 = arith.select %and3A_342, %sub3A_344, %div3A_323 : i32
    %mul3A_346 = arith.constant 128 : i32
    %mul3A_347 = arith.muli %select_n3A_345, %mul3A_346 : i32
    %multiple_of3A_348 = tpu.assume_multiple %mul3A_347, 128 : i32
    %dma_start3A_349 = arith.constant 108 : i32
    %dma_start3A_350 = arith.constant 0 : i32
    %dma_start3A_351 = tpu.memref_slice %arg6[%dma_start3A_349, %dma_start3A_350] : memref<576x128xf32, #tpu.memory_space<vmem>> -> memref<18x128xf32, #tpu.memory_space<vmem>>
    %dma_start3A_352 = arith.constant 0 : i32
    %dma_start3A_353 = tpu.memref_slice %arg3[%dma_start3A_352, %multiple_of3A_348] : memref<18x1000000xf32, #tpu.memory_space<hbm>> -> memref<18x128xf32, #tpu.memory_space<hbm>>
    %dma_start3A_354 = arith.constant 108 : i32
    %dma_start3A_355 = arith.constant 0 : i32
    %dma_start3A_356 = tpu.memref_slice %arg6[%dma_start3A_354, %dma_start3A_355] : memref<576x128xf32, #tpu.memory_space<vmem>> -> memref<18x128xf32, #tpu.memory_space<vmem>>
    %dma_start3A_357 = arith.constant 0 : i32
    %dma_start3A_358 = tpu.memref_slice %arg3[%dma_start3A_357, %multiple_of3A_348] : memref<18x1000000xf32, #tpu.memory_space<hbm>> -> memref<18x128xf32, #tpu.memory_space<hbm>>
    tpu.enqueue_dma source(%dma_start3A_358 : memref<18x128xf32, #tpu.memory_space<hbm>>) target(%dma_start3A_356 : memref<18x128xf32, #tpu.memory_space<vmem>>) target_semaphore(%arg8 : memref<!tpu.dma_semaphore, #tpu.memory_space<semaphore_mem>>)
    %slice3A_359 = vector.extract_strided_slice %gather3A {offsets = [7], sizes = [1], strides = [1]} : vector<16xi32> to vector<1xi32>
    %squeeze3A_360 = vector.extract %slice3A_359[0] : i32 from vector<1xi32>
    %jit3A_361 = arith.constant 128 : i32
    %div3A_362 = arith.divsi %squeeze3A_360, %jit3A_361 : i32
    %sign3A_363 = arith.constant 0 : i32
    %sign3A_364 = arith.cmpi sgt, %squeeze3A_360, %sign3A_363 : i32
    %sign3A_365 = arith.extui %sign3A_364 : i1 to i32
    %sign3A_366 = arith.constant 0 : i32
    %sign3A_367 = arith.cmpi slt, %squeeze3A_360, %sign3A_366 : i32
    %sign3A_368 = arith.extui %sign3A_367 : i1 to i32
    %sign3A_369 = arith.subi %sign3A_365, %sign3A_368 : i32
    %sign3A_370 = arith.constant 0 : i32
    %sign3A_371 = arith.cmpi sgt, %jit3A_361, %sign3A_370 : i32
    %sign3A_372 = arith.extui %sign3A_371 : i1 to i32
    %sign3A_373 = arith.constant 0 : i32
    %sign3A_374 = arith.cmpi slt, %jit3A_361, %sign3A_373 : i32
    %sign3A_375 = arith.extui %sign3A_374 : i1 to i32
    %sign3A_376 = arith.subi %sign3A_372, %sign3A_375 : i32
    %ne3A_377 = arith.cmpi ne, %sign3A_369, %sign3A_376 : i32
    %rem3A_378 = arith.remsi %squeeze3A_360, %jit3A_361 : i32
    %ne3A_379 = arith.constant 0 : i32
    %ne3A_380 = arith.cmpi ne, %rem3A_378, %ne3A_379 : i32
    %and3A_381 = arith.andi %ne3A_377, %ne3A_380 : i1
    %sub3A_382 = arith.constant 1 : i32
    %sub3A_383 = arith.subi %div3A_362, %sub3A_382 : i32
    %select_n3A_384 = arith.select %and3A_381, %sub3A_383, %div3A_362 : i32
    %mul3A_385 = arith.constant 128 : i32
    %mul3A_386 = arith.muli %select_n3A_384, %mul3A_385 : i32
    %multiple_of3A_387 = tpu.assume_multiple %mul3A_386, 128 : i32
    %dma_start3A_388 = arith.constant 126 : i32
    %dma_start3A_389 = arith.constant 0 : i32
    %dma_start3A_390 = tpu.memref_slice %arg6[%dma_start3A_388, %dma_start3A_389] : memref<576x128xf32, #tpu.memory_space<vmem>> -> memref<18x128xf32, #tpu.memory_space<vmem>>
    %dma_start3A_391 = arith.constant 0 : i32
    %dma_start3A_392 = tpu.memref_slice %arg3[%dma_start3A_391, %multiple_of3A_387] : memref<18x1000000xf32, #tpu.memory_space<hbm>> -> memref<18x128xf32, #tpu.memory_space<hbm>>
    %dma_start3A_393 = arith.constant 126 : i32
    %dma_start3A_394 = arith.constant 0 : i32
    %dma_start3A_395 = tpu.memref_slice %arg6[%dma_start3A_393, %dma_start3A_394] : memref<576x128xf32, #tpu.memory_space<vmem>> -> memref<18x128xf32, #tpu.memory_space<vmem>>
    %dma_start3A_396 = arith.constant 0 : i32
    %dma_start3A_397 = tpu.memref_slice %arg3[%dma_start3A_396, %multiple_of3A_387] : memref<18x1000000xf32, #tpu.memory_space<hbm>> -> memref<18x128xf32, #tpu.memory_space<hbm>>
    tpu.enqueue_dma source(%dma_start3A_397 : memref<18x128xf32, #tpu.memory_space<hbm>>) target(%dma_start3A_395 : memref<18x128xf32, #tpu.memory_space<vmem>>) target_semaphore(%arg8 : memref<!tpu.dma_semaphore, #tpu.memory_space<semaphore_mem>>)
    %slice3A_398 = vector.extract_strided_slice %gather3A {offsets = [8], sizes = [1], strides = [1]} : vector<16xi32> to vector<1xi32>
    %squeeze3A_399 = vector.extract %slice3A_398[0] : i32 from vector<1xi32>
    %jit3A_400 = arith.constant 128 : i32
    %div3A_401 = arith.divsi %squeeze3A_399, %jit3A_400 : i32
    %sign3A_402 = arith.constant 0 : i32
    %sign3A_403 = arith.cmpi sgt, %squeeze3A_399, %sign3A_402 : i32
    %sign3A_404 = arith.extui %sign3A_403 : i1 to i32
    %sign3A_405 = arith.constant 0 : i32
    %sign3A_406 = arith.cmpi slt, %squeeze3A_399, %sign3A_405 : i32
    %sign3A_407 = arith.extui %sign3A_406 : i1 to i32
    %sign3A_408 = arith.subi %sign3A_404, %sign3A_407 : i32
    %sign3A_409 = arith.constant 0 : i32
    %sign3A_410 = arith.cmpi sgt, %jit3A_400, %sign3A_409 : i32
    %sign3A_411 = arith.extui %sign3A_410 : i1 to i32
    %sign3A_412 = arith.constant 0 : i32
    %sign3A_413 = arith.cmpi slt, %jit3A_400, %sign3A_412 : i32
    %sign3A_414 = arith.extui %sign3A_413 : i1 to i32
    %sign3A_415 = arith.subi %sign3A_411, %sign3A_414 : i32
    %ne3A_416 = arith.cmpi ne, %sign3A_408, %sign3A_415 : i32
    %rem3A_417 = arith.remsi %squeeze3A_399, %jit3A_400 : i32
    %ne3A_418 = arith.constant 0 : i32
    %ne3A_419 = arith.cmpi ne, %rem3A_417, %ne3A_418 : i32
    %and3A_420 = arith.andi %ne3A_416, %ne3A_419 : i1
    %sub3A_421 = arith.constant 1 : i32
    %sub3A_422 = arith.subi %div3A_401, %sub3A_421 : i32
    %select_n3A_423 = arith.select %and3A_420, %sub3A_422, %div3A_401 : i32
    %mul3A_424 = arith.constant 128 : i32
    %mul3A_425 = arith.muli %select_n3A_423, %mul3A_424 : i32
    %multiple_of3A_426 = tpu.assume_multiple %mul3A_425, 128 : i32
    %dma_start3A_427 = arith.constant 144 : i32
    %dma_start3A_428 = arith.constant 0 : i32
    %dma_start3A_429 = tpu.memref_slice %arg6[%dma_start3A_427, %dma_start3A_428] : memref<576x128xf32, #tpu.memory_space<vmem>> -> memref<18x128xf32, #tpu.memory_space<vmem>>
    %dma_start3A_430 = arith.constant 0 : i32
    %dma_start3A_431 = tpu.memref_slice %arg3[%dma_start3A_430, %multiple_of3A_426] : memref<18x1000000xf32, #tpu.memory_space<hbm>> -> memref<18x128xf32, #tpu.memory_space<hbm>>
    %dma_start3A_432 = arith.constant 144 : i32
    %dma_start3A_433 = arith.constant 0 : i32
    %dma_start3A_434 = tpu.memref_slice %arg6[%dma_start3A_432, %dma_start3A_433] : memref<576x128xf32, #tpu.memory_space<vmem>> -> memref<18x128xf32, #tpu.memory_space<vmem>>
    %dma_start3A_435 = arith.constant 0 : i32
    %dma_start3A_436 = tpu.memref_slice %arg3[%dma_start3A_435, %multiple_of3A_426] : memref<18x1000000xf32, #tpu.memory_space<hbm>> -> memref<18x128xf32, #tpu.memory_space<hbm>>
    tpu.enqueue_dma source(%dma_start3A_436 : memref<18x128xf32, #tpu.memory_space<hbm>>) target(%dma_start3A_434 : memref<18x128xf32, #tpu.memory_space<vmem>>) target_semaphore(%arg8 : memref<!tpu.dma_semaphore, #tpu.memory_space<semaphore_mem>>)
    %slice3A_437 = vector.extract_strided_slice %gather3A {offsets = [9], sizes = [1], strides = [1]} : vector<16xi32> to vector<1xi32>
    %squeeze3A_438 = vector.extract %slice3A_437[0] : i32 from vector<1xi32>
    %jit3A_439 = arith.constant 128 : i32
    %div3A_440 = arith.divsi %squeeze3A_438, %jit3A_439 : i32
    %sign3A_441 = arith.constant 0 : i32
    %sign3A_442 = arith.cmpi sgt, %squeeze3A_438, %sign3A_441 : i32
    %sign3A_443 = arith.extui %sign3A_442 : i1 to i32
    %sign3A_444 = arith.constant 0 : i32
    %sign3A_445 = arith.cmpi slt, %squeeze3A_438, %sign3A_444 : i32
    %sign3A_446 = arith.extui %sign3A_445 : i1 to i32
    %sign3A_447 = arith.subi %sign3A_443, %sign3A_446 : i32
    %sign3A_448 = arith.constant 0 : i32
    %sign3A_449 = arith.cmpi sgt, %jit3A_439, %sign3A_448 : i32
    %sign3A_450 = arith.extui %sign3A_449 : i1 to i32
    %sign3A_451 = arith.constant 0 : i32
    %sign3A_452 = arith.cmpi slt, %jit3A_439, %sign3A_451 : i32
    %sign3A_453 = arith.extui %sign3A_452 : i1 to i32
    %sign3A_454 = arith.subi %sign3A_450, %sign3A_453 : i32
    %ne3A_455 = arith.cmpi ne, %sign3A_447, %sign3A_454 : i32
    %rem3A_456 = arith.remsi %squeeze3A_438, %jit3A_439 : i32
    %ne3A_457 = arith.constant 0 : i32
    %ne3A_458 = arith.cmpi ne, %rem3A_456, %ne3A_457 : i32
    %and3A_459 = arith.andi %ne3A_455, %ne3A_458 : i1
    %sub3A_460 = arith.constant 1 : i32
    %sub3A_461 = arith.subi %div3A_440, %sub3A_460 : i32
    %select_n3A_462 = arith.select %and3A_459, %sub3A_461, %div3A_440 : i32
    %mul3A_463 = arith.constant 128 : i32
    %mul3A_464 = arith.muli %select_n3A_462, %mul3A_463 : i32
    %multiple_of3A_465 = tpu.assume_multiple %mul3A_464, 128 : i32
    %dma_start3A_466 = arith.constant 162 : i32
    %dma_start3A_467 = arith.constant 0 : i32
    %dma_start3A_468 = tpu.memref_slice %arg6[%dma_start3A_466, %dma_start3A_467] : memref<576x128xf32, #tpu.memory_space<vmem>> -> memref<18x128xf32, #tpu.memory_space<vmem>>
    %dma_start3A_469 = arith.constant 0 : i32
    %dma_start3A_470 = tpu.memref_slice %arg3[%dma_start3A_469, %multiple_of3A_465] : memref<18x1000000xf32, #tpu.memory_space<hbm>> -> memref<18x128xf32, #tpu.memory_space<hbm>>
    %dma_start3A_471 = arith.constant 162 : i32
    %dma_start3A_472 = arith.constant 0 : i32
    %dma_start3A_473 = tpu.memref_slice %arg6[%dma_start3A_471, %dma_start3A_472] : memref<576x128xf32, #tpu.memory_space<vmem>> -> memref<18x128xf32, #tpu.memory_space<vmem>>
    %dma_start3A_474 = arith.constant 0 : i32
    %dma_start3A_475 = tpu.memref_slice %arg3[%dma_start3A_474, %multiple_of3A_465] : memref<18x1000000xf32, #tpu.memory_space<hbm>> -> memref<18x128xf32, #tpu.memory_space<hbm>>
    tpu.enqueue_dma source(%dma_start3A_475 : memref<18x128xf32, #tpu.memory_space<hbm>>) target(%dma_start3A_473 : memref<18x128xf32, #tpu.memory_space<vmem>>) target_semaphore(%arg8 : memref<!tpu.dma_semaphore, #tpu.memory_space<semaphore_mem>>)
    %slice3A_476 = vector.extract_strided_slice %gather3A {offsets = [10], sizes = [1], strides = [1]} : vector<16xi32> to vector<1xi32>
    %squeeze3A_477 = vector.extract %slice3A_476[0] : i32 from vector<1xi32>
    %jit3A_478 = arith.constant 128 : i32
    %div3A_479 = arith.divsi %squeeze3A_477, %jit3A_478 : i32
    %sign3A_480 = arith.constant 0 : i32
    %sign3A_481 = arith.cmpi sgt, %squeeze3A_477, %sign3A_480 : i32
    %sign3A_482 = arith.extui %sign3A_481 : i1 to i32
    %sign3A_483 = arith.constant 0 : i32
    %sign3A_484 = arith.cmpi slt, %squeeze3A_477, %sign3A_483 : i32
    %sign3A_485 = arith.extui %sign3A_484 : i1 to i32
    %sign3A_486 = arith.subi %sign3A_482, %sign3A_485 : i32
    %sign3A_487 = arith.constant 0 : i32
    %sign3A_488 = arith.cmpi sgt, %jit3A_478, %sign3A_487 : i32
    %sign3A_489 = arith.extui %sign3A_488 : i1 to i32
    %sign3A_490 = arith.constant 0 : i32
    %sign3A_491 = arith.cmpi slt, %jit3A_478, %sign3A_490 : i32
    %sign3A_492 = arith.extui %sign3A_491 : i1 to i32
    %sign3A_493 = arith.subi %sign3A_489, %sign3A_492 : i32
    %ne3A_494 = arith.cmpi ne, %sign3A_486, %sign3A_493 : i32
    %rem3A_495 = arith.remsi %squeeze3A_477, %jit3A_478 : i32
    %ne3A_496 = arith.constant 0 : i32
    %ne3A_497 = arith.cmpi ne, %rem3A_495, %ne3A_496 : i32
    %and3A_498 = arith.andi %ne3A_494, %ne3A_497 : i1
    %sub3A_499 = arith.constant 1 : i32
    %sub3A_500 = arith.subi %div3A_479, %sub3A_499 : i32
    %select_n3A_501 = arith.select %and3A_498, %sub3A_500, %div3A_479 : i32
    %mul3A_502 = arith.constant 128 : i32
    %mul3A_503 = arith.muli %select_n3A_501, %mul3A_502 : i32
    %multiple_of3A_504 = tpu.assume_multiple %mul3A_503, 128 : i32
    %dma_start3A_505 = arith.constant 180 : i32
    %dma_start3A_506 = arith.constant 0 : i32
    %dma_start3A_507 = tpu.memref_slice %arg6[%dma_start3A_505, %dma_start3A_506] : memref<576x128xf32, #tpu.memory_space<vmem>> -> memref<18x128xf32, #tpu.memory_space<vmem>>
    %dma_start3A_508 = arith.constant 0 : i32
    %dma_start3A_509 = tpu.memref_slice %arg3[%dma_start3A_508, %multiple_of3A_504] : memref<18x1000000xf32, #tpu.memory_space<hbm>> -> memref<18x128xf32, #tpu.memory_space<hbm>>
    %dma_start3A_510 = arith.constant 180 : i32
    %dma_start3A_511 = arith.constant 0 : i32
    %dma_start3A_512 = tpu.memref_slice %arg6[%dma_start3A_510, %dma_start3A_511] : memref<576x128xf32, #tpu.memory_space<vmem>> -> memref<18x128xf32, #tpu.memory_space<vmem>>
    %dma_start3A_513 = arith.constant 0 : i32
    %dma_start3A_514 = tpu.memref_slice %arg3[%dma_start3A_513, %multiple_of3A_504] : memref<18x1000000xf32, #tpu.memory_space<hbm>> -> memref<18x128xf32, #tpu.memory_space<hbm>>
    tpu.enqueue_dma source(%dma_start3A_514 : memref<18x128xf32, #tpu.memory_space<hbm>>) target(%dma_start3A_512 : memref<18x128xf32, #tpu.memory_space<vmem>>) target_semaphore(%arg8 : memref<!tpu.dma_semaphore, #tpu.memory_space<semaphore_mem>>)
    %slice3A_515 = vector.extract_strided_slice %gather3A {offsets = [11], sizes = [1], strides = [1]} : vector<16xi32> to vector<1xi32>
    %squeeze3A_516 = vector.extract %slice3A_515[0] : i32 from vector<1xi32>
    %jit3A_517 = arith.constant 128 : i32
    %div3A_518 = arith.divsi %squeeze3A_516, %jit3A_517 : i32
    %sign3A_519 = arith.constant 0 : i32
    %sign3A_520 = arith.cmpi sgt, %squeeze3A_516, %sign3A_519 : i32
    %sign3A_521 = arith.extui %sign3A_520 : i1 to i32
    %sign3A_522 = arith.constant 0 : i32
    %sign3A_523 = arith.cmpi slt, %squeeze3A_516, %sign3A_522 : i32
    %sign3A_524 = arith.extui %sign3A_523 : i1 to i32
    %sign3A_525 = arith.subi %sign3A_521, %sign3A_524 : i32
    %sign3A_526 = arith.constant 0 : i32
    %sign3A_527 = arith.cmpi sgt, %jit3A_517, %sign3A_526 : i32
    %sign3A_528 = arith.extui %sign3A_527 : i1 to i32
    %sign3A_529 = arith.constant 0 : i32
    %sign3A_530 = arith.cmpi slt, %jit3A_517, %sign3A_529 : i32
    %sign3A_531 = arith.extui %sign3A_530 : i1 to i32
    %sign3A_532 = arith.subi %sign3A_528, %sign3A_531 : i32
    %ne3A_533 = arith.cmpi ne, %sign3A_525, %sign3A_532 : i32
    %rem3A_534 = arith.remsi %squeeze3A_516, %jit3A_517 : i32
    %ne3A_535 = arith.constant 0 : i32
    %ne3A_536 = arith.cmpi ne, %rem3A_534, %ne3A_535 : i32
    %and3A_537 = arith.andi %ne3A_533, %ne3A_536 : i1
    %sub3A_538 = arith.constant 1 : i32
    %sub3A_539 = arith.subi %div3A_518, %sub3A_538 : i32
    %select_n3A_540 = arith.select %and3A_537, %sub3A_539, %div3A_518 : i32
    %mul3A_541 = arith.constant 128 : i32
    %mul3A_542 = arith.muli %select_n3A_540, %mul3A_541 : i32
    %multiple_of3A_543 = tpu.assume_multiple %mul3A_542, 128 : i32
    %dma_start3A_544 = arith.constant 198 : i32
    %dma_start3A_545 = arith.constant 0 : i32
    %dma_start3A_546 = tpu.memref_slice %arg6[%dma_start3A_544, %dma_start3A_545] : memref<576x128xf32, #tpu.memory_space<vmem>> -> memref<18x128xf32, #tpu.memory_space<vmem>>
    %dma_start3A_547 = arith.constant 0 : i32
    %dma_start3A_548 = tpu.memref_slice %arg3[%dma_start3A_547, %multiple_of3A_543] : memref<18x1000000xf32, #tpu.memory_space<hbm>> -> memref<18x128xf32, #tpu.memory_space<hbm>>
    %dma_start3A_549 = arith.constant 198 : i32
    %dma_start3A_550 = arith.constant 0 : i32
    %dma_start3A_551 = tpu.memref_slice %arg6[%dma_start3A_549, %dma_start3A_550] : memref<576x128xf32, #tpu.memory_space<vmem>> -> memref<18x128xf32, #tpu.memory_space<vmem>>
    %dma_start3A_552 = arith.constant 0 : i32
    %dma_start3A_553 = tpu.memref_slice %arg3[%dma_start3A_552, %multiple_of3A_543] : memref<18x1000000xf32, #tpu.memory_space<hbm>> -> memref<18x128xf32, #tpu.memory_space<hbm>>
    tpu.enqueue_dma source(%dma_start3A_553 : memref<18x128xf32, #tpu.memory_space<hbm>>) target(%dma_start3A_551 : memref<18x128xf32, #tpu.memory_space<vmem>>) target_semaphore(%arg8 : memref<!tpu.dma_semaphore, #tpu.memory_space<semaphore_mem>>)
    %slice3A_554 = vector.extract_strided_slice %gather3A {offsets = [12], sizes = [1], strides = [1]} : vector<16xi32> to vector<1xi32>
    %squeeze3A_555 = vector.extract %slice3A_554[0] : i32 from vector<1xi32>
    %jit3A_556 = arith.constant 128 : i32
    %div3A_557 = arith.divsi %squeeze3A_555, %jit3A_556 : i32
    %sign3A_558 = arith.constant 0 : i32
    %sign3A_559 = arith.cmpi sgt, %squeeze3A_555, %sign3A_558 : i32
    %sign3A_560 = arith.extui %sign3A_559 : i1 to i32
    %sign3A_561 = arith.constant 0 : i32
    %sign3A_562 = arith.cmpi slt, %squeeze3A_555, %sign3A_561 : i32
    %sign3A_563 = arith.extui %sign3A_562 : i1 to i32
    %sign3A_564 = arith.subi %sign3A_560, %sign3A_563 : i32
    %sign3A_565 = arith.constant 0 : i32
    %sign3A_566 = arith.cmpi sgt, %jit3A_556, %sign3A_565 : i32
    %sign3A_567 = arith.extui %sign3A_566 : i1 to i32
    %sign3A_568 = arith.constant 0 : i32
    %sign3A_569 = arith.cmpi slt, %jit3A_556, %sign3A_568 : i32
    %sign3A_570 = arith.extui %sign3A_569 : i1 to i32
    %sign3A_571 = arith.subi %sign3A_567, %sign3A_570 : i32
    %ne3A_572 = arith.cmpi ne, %sign3A_564, %sign3A_571 : i32
    %rem3A_573 = arith.remsi %squeeze3A_555, %jit3A_556 : i32
    %ne3A_574 = arith.constant 0 : i32
    %ne3A_575 = arith.cmpi ne, %rem3A_573, %ne3A_574 : i32
    %and3A_576 = arith.andi %ne3A_572, %ne3A_575 : i1
    %sub3A_577 = arith.constant 1 : i32
    %sub3A_578 = arith.subi %div3A_557, %sub3A_577 : i32
    %select_n3A_579 = arith.select %and3A_576, %sub3A_578, %div3A_557 : i32
    %mul3A_580 = arith.constant 128 : i32
    %mul3A_581 = arith.muli %select_n3A_579, %mul3A_580 : i32
    %multiple_of3A_582 = tpu.assume_multiple %mul3A_581, 128 : i32
    %dma_start3A_583 = arith.constant 216 : i32
    %dma_start3A_584 = arith.constant 0 : i32
    %dma_start3A_585 = tpu.memref_slice %arg6[%dma_start3A_583, %dma_start3A_584] : memref<576x128xf32, #tpu.memory_space<vmem>> -> memref<18x128xf32, #tpu.memory_space<vmem>>
    %dma_start3A_586 = arith.constant 0 : i32
    %dma_start3A_587 = tpu.memref_slice %arg3[%dma_start3A_586, %multiple_of3A_582] : memref<18x1000000xf32, #tpu.memory_space<hbm>> -> memref<18x128xf32, #tpu.memory_space<hbm>>
    %dma_start3A_588 = arith.constant 216 : i32
    %dma_start3A_589 = arith.constant 0 : i32
    %dma_start3A_590 = tpu.memref_slice %arg6[%dma_start3A_588, %dma_start3A_589] : memref<576x128xf32, #tpu.memory_space<vmem>> -> memref<18x128xf32, #tpu.memory_space<vmem>>
    %dma_start3A_591 = arith.constant 0 : i32
    %dma_start3A_592 = tpu.memref_slice %arg3[%dma_start3A_591, %multiple_of3A_582] : memref<18x1000000xf32, #tpu.memory_space<hbm>> -> memref<18x128xf32, #tpu.memory_space<hbm>>
    tpu.enqueue_dma source(%dma_start3A_592 : memref<18x128xf32, #tpu.memory_space<hbm>>) target(%dma_start3A_590 : memref<18x128xf32, #tpu.memory_space<vmem>>) target_semaphore(%arg8 : memref<!tpu.dma_semaphore, #tpu.memory_space<semaphore_mem>>)
    %slice3A_593 = vector.extract_strided_slice %gather3A {offsets = [13], sizes = [1], strides = [1]} : vector<16xi32> to vector<1xi32>
    %squeeze3A_594 = vector.extract %slice3A_593[0] : i32 from vector<1xi32>
    %jit3A_595 = arith.constant 128 : i32
    %div3A_596 = arith.divsi %squeeze3A_594, %jit3A_595 : i32
    %sign3A_597 = arith.constant 0 : i32
    %sign3A_598 = arith.cmpi sgt, %squeeze3A_594, %sign3A_597 : i32
    %sign3A_599 = arith.extui %sign3A_598 : i1 to i32
    %sign3A_600 = arith.constant 0 : i32
    %sign3A_601 = arith.cmpi slt, %squeeze3A_594, %sign3A_600 : i32
    %sign3A_602 = arith.extui %sign3A_601 : i1 to i32
    %sign3A_603 = arith.subi %sign3A_599, %sign3A_602 : i32
    %sign3A_604 = arith.constant 0 : i32
    %sign3A_605 = arith.cmpi sgt, %jit3A_595, %sign3A_604 : i32
    %sign3A_606 = arith.extui %sign3A_605 : i1 to i32
    %sign3A_607 = arith.constant 0 : i32
    %sign3A_608 = arith.cmpi slt, %jit3A_595, %sign3A_607 : i32
    %sign3A_609 = arith.extui %sign3A_608 : i1 to i32
    %sign3A_610 = arith.subi %sign3A_606, %sign3A_609 : i32
    %ne3A_611 = arith.cmpi ne, %sign3A_603, %sign3A_610 : i32
    %rem3A_612 = arith.remsi %squeeze3A_594, %jit3A_595 : i32
    %ne3A_613 = arith.constant 0 : i32
    %ne3A_614 = arith.cmpi ne, %rem3A_612, %ne3A_613 : i32
    %and3A_615 = arith.andi %ne3A_611, %ne3A_614 : i1
    %sub3A_616 = arith.constant 1 : i32
    %sub3A_617 = arith.subi %div3A_596, %sub3A_616 : i32
    %select_n3A_618 = arith.select %and3A_615, %sub3A_617, %div3A_596 : i32
    %mul3A_619 = arith.constant 128 : i32
    %mul3A_620 = arith.muli %select_n3A_618, %mul3A_619 : i32
    %multiple_of3A_621 = tpu.assume_multiple %mul3A_620, 128 : i32
    %dma_start3A_622 = arith.constant 234 : i32
    %dma_start3A_623 = arith.constant 0 : i32
    %dma_start3A_624 = tpu.memref_slice %arg6[%dma_start3A_622, %dma_start3A_623] : memref<576x128xf32, #tpu.memory_space<vmem>> -> memref<18x128xf32, #tpu.memory_space<vmem>>
    %dma_start3A_625 = arith.constant 0 : i32
    %dma_start3A_626 = tpu.memref_slice %arg3[%dma_start3A_625, %multiple_of3A_621] : memref<18x1000000xf32, #tpu.memory_space<hbm>> -> memref<18x128xf32, #tpu.memory_space<hbm>>
    %dma_start3A_627 = arith.constant 234 : i32
    %dma_start3A_628 = arith.constant 0 : i32
    %dma_start3A_629 = tpu.memref_slice %arg6[%dma_start3A_627, %dma_start3A_628] : memref<576x128xf32, #tpu.memory_space<vmem>> -> memref<18x128xf32, #tpu.memory_space<vmem>>
    %dma_start3A_630 = arith.constant 0 : i32
    %dma_start3A_631 = tpu.memref_slice %arg3[%dma_start3A_630, %multiple_of3A_621] : memref<18x1000000xf32, #tpu.memory_space<hbm>> -> memref<18x128xf32, #tpu.memory_space<hbm>>
    tpu.enqueue_dma source(%dma_start3A_631 : memref<18x128xf32, #tpu.memory_space<hbm>>) target(%dma_start3A_629 : memref<18x128xf32, #tpu.memory_space<vmem>>) target_semaphore(%arg8 : memref<!tpu.dma_semaphore, #tpu.memory_space<semaphore_mem>>)
    %slice3A_632 = vector.extract_strided_slice %gather3A {offsets = [14], sizes = [1], strides = [1]} : vector<16xi32> to vector<1xi32>
    %squeeze3A_633 = vector.extract %slice3A_632[0] : i32 from vector<1xi32>
    %jit3A_634 = arith.constant 128 : i32
    %div3A_635 = arith.divsi %squeeze3A_633, %jit3A_634 : i32
    %sign3A_636 = arith.constant 0 : i32
    %sign3A_637 = arith.cmpi sgt, %squeeze3A_633, %sign3A_636 : i32
    %sign3A_638 = arith.extui %sign3A_637 : i1 to i32
    %sign3A_639 = arith.constant 0 : i32
    %sign3A_640 = arith.cmpi slt, %squeeze3A_633, %sign3A_639 : i32
    %sign3A_641 = arith.extui %sign3A_640 : i1 to i32
    %sign3A_642 = arith.subi %sign3A_638, %sign3A_641 : i32
    %sign3A_643 = arith.constant 0 : i32
    %sign3A_644 = arith.cmpi sgt, %jit3A_634, %sign3A_643 : i32
    %sign3A_645 = arith.extui %sign3A_644 : i1 to i32
    %sign3A_646 = arith.constant 0 : i32
    %sign3A_647 = arith.cmpi slt, %jit3A_634, %sign3A_646 : i32
    %sign3A_648 = arith.extui %sign3A_647 : i1 to i32
    %sign3A_649 = arith.subi %sign3A_645, %sign3A_648 : i32
    %ne3A_650 = arith.cmpi ne, %sign3A_642, %sign3A_649 : i32
    %rem3A_651 = arith.remsi %squeeze3A_633, %jit3A_634 : i32
    %ne3A_652 = arith.constant 0 : i32
    %ne3A_653 = arith.cmpi ne, %rem3A_651, %ne3A_652 : i32
    %and3A_654 = arith.andi %ne3A_650, %ne3A_653 : i1
    %sub3A_655 = arith.constant 1 : i32
    %sub3A_656 = arith.subi %div3A_635, %sub3A_655 : i32
    %select_n3A_657 = arith.select %and3A_654, %sub3A_656, %div3A_635 : i32
    %mul3A_658 = arith.constant 128 : i32
    %mul3A_659 = arith.muli %select_n3A_657, %mul3A_658 : i32
    %multiple_of3A_660 = tpu.assume_multiple %mul3A_659, 128 : i32
    %dma_start3A_661 = arith.constant 252 : i32
    %dma_start3A_662 = arith.constant 0 : i32
    %dma_start3A_663 = tpu.memref_slice %arg6[%dma_start3A_661, %dma_start3A_662] : memref<576x128xf32, #tpu.memory_space<vmem>> -> memref<18x128xf32, #tpu.memory_space<vmem>>
    %dma_start3A_664 = arith.constant 0 : i32
    %dma_start3A_665 = tpu.memref_slice %arg3[%dma_start3A_664, %multiple_of3A_660] : memref<18x1000000xf32, #tpu.memory_space<hbm>> -> memref<18x128xf32, #tpu.memory_space<hbm>>
    %dma_start3A_666 = arith.constant 252 : i32
    %dma_start3A_667 = arith.constant 0 : i32
    %dma_start3A_668 = tpu.memref_slice %arg6[%dma_start3A_666, %dma_start3A_667] : memref<576x128xf32, #tpu.memory_space<vmem>> -> memref<18x128xf32, #tpu.memory_space<vmem>>
    %dma_start3A_669 = arith.constant 0 : i32
    %dma_start3A_670 = tpu.memref_slice %arg3[%dma_start3A_669, %multiple_of3A_660] : memref<18x1000000xf32, #tpu.memory_space<hbm>> -> memref<18x128xf32, #tpu.memory_space<hbm>>
    tpu.enqueue_dma source(%dma_start3A_670 : memref<18x128xf32, #tpu.memory_space<hbm>>) target(%dma_start3A_668 : memref<18x128xf32, #tpu.memory_space<vmem>>) target_semaphore(%arg8 : memref<!tpu.dma_semaphore, #tpu.memory_space<semaphore_mem>>)
    %slice3A_671 = vector.extract_strided_slice %gather3A {offsets = [15], sizes = [1], strides = [1]} : vector<16xi32> to vector<1xi32>
    %squeeze3A_672 = vector.extract %slice3A_671[0] : i32 from vector<1xi32>
    %jit3A_673 = arith.constant 128 : i32
    %div3A_674 = arith.divsi %squeeze3A_672, %jit3A_673 : i32
    %sign3A_675 = arith.constant 0 : i32
    %sign3A_676 = arith.cmpi sgt, %squeeze3A_672, %sign3A_675 : i32
    %sign3A_677 = arith.extui %sign3A_676 : i1 to i32
    %sign3A_678 = arith.constant 0 : i32
    %sign3A_679 = arith.cmpi slt, %squeeze3A_672, %sign3A_678 : i32
    %sign3A_680 = arith.extui %sign3A_679 : i1 to i32
    %sign3A_681 = arith.subi %sign3A_677, %sign3A_680 : i32
    %sign3A_682 = arith.constant 0 : i32
    %sign3A_683 = arith.cmpi sgt, %jit3A_673, %sign3A_682 : i32
    %sign3A_684 = arith.extui %sign3A_683 : i1 to i32
    %sign3A_685 = arith.constant 0 : i32
    %sign3A_686 = arith.cmpi slt, %jit3A_673, %sign3A_685 : i32
    %sign3A_687 = arith.extui %sign3A_686 : i1 to i32
    %sign3A_688 = arith.subi %sign3A_684, %sign3A_687 : i32
    %ne3A_689 = arith.cmpi ne, %sign3A_681, %sign3A_688 : i32
    %rem3A_690 = arith.remsi %squeeze3A_672, %jit3A_673 : i32
    %ne3A_691 = arith.constant 0 : i32
    %ne3A_692 = arith.cmpi ne, %rem3A_690, %ne3A_691 : i32
    %and3A_693 = arith.andi %ne3A_689, %ne3A_692 : i1
    %sub3A_694 = arith.constant 1 : i32
    %sub3A_695 = arith.subi %div3A_674, %sub3A_694 : i32
    %select_n3A_696 = arith.select %and3A_693, %sub3A_695, %div3A_674 : i32
    %mul3A_697 = arith.constant 128 : i32
    %mul3A_698 = arith.muli %select_n3A_696, %mul3A_697 : i32
    %multiple_of3A_699 = tpu.assume_multiple %mul3A_698, 128 : i32
    %dma_start3A_700 = arith.constant 270 : i32
    %dma_start3A_701 = arith.constant 0 : i32
    %dma_start3A_702 = tpu.memref_slice %arg6[%dma_start3A_700, %dma_start3A_701] : memref<576x128xf32, #tpu.memory_space<vmem>> -> memref<18x128xf32, #tpu.memory_space<vmem>>
    %dma_start3A_703 = arith.constant 0 : i32
    %dma_start3A_704 = tpu.memref_slice %arg3[%dma_start3A_703, %multiple_of3A_699] : memref<18x1000000xf32, #tpu.memory_space<hbm>> -> memref<18x128xf32, #tpu.memory_space<hbm>>
    %dma_start3A_705 = arith.constant 270 : i32
    %dma_start3A_706 = arith.constant 0 : i32
    %dma_start3A_707 = tpu.memref_slice %arg6[%dma_start3A_705, %dma_start3A_706] : memref<576x128xf32, #tpu.memory_space<vmem>> -> memref<18x128xf32, #tpu.memory_space<vmem>>
    %dma_start3A_708 = arith.constant 0 : i32
    %dma_start3A_709 = tpu.memref_slice %arg3[%dma_start3A_708, %multiple_of3A_699] : memref<18x1000000xf32, #tpu.memory_space<hbm>> -> memref<18x128xf32, #tpu.memory_space<hbm>>
    tpu.enqueue_dma source(%dma_start3A_709 : memref<18x128xf32, #tpu.memory_space<hbm>>) target(%dma_start3A_707 : memref<18x128xf32, #tpu.memory_space<vmem>>) target_semaphore(%arg8 : memref<!tpu.dma_semaphore, #tpu.memory_space<semaphore_mem>>)
    %scan3A = arith.constant 0 : i32
    %scan3A_710 = arith.constant 0 : i32
    %scan3A_711 = arith.constant 16 : i32
    %scan3A_712 = arith.addi %scan3A_710, %scan3A_711 : i32
    %scan3A_713 = arith.constant 1 : i32
    scf.for %scan3A_715 = %scan3A_710 to %scan3A_712 step %scan3A_713  : i32 {
      %mul3A_716 = arith.constant 2 : i32
      %mul3A_717 = arith.muli %scan3A_715, %mul3A_716 : i32
      %add3A_718 = arith.constant 1 : i32
      %add3A_719 = arith.addi %mul3A_717, %add3A_718 : i32
      %jit3A_720 = arith.constant 8 : i32
      %div3A_721 = arith.divsi %add3A_719, %jit3A_720 : i32
      %sign3A_722 = arith.constant 0 : i32
      %sign3A_723 = arith.cmpi sgt, %add3A_719, %sign3A_722 : i32
      %sign3A_724 = arith.extui %sign3A_723 : i1 to i32
      %sign3A_725 = arith.constant 0 : i32
      %sign3A_726 = arith.cmpi slt, %add3A_719, %sign3A_725 : i32
      %sign3A_727 = arith.extui %sign3A_726 : i1 to i32
      %sign3A_728 = arith.subi %sign3A_724, %sign3A_727 : i32
      %sign3A_729 = arith.constant 0 : i32
      %sign3A_730 = arith.cmpi sgt, %jit3A_720, %sign3A_729 : i32
      %sign3A_731 = arith.extui %sign3A_730 : i1 to i32
      %sign3A_732 = arith.constant 0 : i32
      %sign3A_733 = arith.cmpi slt, %jit3A_720, %sign3A_732 : i32
      %sign3A_734 = arith.extui %sign3A_733 : i1 to i32
      %sign3A_735 = arith.subi %sign3A_731, %sign3A_734 : i32
      %ne3A_736 = arith.cmpi ne, %sign3A_728, %sign3A_735 : i32
      %rem3A_737 = arith.remsi %add3A_719, %jit3A_720 : i32
      %ne3A_738 = arith.constant 0 : i32
      %ne3A_739 = arith.cmpi ne, %rem3A_737, %ne3A_738 : i32
      %and3A_740 = arith.andi %ne3A_736, %ne3A_739 : i1
      %sub3A_741 = arith.constant 1 : i32
      %sub3A_742 = arith.subi %div3A_721, %sub3A_741 : i32
      %select_n3A_743 = arith.select %and3A_740, %sub3A_742, %div3A_721 : i32
      %add3A_744 = vector.broadcast %select_n3A_743 : i32 to vector<16xi32>
      %add3A_745 = arith.addi %broadcast_in_dim3A_81, %add3A_744 : vector<16xi32>
      %rem3A_746 = arith.constant 8 : i32
      %rem3A_747 = arith.remsi %add3A_719, %rem3A_746 : i32
      %mul3A_748 = arith.constant 16 : i32
      %mul3A_749 = arith.muli %rem3A_747, %mul3A_748 : i32
      %add3A_750 = vector.broadcast %mul3A_749 : i32 to vector<16xi32>
      %add3A_751 = arith.addi %iota3A, %add3A_750 : vector<16xi32>
      %gather3A_752 = tpu.vector_load_idx %arg5[%add3A_745, %add3A_751] : memref<4x128xi32, #tpu.memory_space<vmem>>[vector<16xi32>, vector<16xi32>], vector<16xi32>,
      %slice3A_753 = vector.extract_strided_slice %gather3A_752 {offsets = [0], sizes = [1], strides = [1]} : vector<16xi32> to vector<1xi32>
      %squeeze3A_754 = vector.extract %slice3A_753[0] : i32 from vector<1xi32>
      %jit3A_755 = arith.constant 128 : i32
      %div3A_756 = arith.divsi %squeeze3A_754, %jit3A_755 : i32
      %sign3A_757 = arith.constant 0 : i32
      %sign3A_758 = arith.cmpi sgt, %squeeze3A_754, %sign3A_757 : i32
      %sign3A_759 = arith.extui %sign3A_758 : i1 to i32
      %sign3A_760 = arith.constant 0 : i32
      %sign3A_761 = arith.cmpi slt, %squeeze3A_754, %sign3A_760 : i32
      %sign3A_762 = arith.extui %sign3A_761 : i1 to i32
      %sign3A_763 = arith.subi %sign3A_759, %sign3A_762 : i32
      %sign3A_764 = arith.constant 0 : i32
      %sign3A_765 = arith.cmpi sgt, %jit3A_755, %sign3A_764 : i32
      %sign3A_766 = arith.extui %sign3A_765 : i1 to i32
      %sign3A_767 = arith.constant 0 : i32
      %sign3A_768 = arith.cmpi slt, %jit3A_755, %sign3A_767 : i32
      %sign3A_769 = arith.extui %sign3A_768 : i1 to i32
      %sign3A_770 = arith.subi %sign3A_766, %sign3A_769 : i32
      %ne3A_771 = arith.cmpi ne, %sign3A_763, %sign3A_770 : i32
      %rem3A_772 = arith.remsi %squeeze3A_754, %jit3A_755 : i32
      %ne3A_773 = arith.constant 0 : i32
      %ne3A_774 = arith.cmpi ne, %rem3A_772, %ne3A_773 : i32
      %and3A_775 = arith.andi %ne3A_771, %ne3A_774 : i1
      %sub3A_776 = arith.constant 1 : i32
      %sub3A_777 = arith.subi %div3A_756, %sub3A_776 : i32
      %select_n3A_778 = arith.select %and3A_775, %sub3A_777, %div3A_756 : i32
      %mul3A_779 = arith.constant 128 : i32
      %mul3A_780 = arith.muli %select_n3A_778, %mul3A_779 : i32
      %multiple_of3A_781 = tpu.assume_multiple %mul3A_780, 128 : i32
      %dma_start3A_782 = arith.constant 288 : i32
      %dma_start3A_783 = arith.constant 0 : i32
      %dma_start3A_784 = tpu.memref_slice %arg6[%dma_start3A_782, %dma_start3A_783] : memref<576x128xf32, #tpu.memory_space<vmem>> -> memref<18x128xf32, #tpu.memory_space<vmem>>
      %dma_start3A_785 = arith.constant 0 : i32
      %dma_start3A_786 = tpu.memref_slice %arg3[%dma_start3A_785, %multiple_of3A_781] : memref<18x1000000xf32, #tpu.memory_space<hbm>> -> memref<18x128xf32, #tpu.memory_space<hbm>>
      %dma_start3A_787 = arith.constant 288 : i32
      %dma_start3A_788 = arith.constant 0 : i32
      %dma_start3A_789 = tpu.memref_slice %arg6[%dma_start3A_787, %dma_start3A_788] : memref<576x128xf32, #tpu.memory_space<vmem>> -> memref<18x128xf32, #tpu.memory_space<vmem>>
      %dma_start3A_790 = arith.constant 0 : i32
      %dma_start3A_791 = tpu.memref_slice %arg3[%dma_start3A_790, %multiple_of3A_781] : memref<18x1000000xf32, #tpu.memory_space<hbm>> -> memref<18x128xf32, #tpu.memory_space<hbm>>
      tpu.enqueue_dma source(%dma_start3A_791 : memref<18x128xf32, #tpu.memory_space<hbm>>) target(%dma_start3A_789 : memref<18x128xf32, #tpu.memory_space<vmem>>) target_semaphore(%arg9 : memref<!tpu.dma_semaphore, #tpu.memory_space<semaphore_mem>>)
      %slice3A_792 = vector.extract_strided_slice %gather3A_752 {offsets = [1], sizes = [1], strides = [1]} : vector<16xi32> to vector<1xi32>
      %squeeze3A_793 = vector.extract %slice3A_792[0] : i32 from vector<1xi32>
      %jit3A_794 = arith.constant 128 : i32
      %div3A_795 = arith.divsi %squeeze3A_793, %jit3A_794 : i32
      %sign3A_796 = arith.constant 0 : i32
      %sign3A_797 = arith.cmpi sgt, %squeeze3A_793, %sign3A_796 : i32
      %sign3A_798 = arith.extui %sign3A_797 : i1 to i32
      %sign3A_799 = arith.constant 0 : i32
      %sign3A_800 = arith.cmpi slt, %squeeze3A_793, %sign3A_799 : i32
      %sign3A_801 = arith.extui %sign3A_800 : i1 to i32
      %sign3A_802 = arith.subi %sign3A_798, %sign3A_801 : i32
      %sign3A_803 = arith.constant 0 : i32
      %sign3A_804 = arith.cmpi sgt, %jit3A_794, %sign3A_803 : i32
      %sign3A_805 = arith.extui %sign3A_804 : i1 to i32
      %sign3A_806 = arith.constant 0 : i32
      %sign3A_807 = arith.cmpi slt, %jit3A_794, %sign3A_806 : i32
      %sign3A_808 = arith.extui %sign3A_807 : i1 to i32
      %sign3A_809 = arith.subi %sign3A_805, %sign3A_808 : i32
      %ne3A_810 = arith.cmpi ne, %sign3A_802, %sign3A_809 : i32
      %rem3A_811 = arith.remsi %squeeze3A_793, %jit3A_794 : i32
      %ne3A_812 = arith.constant 0 : i32
      %ne3A_813 = arith.cmpi ne, %rem3A_811, %ne3A_812 : i32
      %and3A_814 = arith.andi %ne3A_810, %ne3A_813 : i1
      %sub3A_815 = arith.constant 1 : i32
      %sub3A_816 = arith.subi %div3A_795, %sub3A_815 : i32
      %select_n3A_817 = arith.select %and3A_814, %sub3A_816, %div3A_795 : i32
      %mul3A_818 = arith.constant 128 : i32
      %mul3A_819 = arith.muli %select_n3A_817, %mul3A_818 : i32
      %multiple_of3A_820 = tpu.assume_multiple %mul3A_819, 128 : i32
      %dma_start3A_821 = arith.constant 306 : i32
      %dma_start3A_822 = arith.constant 0 : i32
      %dma_start3A_823 = tpu.memref_slice %arg6[%dma_start3A_821, %dma_start3A_822] : memref<576x128xf32, #tpu.memory_space<vmem>> -> memref<18x128xf32, #tpu.memory_space<vmem>>
      %dma_start3A_824 = arith.constant 0 : i32
      %dma_start3A_825 = tpu.memref_slice %arg3[%dma_start3A_824, %multiple_of3A_820] : memref<18x1000000xf32, #tpu.memory_space<hbm>> -> memref<18x128xf32, #tpu.memory_space<hbm>>
      %dma_start3A_826 = arith.constant 306 : i32
      %dma_start3A_827 = arith.constant 0 : i32
      %dma_start3A_828 = tpu.memref_slice %arg6[%dma_start3A_826, %dma_start3A_827] : memref<576x128xf32, #tpu.memory_space<vmem>> -> memref<18x128xf32, #tpu.memory_space<vmem>>
      %dma_start3A_829 = arith.constant 0 : i32
      %dma_start3A_830 = tpu.memref_slice %arg3[%dma_start3A_829, %multiple_of3A_820] : memref<18x1000000xf32, #tpu.memory_space<hbm>> -> memref<18x128xf32, #tpu.memory_space<hbm>>
      tpu.enqueue_dma source(%dma_start3A_830 : memref<18x128xf32, #tpu.memory_space<hbm>>) target(%dma_start3A_828 : memref<18x128xf32, #tpu.memory_space<vmem>>) target_semaphore(%arg9 : memref<!tpu.dma_semaphore, #tpu.memory_space<semaphore_mem>>)
      %slice3A_831 = vector.extract_strided_slice %gather3A_752 {offsets = [2], sizes = [1], strides = [1]} : vector<16xi32> to vector<1xi32>
      %squeeze3A_832 = vector.extract %slice3A_831[0] : i32 from vector<1xi32>
      %jit3A_833 = arith.constant 128 : i32
      %div3A_834 = arith.divsi %squeeze3A_832, %jit3A_833 : i32
      %sign3A_835 = arith.constant 0 : i32
      %sign3A_836 = arith.cmpi sgt, %squeeze3A_832, %sign3A_835 : i32
      %sign3A_837 = arith.extui %sign3A_836 : i1 to i32
      %sign3A_838 = arith.constant 0 : i32
      %sign3A_839 = arith.cmpi slt, %squeeze3A_832, %sign3A_838 : i32
      %sign3A_840 = arith.extui %sign3A_839 : i1 to i32
      %sign3A_841 = arith.subi %sign3A_837, %sign3A_840 : i32
      %sign3A_842 = arith.constant 0 : i32
      %sign3A_843 = arith.cmpi sgt, %jit3A_833, %sign3A_842 : i32
      %sign3A_844 = arith.extui %sign3A_843 : i1 to i32
      %sign3A_845 = arith.constant 0 : i32
      %sign3A_846 = arith.cmpi slt, %jit3A_833, %sign3A_845 : i32
      %sign3A_847 = arith.extui %sign3A_846 : i1 to i32
      %sign3A_848 = arith.subi %sign3A_844, %sign3A_847 : i32
      %ne3A_849 = arith.cmpi ne, %sign3A_841, %sign3A_848 : i32
      %rem3A_850 = arith.remsi %squeeze3A_832, %jit3A_833 : i32
      %ne3A_851 = arith.constant 0 : i32
      %ne3A_852 = arith.cmpi ne, %rem3A_850, %ne3A_851 : i32
      %and3A_853 = arith.andi %ne3A_849, %ne3A_852 : i1
      %sub3A_854 = arith.constant 1 : i32
      %sub3A_855 = arith.subi %div3A_834, %sub3A_854 : i32
      %select_n3A_856 = arith.select %and3A_853, %sub3A_855, %div3A_834 : i32
      %mul3A_857 = arith.constant 128 : i32
      %mul3A_858 = arith.muli %select_n3A_856, %mul3A_857 : i32
      %multiple_of3A_859 = tpu.assume_multiple %mul3A_858, 128 : i32
      %dma_start3A_860 = arith.constant 324 : i32
      %dma_start3A_861 = arith.constant 0 : i32
      %dma_start3A_862 = tpu.memref_slice %arg6[%dma_start3A_860, %dma_start3A_861] : memref<576x128xf32, #tpu.memory_space<vmem>> -> memref<18x128xf32, #tpu.memory_space<vmem>>
      %dma_start3A_863 = arith.constant 0 : i32
      %dma_start3A_864 = tpu.memref_slice %arg3[%dma_start3A_863, %multiple_of3A_859] : memref<18x1000000xf32, #tpu.memory_space<hbm>> -> memref<18x128xf32, #tpu.memory_space<hbm>>
      %dma_start3A_865 = arith.constant 324 : i32
      %dma_start3A_866 = arith.constant 0 : i32
      %dma_start3A_867 = tpu.memref_slice %arg6[%dma_start3A_865, %dma_start3A_866] : memref<576x128xf32, #tpu.memory_space<vmem>> -> memref<18x128xf32, #tpu.memory_space<vmem>>
      %dma_start3A_868 = arith.constant 0 : i32
      %dma_start3A_869 = tpu.memref_slice %arg3[%dma_start3A_868, %multiple_of3A_859] : memref<18x1000000xf32, #tpu.memory_space<hbm>> -> memref<18x128xf32, #tpu.memory_space<hbm>>
      tpu.enqueue_dma source(%dma_start3A_869 : memref<18x128xf32, #tpu.memory_space<hbm>>) target(%dma_start3A_867 : memref<18x128xf32, #tpu.memory_space<vmem>>) target_semaphore(%arg9 : memref<!tpu.dma_semaphore, #tpu.memory_space<semaphore_mem>>)
      %slice3A_870 = vector.extract_strided_slice %gather3A_752 {offsets = [3], sizes = [1], strides = [1]} : vector<16xi32> to vector<1xi32>
      %squeeze3A_871 = vector.extract %slice3A_870[0] : i32 from vector<1xi32>
      %jit3A_872 = arith.constant 128 : i32
      %div3A_873 = arith.divsi %squeeze3A_871, %jit3A_872 : i32
      %sign3A_874 = arith.constant 0 : i32
      %sign3A_875 = arith.cmpi sgt, %squeeze3A_871, %sign3A_874 : i32
      %sign3A_876 = arith.extui %sign3A_875 : i1 to i32
      %sign3A_877 = arith.constant 0 : i32
      %sign3A_878 = arith.cmpi slt, %squeeze3A_871, %sign3A_877 : i32
      %sign3A_879 = arith.extui %sign3A_878 : i1 to i32
      %sign3A_880 = arith.subi %sign3A_876, %sign3A_879 : i32
      %sign3A_881 = arith.constant 0 : i32
      %sign3A_882 = arith.cmpi sgt, %jit3A_872, %sign3A_881 : i32
      %sign3A_883 = arith.extui %sign3A_882 : i1 to i32
      %sign3A_884 = arith.constant 0 : i32
      %sign3A_885 = arith.cmpi slt, %jit3A_872, %sign3A_884 : i32
      %sign3A_886 = arith.extui %sign3A_885 : i1 to i32
      %sign3A_887 = arith.subi %sign3A_883, %sign3A_886 : i32
      %ne3A_888 = arith.cmpi ne, %sign3A_880, %sign3A_887 : i32
      %rem3A_889 = arith.remsi %squeeze3A_871, %jit3A_872 : i32
      %ne3A_890 = arith.constant 0 : i32
      %ne3A_891 = arith.cmpi ne, %rem3A_889, %ne3A_890 : i32
      %and3A_892 = arith.andi %ne3A_888, %ne3A_891 : i1
      %sub3A_893 = arith.constant 1 : i32
      %sub3A_894 = arith.subi %div3A_873, %sub3A_893 : i32
      %select_n3A_895 = arith.select %and3A_892, %sub3A_894, %div3A_873 : i32
      %mul3A_896 = arith.constant 128 : i32
      %mul3A_897 = arith.muli %select_n3A_895, %mul3A_896 : i32
      %multiple_of3A_898 = tpu.assume_multiple %mul3A_897, 128 : i32
      %dma_start3A_899 = arith.constant 342 : i32
      %dma_start3A_900 = arith.constant 0 : i32
      %dma_start3A_901 = tpu.memref_slice %arg6[%dma_start3A_899, %dma_start3A_900] : memref<576x128xf32, #tpu.memory_space<vmem>> -> memref<18x128xf32, #tpu.memory_space<vmem>>
      %dma_start3A_902 = arith.constant 0 : i32
      %dma_start3A_903 = tpu.memref_slice %arg3[%dma_start3A_902, %multiple_of3A_898] : memref<18x1000000xf32, #tpu.memory_space<hbm>> -> memref<18x128xf32, #tpu.memory_space<hbm>>
      %dma_start3A_904 = arith.constant 342 : i32
      %dma_start3A_905 = arith.constant 0 : i32
      %dma_start3A_906 = tpu.memref_slice %arg6[%dma_start3A_904, %dma_start3A_905] : memref<576x128xf32, #tpu.memory_space<vmem>> -> memref<18x128xf32, #tpu.memory_space<vmem>>
      %dma_start3A_907 = arith.constant 0 : i32
      %dma_start3A_908 = tpu.memref_slice %arg3[%dma_start3A_907, %multiple_of3A_898] : memref<18x1000000xf32, #tpu.memory_space<hbm>> -> memref<18x128xf32, #tpu.memory_space<hbm>>
      tpu.enqueue_dma source(%dma_start3A_908 : memref<18x128xf32, #tpu.memory_space<hbm>>) target(%dma_start3A_906 : memref<18x128xf32, #tpu.memory_space<vmem>>) target_semaphore(%arg9 : memref<!tpu.dma_semaphore, #tpu.memory_space<semaphore_mem>>)
      %slice3A_909 = vector.extract_strided_slice %gather3A_752 {offsets = [4], sizes = [1], strides = [1]} : vector<16xi32> to vector<1xi32>
      %squeeze3A_910 = vector.extract %slice3A_909[0] : i32 from vector<1xi32>
      %jit3A_911 = arith.constant 128 : i32
      %div3A_912 = arith.divsi %squeeze3A_910, %jit3A_911 : i32
      %sign3A_913 = arith.constant 0 : i32
      %sign3A_914 = arith.cmpi sgt, %squeeze3A_910, %sign3A_913 : i32
      %sign3A_915 = arith.extui %sign3A_914 : i1 to i32
      %sign3A_916 = arith.constant 0 : i32
      %sign3A_917 = arith.cmpi slt, %squeeze3A_910, %sign3A_916 : i32
      %sign3A_918 = arith.extui %sign3A_917 : i1 to i32
      %sign3A_919 = arith.subi %sign3A_915, %sign3A_918 : i32
      %sign3A_920 = arith.constant 0 : i32
      %sign3A_921 = arith.cmpi sgt, %jit3A_911, %sign3A_920 : i32
      %sign3A_922 = arith.extui %sign3A_921 : i1 to i32
      %sign3A_923 = arith.constant 0 : i32
      %sign3A_924 = arith.cmpi slt, %jit3A_911, %sign3A_923 : i32
      %sign3A_925 = arith.extui %sign3A_924 : i1 to i32
      %sign3A_926 = arith.subi %sign3A_922, %sign3A_925 : i32
      %ne3A_927 = arith.cmpi ne, %sign3A_919, %sign3A_926 : i32
      %rem3A_928 = arith.remsi %squeeze3A_910, %jit3A_911 : i32
      %ne3A_929 = arith.constant 0 : i32
      %ne3A_930 = arith.cmpi ne, %rem3A_928, %ne3A_929 : i32
      %and3A_931 = arith.andi %ne3A_927, %ne3A_930 : i1
      %sub3A_932 = arith.constant 1 : i32
      %sub3A_933 = arith.subi %div3A_912, %sub3A_932 : i32
      %select_n3A_934 = arith.select %and3A_931, %sub3A_933, %div3A_912 : i32
      %mul3A_935 = arith.constant 128 : i32
      %mul3A_936 = arith.muli %select_n3A_934, %mul3A_935 : i32
      %multiple_of3A_937 = tpu.assume_multiple %mul3A_936, 128 : i32
      %dma_start3A_938 = arith.constant 360 : i32
      %dma_start3A_939 = arith.constant 0 : i32
      %dma_start3A_940 = tpu.memref_slice %arg6[%dma_start3A_938, %dma_start3A_939] : memref<576x128xf32, #tpu.memory_space<vmem>> -> memref<18x128xf32, #tpu.memory_space<vmem>>
      %dma_start3A_941 = arith.constant 0 : i32
      %dma_start3A_942 = tpu.memref_slice %arg3[%dma_start3A_941, %multiple_of3A_937] : memref<18x1000000xf32, #tpu.memory_space<hbm>> -> memref<18x128xf32, #tpu.memory_space<hbm>>
      %dma_start3A_943 = arith.constant 360 : i32
      %dma_start3A_944 = arith.constant 0 : i32
      %dma_start3A_945 = tpu.memref_slice %arg6[%dma_start3A_943, %dma_start3A_944] : memref<576x128xf32, #tpu.memory_space<vmem>> -> memref<18x128xf32, #tpu.memory_space<vmem>>
      %dma_start3A_946 = arith.constant 0 : i32
      %dma_start3A_947 = tpu.memref_slice %arg3[%dma_start3A_946, %multiple_of3A_937] : memref<18x1000000xf32, #tpu.memory_space<hbm>> -> memref<18x128xf32, #tpu.memory_space<hbm>>
      tpu.enqueue_dma source(%dma_start3A_947 : memref<18x128xf32, #tpu.memory_space<hbm>>) target(%dma_start3A_945 : memref<18x128xf32, #tpu.memory_space<vmem>>) target_semaphore(%arg9 : memref<!tpu.dma_semaphore, #tpu.memory_space<semaphore_mem>>)
      %slice3A_948 = vector.extract_strided_slice %gather3A_752 {offsets = [5], sizes = [1], strides = [1]} : vector<16xi32> to vector<1xi32>
      %squeeze3A_949 = vector.extract %slice3A_948[0] : i32 from vector<1xi32>
      %jit3A_950 = arith.constant 128 : i32
      %div3A_951 = arith.divsi %squeeze3A_949, %jit3A_950 : i32
      %sign3A_952 = arith.constant 0 : i32
      %sign3A_953 = arith.cmpi sgt, %squeeze3A_949, %sign3A_952 : i32
      %sign3A_954 = arith.extui %sign3A_953 : i1 to i32
      %sign3A_955 = arith.constant 0 : i32
      %sign3A_956 = arith.cmpi slt, %squeeze3A_949, %sign3A_955 : i32
      %sign3A_957 = arith.extui %sign3A_956 : i1 to i32
      %sign3A_958 = arith.subi %sign3A_954, %sign3A_957 : i32
      %sign3A_959 = arith.constant 0 : i32
      %sign3A_960 = arith.cmpi sgt, %jit3A_950, %sign3A_959 : i32
      %sign3A_961 = arith.extui %sign3A_960 : i1 to i32
      %sign3A_962 = arith.constant 0 : i32
      %sign3A_963 = arith.cmpi slt, %jit3A_950, %sign3A_962 : i32
      %sign3A_964 = arith.extui %sign3A_963 : i1 to i32
      %sign3A_965 = arith.subi %sign3A_961, %sign3A_964 : i32
      %ne3A_966 = arith.cmpi ne, %sign3A_958, %sign3A_965 : i32
      %rem3A_967 = arith.remsi %squeeze3A_949, %jit3A_950 : i32
      %ne3A_968 = arith.constant 0 : i32
      %ne3A_969 = arith.cmpi ne, %rem3A_967, %ne3A_968 : i32
      %and3A_970 = arith.andi %ne3A_966, %ne3A_969 : i1
      %sub3A_971 = arith.constant 1 : i32
      %sub3A_972 = arith.subi %div3A_951, %sub3A_971 : i32
      %select_n3A_973 = arith.select %and3A_970, %sub3A_972, %div3A_951 : i32
      %mul3A_974 = arith.constant 128 : i32
      %mul3A_975 = arith.muli %select_n3A_973, %mul3A_974 : i32
      %multiple_of3A_976 = tpu.assume_multiple %mul3A_975, 128 : i32
      %dma_start3A_977 = arith.constant 378 : i32
      %dma_start3A_978 = arith.constant 0 : i32
      %dma_start3A_979 = tpu.memref_slice %arg6[%dma_start3A_977, %dma_start3A_978] : memref<576x128xf32, #tpu.memory_space<vmem>> -> memref<18x128xf32, #tpu.memory_space<vmem>>
      %dma_start3A_980 = arith.constant 0 : i32
      %dma_start3A_981 = tpu.memref_slice %arg3[%dma_start3A_980, %multiple_of3A_976] : memref<18x1000000xf32, #tpu.memory_space<hbm>> -> memref<18x128xf32, #tpu.memory_space<hbm>>
      %dma_start3A_982 = arith.constant 378 : i32
      %dma_start3A_983 = arith.constant 0 : i32
      %dma_start3A_984 = tpu.memref_slice %arg6[%dma_start3A_982, %dma_start3A_983] : memref<576x128xf32, #tpu.memory_space<vmem>> -> memref<18x128xf32, #tpu.memory_space<vmem>>
      %dma_start3A_985 = arith.constant 0 : i32
      %dma_start3A_986 = tpu.memref_slice %arg3[%dma_start3A_985, %multiple_of3A_976] : memref<18x1000000xf32, #tpu.memory_space<hbm>> -> memref<18x128xf32, #tpu.memory_space<hbm>>
      tpu.enqueue_dma source(%dma_start3A_986 : memref<18x128xf32, #tpu.memory_space<hbm>>) target(%dma_start3A_984 : memref<18x128xf32, #tpu.memory_space<vmem>>) target_semaphore(%arg9 : memref<!tpu.dma_semaphore, #tpu.memory_space<semaphore_mem>>)
      %slice3A_987 = vector.extract_strided_slice %gather3A_752 {offsets = [6], sizes = [1], strides = [1]} : vector<16xi32> to vector<1xi32>
      %squeeze3A_988 = vector.extract %slice3A_987[0] : i32 from vector<1xi32>
      %jit3A_989 = arith.constant 128 : i32
      %div3A_990 = arith.divsi %squeeze3A_988, %jit3A_989 : i32
      %sign3A_991 = arith.constant 0 : i32
      %sign3A_992 = arith.cmpi sgt, %squeeze3A_988, %sign3A_991 : i32
      %sign3A_993 = arith.extui %sign3A_992 : i1 to i32
      %sign3A_994 = arith.constant 0 : i32
      %sign3A_995 = arith.cmpi slt, %squeeze3A_988, %sign3A_994 : i32
      %sign3A_996 = arith.extui %sign3A_995 : i1 to i32
      %sign3A_997 = arith.subi %sign3A_993, %sign3A_996 : i32
      %sign3A_998 = arith.constant 0 : i32
      %sign3A_999 = arith.cmpi sgt, %jit3A_989, %sign3A_998 : i32
      %sign3A_1000 = arith.extui %sign3A_999 : i1 to i32
      %sign3A_1001 = arith.constant 0 : i32
      %sign3A_1002 = arith.cmpi slt, %jit3A_989, %sign3A_1001 : i32
      %sign3A_1003 = arith.extui %sign3A_1002 : i1 to i32
      %sign3A_1004 = arith.subi %sign3A_1000, %sign3A_1003 : i32
      %ne3A_1005 = arith.cmpi ne, %sign3A_997, %sign3A_1004 : i32
      %rem3A_1006 = arith.remsi %squeeze3A_988, %jit3A_989 : i32
      %ne3A_1007 = arith.constant 0 : i32
      %ne3A_1008 = arith.cmpi ne, %rem3A_1006, %ne3A_1007 : i32
      %and3A_1009 = arith.andi %ne3A_1005, %ne3A_1008 : i1
      %sub3A_1010 = arith.constant 1 : i32
      %sub3A_1011 = arith.subi %div3A_990, %sub3A_1010 : i32
      %select_n3A_1012 = arith.select %and3A_1009, %sub3A_1011, %div3A_990 : i32
      %mul3A_1013 = arith.constant 128 : i32
      %mul3A_1014 = arith.muli %select_n3A_1012, %mul3A_1013 : i32
      %multiple_of3A_1015 = tpu.assume_multiple %mul3A_1014, 128 : i32
      %dma_start3A_1016 = arith.constant 396 : i32
      %dma_start3A_1017 = arith.constant 0 : i32
      %dma_start3A_1018 = tpu.memref_slice %arg6[%dma_start3A_1016, %dma_start3A_1017] : memref<576x128xf32, #tpu.memory_space<vmem>> -> memref<18x128xf32, #tpu.memory_space<vmem>>
      %dma_start3A_1019 = arith.constant 0 : i32
      %dma_start3A_1020 = tpu.memref_slice %arg3[%dma_start3A_1019, %multiple_of3A_1015] : memref<18x1000000xf32, #tpu.memory_space<hbm>> -> memref<18x128xf32, #tpu.memory_space<hbm>>
      %dma_start3A_1021 = arith.constant 396 : i32
      %dma_start3A_1022 = arith.constant 0 : i32
      %dma_start3A_1023 = tpu.memref_slice %arg6[%dma_start3A_1021, %dma_start3A_1022] : memref<576x128xf32, #tpu.memory_space<vmem>> -> memref<18x128xf32, #tpu.memory_space<vmem>>
      %dma_start3A_1024 = arith.constant 0 : i32
      %dma_start3A_1025 = tpu.memref_slice %arg3[%dma_start3A_1024, %multiple_of3A_1015] : memref<18x1000000xf32, #tpu.memory_space<hbm>> -> memref<18x128xf32, #tpu.memory_space<hbm>>
      tpu.enqueue_dma source(%dma_start3A_1025 : memref<18x128xf32, #tpu.memory_space<hbm>>) target(%dma_start3A_1023 : memref<18x128xf32, #tpu.memory_space<vmem>>) target_semaphore(%arg9 : memref<!tpu.dma_semaphore, #tpu.memory_space<semaphore_mem>>)
      %slice3A_1026 = vector.extract_strided_slice %gather3A_752 {offsets = [7], sizes = [1], strides = [1]} : vector<16xi32> to vector<1xi32>
      %squeeze3A_1027 = vector.extract %slice3A_1026[0] : i32 from vector<1xi32>
      %jit3A_1028 = arith.constant 128 : i32
      %div3A_1029 = arith.divsi %squeeze3A_1027, %jit3A_1028 : i32
      %sign3A_1030 = arith.constant 0 : i32
      %sign3A_1031 = arith.cmpi sgt, %squeeze3A_1027, %sign3A_1030 : i32
      %sign3A_1032 = arith.extui %sign3A_1031 : i1 to i32
      %sign3A_1033 = arith.constant 0 : i32
      %sign3A_1034 = arith.cmpi slt, %squeeze3A_1027, %sign3A_1033 : i32
      %sign3A_1035 = arith.extui %sign3A_1034 : i1 to i32
      %sign3A_1036 = arith.subi %sign3A_1032, %sign3A_1035 : i32
      %sign3A_1037 = arith.constant 0 : i32
      %sign3A_1038 = arith.cmpi sgt, %jit3A_1028, %sign3A_1037 : i32
      %sign3A_1039 = arith.extui %sign3A_1038 : i1 to i32
      %sign3A_1040 = arith.constant 0 : i32
      %sign3A_1041 = arith.cmpi slt, %jit3A_1028, %sign3A_1040 : i32
      %sign3A_1042 = arith.extui %sign3A_1041 : i1 to i32
      %sign3A_1043 = arith.subi %sign3A_1039, %sign3A_1042 : i32
      %ne3A_1044 = arith.cmpi ne, %sign3A_1036, %sign3A_1043 : i32
      %rem3A_1045 = arith.remsi %squeeze3A_1027, %jit3A_1028 : i32
      %ne3A_1046 = arith.constant 0 : i32
      %ne3A_1047 = arith.cmpi ne, %rem3A_1045, %ne3A_1046 : i32
      %and3A_1048 = arith.andi %ne3A_1044, %ne3A_1047 : i1
      %sub3A_1049 = arith.constant 1 : i32
      %sub3A_1050 = arith.subi %div3A_1029, %sub3A_1049 : i32
      %select_n3A_1051 = arith.select %and3A_1048, %sub3A_1050, %div3A_1029 : i32
      %mul3A_1052 = arith.constant 128 : i32
      %mul3A_1053 = arith.muli %select_n3A_1051, %mul3A_1052 : i32
      %multiple_of3A_1054 = tpu.assume_multiple %mul3A_1053, 128 : i32
      %dma_start3A_1055 = arith.constant 414 : i32
      %dma_start3A_1056 = arith.constant 0 : i32
      %dma_start3A_1057 = tpu.memref_slice %arg6[%dma_start3A_1055, %dma_start3A_1056] : memref<576x128xf32, #tpu.memory_space<vmem>> -> memref<18x128xf32, #tpu.memory_space<vmem>>
      %dma_start3A_1058 = arith.constant 0 : i32
      %dma_start3A_1059 = tpu.memref_slice %arg3[%dma_start3A_1058, %multiple_of3A_1054] : memref<18x1000000xf32, #tpu.memory_space<hbm>> -> memref<18x128xf32, #tpu.memory_space<hbm>>
      %dma_start3A_1060 = arith.constant 414 : i32
      %dma_start3A_1061 = arith.constant 0 : i32
      %dma_start3A_1062 = tpu.memref_slice %arg6[%dma_start3A_1060, %dma_start3A_1061] : memref<576x128xf32, #tpu.memory_space<vmem>> -> memref<18x128xf32, #tpu.memory_space<vmem>>
      %dma_start3A_1063 = arith.constant 0 : i32
      %dma_start3A_1064 = tpu.memref_slice %arg3[%dma_start3A_1063, %multiple_of3A_1054] : memref<18x1000000xf32, #tpu.memory_space<hbm>> -> memref<18x128xf32, #tpu.memory_space<hbm>>
      tpu.enqueue_dma source(%dma_start3A_1064 : memref<18x128xf32, #tpu.memory_space<hbm>>) target(%dma_start3A_1062 : memref<18x128xf32, #tpu.memory_space<vmem>>) target_semaphore(%arg9 : memref<!tpu.dma_semaphore, #tpu.memory_space<semaphore_mem>>)
      %slice3A_1065 = vector.extract_strided_slice %gather3A_752 {offsets = [8], sizes = [1], strides = [1]} : vector<16xi32> to vector<1xi32>
      %squeeze3A_1066 = vector.extract %slice3A_1065[0] : i32 from vector<1xi32>
      %jit3A_1067 = arith.constant 128 : i32
      %div3A_1068 = arith.divsi %squeeze3A_1066, %jit3A_1067 : i32
      %sign3A_1069 = arith.constant 0 : i32
      %sign3A_1070 = arith.cmpi sgt, %squeeze3A_1066, %sign3A_1069 : i32
      %sign3A_1071 = arith.extui %sign3A_1070 : i1 to i32
      %sign3A_1072 = arith.constant 0 : i32
      %sign3A_1073 = arith.cmpi slt, %squeeze3A_1066, %sign3A_1072 : i32
      %sign3A_1074 = arith.extui %sign3A_1073 : i1 to i32
      %sign3A_1075 = arith.subi %sign3A_1071, %sign3A_1074 : i32
      %sign3A_1076 = arith.constant 0 : i32
      %sign3A_1077 = arith.cmpi sgt, %jit3A_1067, %sign3A_1076 : i32
      %sign3A_1078 = arith.extui %sign3A_1077 : i1 to i32
      %sign3A_1079 = arith.constant 0 : i32
      %sign3A_1080 = arith.cmpi slt, %jit3A_1067, %sign3A_1079 : i32
      %sign3A_1081 = arith.extui %sign3A_1080 : i1 to i32
      %sign3A_1082 = arith.subi %sign3A_1078, %sign3A_1081 : i32
      %ne3A_1083 = arith.cmpi ne, %sign3A_1075, %sign3A_1082 : i32
      %rem3A_1084 = arith.remsi %squeeze3A_1066, %jit3A_1067 : i32
      %ne3A_1085 = arith.constant 0 : i32
      %ne3A_1086 = arith.cmpi ne, %rem3A_1084, %ne3A_1085 : i32
      %and3A_1087 = arith.andi %ne3A_1083, %ne3A_1086 : i1
      %sub3A_1088 = arith.constant 1 : i32
      %sub3A_1089 = arith.subi %div3A_1068, %sub3A_1088 : i32
      %select_n3A_1090 = arith.select %and3A_1087, %sub3A_1089, %div3A_1068 : i32
      %mul3A_1091 = arith.constant 128 : i32
      %mul3A_1092 = arith.muli %select_n3A_1090, %mul3A_1091 : i32
      %multiple_of3A_1093 = tpu.assume_multiple %mul3A_1092, 128 : i32
      %dma_start3A_1094 = arith.constant 432 : i32
      %dma_start3A_1095 = arith.constant 0 : i32
      %dma_start3A_1096 = tpu.memref_slice %arg6[%dma_start3A_1094, %dma_start3A_1095] : memref<576x128xf32, #tpu.memory_space<vmem>> -> memref<18x128xf32, #tpu.memory_space<vmem>>
      %dma_start3A_1097 = arith.constant 0 : i32
      %dma_start3A_1098 = tpu.memref_slice %arg3[%dma_start3A_1097, %multiple_of3A_1093] : memref<18x1000000xf32, #tpu.memory_space<hbm>> -> memref<18x128xf32, #tpu.memory_space<hbm>>
      %dma_start3A_1099 = arith.constant 432 : i32
      %dma_start3A_1100 = arith.constant 0 : i32
      %dma_start3A_1101 = tpu.memref_slice %arg6[%dma_start3A_1099, %dma_start3A_1100] : memref<576x128xf32, #tpu.memory_space<vmem>> -> memref<18x128xf32, #tpu.memory_space<vmem>>
      %dma_start3A_1102 = arith.constant 0 : i32
      %dma_start3A_1103 = tpu.memref_slice %arg3[%dma_start3A_1102, %multiple_of3A_1093] : memref<18x1000000xf32, #tpu.memory_space<hbm>> -> memref<18x128xf32, #tpu.memory_space<hbm>>
      tpu.enqueue_dma source(%dma_start3A_1103 : memref<18x128xf32, #tpu.memory_space<hbm>>) target(%dma_start3A_1101 : memref<18x128xf32, #tpu.memory_space<vmem>>) target_semaphore(%arg9 : memref<!tpu.dma_semaphore, #tpu.memory_space<semaphore_mem>>)
      %slice3A_1104 = vector.extract_strided_slice %gather3A_752 {offsets = [9], sizes = [1], strides = [1]} : vector<16xi32> to vector<1xi32>
      %squeeze3A_1105 = vector.extract %slice3A_1104[0] : i32 from vector<1xi32>
      %jit3A_1106 = arith.constant 128 : i32
      %div3A_1107 = arith.divsi %squeeze3A_1105, %jit3A_1106 : i32
      %sign3A_1108 = arith.constant 0 : i32
      %sign3A_1109 = arith.cmpi sgt, %squeeze3A_1105, %sign3A_1108 : i32
      %sign3A_1110 = arith.extui %sign3A_1109 : i1 to i32
      %sign3A_1111 = arith.constant 0 : i32
      %sign3A_1112 = arith.cmpi slt, %squeeze3A_1105, %sign3A_1111 : i32
      %sign3A_1113 = arith.extui %sign3A_1112 : i1 to i32
      %sign3A_1114 = arith.subi %sign3A_1110, %sign3A_1113 : i32
      %sign3A_1115 = arith.constant 0 : i32
      %sign3A_1116 = arith.cmpi sgt, %jit3A_1106, %sign3A_1115 : i32
      %sign3A_1117 = arith.extui %sign3A_1116 : i1 to i32
      %sign3A_1118 = arith.constant 0 : i32
      %sign3A_1119 = arith.cmpi slt, %jit3A_1106, %sign3A_1118 : i32
      %sign3A_1120 = arith.extui %sign3A_1119 : i1 to i32
      %sign3A_1121 = arith.subi %sign3A_1117, %sign3A_1120 : i32
      %ne3A_1122 = arith.cmpi ne, %sign3A_1114, %sign3A_1121 : i32
      %rem3A_1123 = arith.remsi %squeeze3A_1105, %jit3A_1106 : i32
      %ne3A_1124 = arith.constant 0 : i32
      %ne3A_1125 = arith.cmpi ne, %rem3A_1123, %ne3A_1124 : i32
      %and3A_1126 = arith.andi %ne3A_1122, %ne3A_1125 : i1
      %sub3A_1127 = arith.constant 1 : i32
      %sub3A_1128 = arith.subi %div3A_1107, %sub3A_1127 : i32
      %select_n3A_1129 = arith.select %and3A_1126, %sub3A_1128, %div3A_1107 : i32
      %mul3A_1130 = arith.constant 128 : i32
      %mul3A_1131 = arith.muli %select_n3A_1129, %mul3A_1130 : i32
      %multiple_of3A_1132 = tpu.assume_multiple %mul3A_1131, 128 : i32
      %dma_start3A_1133 = arith.constant 450 : i32
      %dma_start3A_1134 = arith.constant 0 : i32
      %dma_start3A_1135 = tpu.memref_slice %arg6[%dma_start3A_1133, %dma_start3A_1134] : memref<576x128xf32, #tpu.memory_space<vmem>> -> memref<18x128xf32, #tpu.memory_space<vmem>>
      %dma_start3A_1136 = arith.constant 0 : i32
      %dma_start3A_1137 = tpu.memref_slice %arg3[%dma_start3A_1136, %multiple_of3A_1132] : memref<18x1000000xf32, #tpu.memory_space<hbm>> -> memref<18x128xf32, #tpu.memory_space<hbm>>
      %dma_start3A_1138 = arith.constant 450 : i32
      %dma_start3A_1139 = arith.constant 0 : i32
      %dma_start3A_1140 = tpu.memref_slice %arg6[%dma_start3A_1138, %dma_start3A_1139] : memref<576x128xf32, #tpu.memory_space<vmem>> -> memref<18x128xf32, #tpu.memory_space<vmem>>
      %dma_start3A_1141 = arith.constant 0 : i32
      %dma_start3A_1142 = tpu.memref_slice %arg3[%dma_start3A_1141, %multiple_of3A_1132] : memref<18x1000000xf32, #tpu.memory_space<hbm>> -> memref<18x128xf32, #tpu.memory_space<hbm>>
      tpu.enqueue_dma source(%dma_start3A_1142 : memref<18x128xf32, #tpu.memory_space<hbm>>) target(%dma_start3A_1140 : memref<18x128xf32, #tpu.memory_space<vmem>>) target_semaphore(%arg9 : memref<!tpu.dma_semaphore, #tpu.memory_space<semaphore_mem>>)
      %slice3A_1143 = vector.extract_strided_slice %gather3A_752 {offsets = [10], sizes = [1], strides = [1]} : vector<16xi32> to vector<1xi32>
      %squeeze3A_1144 = vector.extract %slice3A_1143[0] : i32 from vector<1xi32>
      %jit3A_1145 = arith.constant 128 : i32
      %div3A_1146 = arith.divsi %squeeze3A_1144, %jit3A_1145 : i32
      %sign3A_1147 = arith.constant 0 : i32
      %sign3A_1148 = arith.cmpi sgt, %squeeze3A_1144, %sign3A_1147 : i32
      %sign3A_1149 = arith.extui %sign3A_1148 : i1 to i32
      %sign3A_1150 = arith.constant 0 : i32
      %sign3A_1151 = arith.cmpi slt, %squeeze3A_1144, %sign3A_1150 : i32
      %sign3A_1152 = arith.extui %sign3A_1151 : i1 to i32
      %sign3A_1153 = arith.subi %sign3A_1149, %sign3A_1152 : i32
      %sign3A_1154 = arith.constant 0 : i32
      %sign3A_1155 = arith.cmpi sgt, %jit3A_1145, %sign3A_1154 : i32
      %sign3A_1156 = arith.extui %sign3A_1155 : i1 to i32
      %sign3A_1157 = arith.constant 0 : i32
      %sign3A_1158 = arith.cmpi slt, %jit3A_1145, %sign3A_1157 : i32
      %sign3A_1159 = arith.extui %sign3A_1158 : i1 to i32
      %sign3A_1160 = arith.subi %sign3A_1156, %sign3A_1159 : i32
      %ne3A_1161 = arith.cmpi ne, %sign3A_1153, %sign3A_1160 : i32
      %rem3A_1162 = arith.remsi %squeeze3A_1144, %jit3A_1145 : i32
      %ne3A_1163 = arith.constant 0 : i32
      %ne3A_1164 = arith.cmpi ne, %rem3A_1162, %ne3A_1163 : i32
      %and3A_1165 = arith.andi %ne3A_1161, %ne3A_1164 : i1
      %sub3A_1166 = arith.constant 1 : i32
      %sub3A_1167 = arith.subi %div3A_1146, %sub3A_1166 : i32
      %select_n3A_1168 = arith.select %and3A_1165, %sub3A_1167, %div3A_1146 : i32
      %mul3A_1169 = arith.constant 128 : i32
      %mul3A_1170 = arith.muli %select_n3A_1168, %mul3A_1169 : i32
      %multiple_of3A_1171 = tpu.assume_multiple %mul3A_1170, 128 : i32
      %dma_start3A_1172 = arith.constant 468 : i32
      %dma_start3A_1173 = arith.constant 0 : i32
      %dma_start3A_1174 = tpu.memref_slice %arg6[%dma_start3A_1172, %dma_start3A_1173] : memref<576x128xf32, #tpu.memory_space<vmem>> -> memref<18x128xf32, #tpu.memory_space<vmem>>
      %dma_start3A_1175 = arith.constant 0 : i32
      %dma_start3A_1176 = tpu.memref_slice %arg3[%dma_start3A_1175, %multiple_of3A_1171] : memref<18x1000000xf32, #tpu.memory_space<hbm>> -> memref<18x128xf32, #tpu.memory_space<hbm>>
      %dma_start3A_1177 = arith.constant 468 : i32
      %dma_start3A_1178 = arith.constant 0 : i32
      %dma_start3A_1179 = tpu.memref_slice %arg6[%dma_start3A_1177, %dma_start3A_1178] : memref<576x128xf32, #tpu.memory_space<vmem>> -> memref<18x128xf32, #tpu.memory_space<vmem>>
      %dma_start3A_1180 = arith.constant 0 : i32
      %dma_start3A_1181 = tpu.memref_slice %arg3[%dma_start3A_1180, %multiple_of3A_1171] : memref<18x1000000xf32, #tpu.memory_space<hbm>> -> memref<18x128xf32, #tpu.memory_space<hbm>>
      tpu.enqueue_dma source(%dma_start3A_1181 : memref<18x128xf32, #tpu.memory_space<hbm>>) target(%dma_start3A_1179 : memref<18x128xf32, #tpu.memory_space<vmem>>) target_semaphore(%arg9 : memref<!tpu.dma_semaphore, #tpu.memory_space<semaphore_mem>>)
      %slice3A_1182 = vector.extract_strided_slice %gather3A_752 {offsets = [11], sizes = [1], strides = [1]} : vector<16xi32> to vector<1xi32>
      %squeeze3A_1183 = vector.extract %slice3A_1182[0] : i32 from vector<1xi32>
      %jit3A_1184 = arith.constant 128 : i32
      %div3A_1185 = arith.divsi %squeeze3A_1183, %jit3A_1184 : i32
      %sign3A_1186 = arith.constant 0 : i32
      %sign3A_1187 = arith.cmpi sgt, %squeeze3A_1183, %sign3A_1186 : i32
      %sign3A_1188 = arith.extui %sign3A_1187 : i1 to i32
      %sign3A_1189 = arith.constant 0 : i32
      %sign3A_1190 = arith.cmpi slt, %squeeze3A_1183, %sign3A_1189 : i32
      %sign3A_1191 = arith.extui %sign3A_1190 : i1 to i32
      %sign3A_1192 = arith.subi %sign3A_1188, %sign3A_1191 : i32
      %sign3A_1193 = arith.constant 0 : i32
      %sign3A_1194 = arith.cmpi sgt, %jit3A_1184, %sign3A_1193 : i32
      %sign3A_1195 = arith.extui %sign3A_1194 : i1 to i32
      %sign3A_1196 = arith.constant 0 : i32
      %sign3A_1197 = arith.cmpi slt, %jit3A_1184, %sign3A_1196 : i32
      %sign3A_1198 = arith.extui %sign3A_1197 : i1 to i32
      %sign3A_1199 = arith.subi %sign3A_1195, %sign3A_1198 : i32
      %ne3A_1200 = arith.cmpi ne, %sign3A_1192, %sign3A_1199 : i32
      %rem3A_1201 = arith.remsi %squeeze3A_1183, %jit3A_1184 : i32
      %ne3A_1202 = arith.constant 0 : i32
      %ne3A_1203 = arith.cmpi ne, %rem3A_1201, %ne3A_1202 : i32
      %and3A_1204 = arith.andi %ne3A_1200, %ne3A_1203 : i1
      %sub3A_1205 = arith.constant 1 : i32
      %sub3A_1206 = arith.subi %div3A_1185, %sub3A_1205 : i32
      %select_n3A_1207 = arith.select %and3A_1204, %sub3A_1206, %div3A_1185 : i32
      %mul3A_1208 = arith.constant 128 : i32
      %mul3A_1209 = arith.muli %select_n3A_1207, %mul3A_1208 : i32
      %multiple_of3A_1210 = tpu.assume_multiple %mul3A_1209, 128 : i32
      %dma_start3A_1211 = arith.constant 486 : i32
      %dma_start3A_1212 = arith.constant 0 : i32
      %dma_start3A_1213 = tpu.memref_slice %arg6[%dma_start3A_1211, %dma_start3A_1212] : memref<576x128xf32, #tpu.memory_space<vmem>> -> memref<18x128xf32, #tpu.memory_space<vmem>>
      %dma_start3A_1214 = arith.constant 0 : i32
      %dma_start3A_1215 = tpu.memref_slice %arg3[%dma_start3A_1214, %multiple_of3A_1210] : memref<18x1000000xf32, #tpu.memory_space<hbm>> -> memref<18x128xf32, #tpu.memory_space<hbm>>
      %dma_start3A_1216 = arith.constant 486 : i32
      %dma_start3A_1217 = arith.constant 0 : i32
      %dma_start3A_1218 = tpu.memref_slice %arg6[%dma_start3A_1216, %dma_start3A_1217] : memref<576x128xf32, #tpu.memory_space<vmem>> -> memref<18x128xf32, #tpu.memory_space<vmem>>
      %dma_start3A_1219 = arith.constant 0 : i32
      %dma_start3A_1220 = tpu.memref_slice %arg3[%dma_start3A_1219, %multiple_of3A_1210] : memref<18x1000000xf32, #tpu.memory_space<hbm>> -> memref<18x128xf32, #tpu.memory_space<hbm>>
      tpu.enqueue_dma source(%dma_start3A_1220 : memref<18x128xf32, #tpu.memory_space<hbm>>) target(%dma_start3A_1218 : memref<18x128xf32, #tpu.memory_space<vmem>>) target_semaphore(%arg9 : memref<!tpu.dma_semaphore, #tpu.memory_space<semaphore_mem>>)
      %slice3A_1221 = vector.extract_strided_slice %gather3A_752 {offsets = [12], sizes = [1], strides = [1]} : vector<16xi32> to vector<1xi32>
      %squeeze3A_1222 = vector.extract %slice3A_1221[0] : i32 from vector<1xi32>
      %jit3A_1223 = arith.constant 128 : i32
      %div3A_1224 = arith.divsi %squeeze3A_1222, %jit3A_1223 : i32
      %sign3A_1225 = arith.constant 0 : i32
      %sign3A_1226 = arith.cmpi sgt, %squeeze3A_1222, %sign3A_1225 : i32
      %sign3A_1227 = arith.extui %sign3A_1226 : i1 to i32
      %sign3A_1228 = arith.constant 0 : i32
      %sign3A_1229 = arith.cmpi slt, %squeeze3A_1222, %sign3A_1228 : i32
      %sign3A_1230 = arith.extui %sign3A_1229 : i1 to i32
      %sign3A_1231 = arith.subi %sign3A_1227, %sign3A_1230 : i32
      %sign3A_1232 = arith.constant 0 : i32
      %sign3A_1233 = arith.cmpi sgt, %jit3A_1223, %sign3A_1232 : i32
      %sign3A_1234 = arith.extui %sign3A_1233 : i1 to i32
      %sign3A_1235 = arith.constant 0 : i32
      %sign3A_1236 = arith.cmpi slt, %jit3A_1223, %sign3A_1235 : i32
      %sign3A_1237 = arith.extui %sign3A_1236 : i1 to i32
      %sign3A_1238 = arith.subi %sign3A_1234, %sign3A_1237 : i32
      %ne3A_1239 = arith.cmpi ne, %sign3A_1231, %sign3A_1238 : i32
      %rem3A_1240 = arith.remsi %squeeze3A_1222, %jit3A_1223 : i32
      %ne3A_1241 = arith.constant 0 : i32
      %ne3A_1242 = arith.cmpi ne, %rem3A_1240, %ne3A_1241 : i32
      %and3A_1243 = arith.andi %ne3A_1239, %ne3A_1242 : i1
      %sub3A_1244 = arith.constant 1 : i32
      %sub3A_1245 = arith.subi %div3A_1224, %sub3A_1244 : i32
      %select_n3A_1246 = arith.select %and3A_1243, %sub3A_1245, %div3A_1224 : i32
      %mul3A_1247 = arith.constant 128 : i32
      %mul3A_1248 = arith.muli %select_n3A_1246, %mul3A_1247 : i32
      %multiple_of3A_1249 = tpu.assume_multiple %mul3A_1248, 128 : i32
      %dma_start3A_1250 = arith.constant 504 : i32
      %dma_start3A_1251 = arith.constant 0 : i32
      %dma_start3A_1252 = tpu.memref_slice %arg6[%dma_start3A_1250, %dma_start3A_1251] : memref<576x128xf32, #tpu.memory_space<vmem>> -> memref<18x128xf32, #tpu.memory_space<vmem>>
      %dma_start3A_1253 = arith.constant 0 : i32
      %dma_start3A_1254 = tpu.memref_slice %arg3[%dma_start3A_1253, %multiple_of3A_1249] : memref<18x1000000xf32, #tpu.memory_space<hbm>> -> memref<18x128xf32, #tpu.memory_space<hbm>>
      %dma_start3A_1255 = arith.constant 504 : i32
      %dma_start3A_1256 = arith.constant 0 : i32
      %dma_start3A_1257 = tpu.memref_slice %arg6[%dma_start3A_1255, %dma_start3A_1256] : memref<576x128xf32, #tpu.memory_space<vmem>> -> memref<18x128xf32, #tpu.memory_space<vmem>>
      %dma_start3A_1258 = arith.constant 0 : i32
      %dma_start3A_1259 = tpu.memref_slice %arg3[%dma_start3A_1258, %multiple_of3A_1249] : memref<18x1000000xf32, #tpu.memory_space<hbm>> -> memref<18x128xf32, #tpu.memory_space<hbm>>
      tpu.enqueue_dma source(%dma_start3A_1259 : memref<18x128xf32, #tpu.memory_space<hbm>>) target(%dma_start3A_1257 : memref<18x128xf32, #tpu.memory_space<vmem>>) target_semaphore(%arg9 : memref<!tpu.dma_semaphore, #tpu.memory_space<semaphore_mem>>)
      %slice3A_1260 = vector.extract_strided_slice %gather3A_752 {offsets = [13], sizes = [1], strides = [1]} : vector<16xi32> to vector<1xi32>
      %squeeze3A_1261 = vector.extract %slice3A_1260[0] : i32 from vector<1xi32>
      %jit3A_1262 = arith.constant 128 : i32
      %div3A_1263 = arith.divsi %squeeze3A_1261, %jit3A_1262 : i32
      %sign3A_1264 = arith.constant 0 : i32
      %sign3A_1265 = arith.cmpi sgt, %squeeze3A_1261, %sign3A_1264 : i32
      %sign3A_1266 = arith.extui %sign3A_1265 : i1 to i32
      %sign3A_1267 = arith.constant 0 : i32
      %sign3A_1268 = arith.cmpi slt, %squeeze3A_1261, %sign3A_1267 : i32
      %sign3A_1269 = arith.extui %sign3A_1268 : i1 to i32
      %sign3A_1270 = arith.subi %sign3A_1266, %sign3A_1269 : i32
      %sign3A_1271 = arith.constant 0 : i32
      %sign3A_1272 = arith.cmpi sgt, %jit3A_1262, %sign3A_1271 : i32
      %sign3A_1273 = arith.extui %sign3A_1272 : i1 to i32
      %sign3A_1274 = arith.constant 0 : i32
      %sign3A_1275 = arith.cmpi slt, %jit3A_1262, %sign3A_1274 : i32
      %sign3A_1276 = arith.extui %sign3A_1275 : i1 to i32
      %sign3A_1277 = arith.subi %sign3A_1273, %sign3A_1276 : i32
      %ne3A_1278 = arith.cmpi ne, %sign3A_1270, %sign3A_1277 : i32
      %rem3A_1279 = arith.remsi %squeeze3A_1261, %jit3A_1262 : i32
      %ne3A_1280 = arith.constant 0 : i32
      %ne3A_1281 = arith.cmpi ne, %rem3A_1279, %ne3A_1280 : i32
      %and3A_1282 = arith.andi %ne3A_1278, %ne3A_1281 : i1
      %sub3A_1283 = arith.constant 1 : i32
      %sub3A_1284 = arith.subi %div3A_1263, %sub3A_1283 : i32
      %select_n3A_1285 = arith.select %and3A_1282, %sub3A_1284, %div3A_1263 : i32
      %mul3A_1286 = arith.constant 128 : i32
      %mul3A_1287 = arith.muli %select_n3A_1285, %mul3A_1286 : i32
      %multiple_of3A_1288 = tpu.assume_multiple %mul3A_1287, 128 : i32
      %dma_start3A_1289 = arith.constant 522 : i32
      %dma_start3A_1290 = arith.constant 0 : i32
      %dma_start3A_1291 = tpu.memref_slice %arg6[%dma_start3A_1289, %dma_start3A_1290] : memref<576x128xf32, #tpu.memory_space<vmem>> -> memref<18x128xf32, #tpu.memory_space<vmem>>
      %dma_start3A_1292 = arith.constant 0 : i32
      %dma_start3A_1293 = tpu.memref_slice %arg3[%dma_start3A_1292, %multiple_of3A_1288] : memref<18x1000000xf32, #tpu.memory_space<hbm>> -> memref<18x128xf32, #tpu.memory_space<hbm>>
      %dma_start3A_1294 = arith.constant 522 : i32
      %dma_start3A_1295 = arith.constant 0 : i32
      %dma_start3A_1296 = tpu.memref_slice %arg6[%dma_start3A_1294, %dma_start3A_1295] : memref<576x128xf32, #tpu.memory_space<vmem>> -> memref<18x128xf32, #tpu.memory_space<vmem>>
      %dma_start3A_1297 = arith.constant 0 : i32
      %dma_start3A_1298 = tpu.memref_slice %arg3[%dma_start3A_1297, %multiple_of3A_1288] : memref<18x1000000xf32, #tpu.memory_space<hbm>> -> memref<18x128xf32, #tpu.memory_space<hbm>>
      tpu.enqueue_dma source(%dma_start3A_1298 : memref<18x128xf32, #tpu.memory_space<hbm>>) target(%dma_start3A_1296 : memref<18x128xf32, #tpu.memory_space<vmem>>) target_semaphore(%arg9 : memref<!tpu.dma_semaphore, #tpu.memory_space<semaphore_mem>>)
      %slice3A_1299 = vector.extract_strided_slice %gather3A_752 {offsets = [14], sizes = [1], strides = [1]} : vector<16xi32> to vector<1xi32>
      %squeeze3A_1300 = vector.extract %slice3A_1299[0] : i32 from vector<1xi32>
      %jit3A_1301 = arith.constant 128 : i32
      %div3A_1302 = arith.divsi %squeeze3A_1300, %jit3A_1301 : i32
      %sign3A_1303 = arith.constant 0 : i32
      %sign3A_1304 = arith.cmpi sgt, %squeeze3A_1300, %sign3A_1303 : i32
      %sign3A_1305 = arith.extui %sign3A_1304 : i1 to i32
      %sign3A_1306 = arith.constant 0 : i32
      %sign3A_1307 = arith.cmpi slt, %squeeze3A_1300, %sign3A_1306 : i32
      %sign3A_1308 = arith.extui %sign3A_1307 : i1 to i32
      %sign3A_1309 = arith.subi %sign3A_1305, %sign3A_1308 : i32
      %sign3A_1310 = arith.constant 0 : i32
      %sign3A_1311 = arith.cmpi sgt, %jit3A_1301, %sign3A_1310 : i32
      %sign3A_1312 = arith.extui %sign3A_1311 : i1 to i32
      %sign3A_1313 = arith.constant 0 : i32
      %sign3A_1314 = arith.cmpi slt, %jit3A_1301, %sign3A_1313 : i32
      %sign3A_1315 = arith.extui %sign3A_1314 : i1 to i32
      %sign3A_1316 = arith.subi %sign3A_1312, %sign3A_1315 : i32
      %ne3A_1317 = arith.cmpi ne, %sign3A_1309, %sign3A_1316 : i32
      %rem3A_1318 = arith.remsi %squeeze3A_1300, %jit3A_1301 : i32
      %ne3A_1319 = arith.constant 0 : i32
      %ne3A_1320 = arith.cmpi ne, %rem3A_1318, %ne3A_1319 : i32
      %and3A_1321 = arith.andi %ne3A_1317, %ne3A_1320 : i1
      %sub3A_1322 = arith.constant 1 : i32
      %sub3A_1323 = arith.subi %div3A_1302, %sub3A_1322 : i32
      %select_n3A_1324 = arith.select %and3A_1321, %sub3A_1323, %div3A_1302 : i32
      %mul3A_1325 = arith.constant 128 : i32
      %mul3A_1326 = arith.muli %select_n3A_1324, %mul3A_1325 : i32
      %multiple_of3A_1327 = tpu.assume_multiple %mul3A_1326, 128 : i32
      %dma_start3A_1328 = arith.constant 540 : i32
      %dma_start3A_1329 = arith.constant 0 : i32
      %dma_start3A_1330 = tpu.memref_slice %arg6[%dma_start3A_1328, %dma_start3A_1329] : memref<576x128xf32, #tpu.memory_space<vmem>> -> memref<18x128xf32, #tpu.memory_space<vmem>>
      %dma_start3A_1331 = arith.constant 0 : i32
      %dma_start3A_1332 = tpu.memref_slice %arg3[%dma_start3A_1331, %multiple_of3A_1327] : memref<18x1000000xf32, #tpu.memory_space<hbm>> -> memref<18x128xf32, #tpu.memory_space<hbm>>
      %dma_start3A_1333 = arith.constant 540 : i32
      %dma_start3A_1334 = arith.constant 0 : i32
      %dma_start3A_1335 = tpu.memref_slice %arg6[%dma_start3A_1333, %dma_start3A_1334] : memref<576x128xf32, #tpu.memory_space<vmem>> -> memref<18x128xf32, #tpu.memory_space<vmem>>
      %dma_start3A_1336 = arith.constant 0 : i32
      %dma_start3A_1337 = tpu.memref_slice %arg3[%dma_start3A_1336, %multiple_of3A_1327] : memref<18x1000000xf32, #tpu.memory_space<hbm>> -> memref<18x128xf32, #tpu.memory_space<hbm>>
      tpu.enqueue_dma source(%dma_start3A_1337 : memref<18x128xf32, #tpu.memory_space<hbm>>) target(%dma_start3A_1335 : memref<18x128xf32, #tpu.memory_space<vmem>>) target_semaphore(%arg9 : memref<!tpu.dma_semaphore, #tpu.memory_space<semaphore_mem>>)
      %slice3A_1338 = vector.extract_strided_slice %gather3A_752 {offsets = [15], sizes = [1], strides = [1]} : vector<16xi32> to vector<1xi32>
      %squeeze3A_1339 = vector.extract %slice3A_1338[0] : i32 from vector<1xi32>
      %jit3A_1340 = arith.constant 128 : i32
      %div3A_1341 = arith.divsi %squeeze3A_1339, %jit3A_1340 : i32
      %sign3A_1342 = arith.constant 0 : i32
      %sign3A_1343 = arith.cmpi sgt, %squeeze3A_1339, %sign3A_1342 : i32
      %sign3A_1344 = arith.extui %sign3A_1343 : i1 to i32
      %sign3A_1345 = arith.constant 0 : i32
      %sign3A_1346 = arith.cmpi slt, %squeeze3A_1339, %sign3A_1345 : i32
      %sign3A_1347 = arith.extui %sign3A_1346 : i1 to i32
      %sign3A_1348 = arith.subi %sign3A_1344, %sign3A_1347 : i32
      %sign3A_1349 = arith.constant 0 : i32
      %sign3A_1350 = arith.cmpi sgt, %jit3A_1340, %sign3A_1349 : i32
      %sign3A_1351 = arith.extui %sign3A_1350 : i1 to i32
      %sign3A_1352 = arith.constant 0 : i32
      %sign3A_1353 = arith.cmpi slt, %jit3A_1340, %sign3A_1352 : i32
      %sign3A_1354 = arith.extui %sign3A_1353 : i1 to i32
      %sign3A_1355 = arith.subi %sign3A_1351, %sign3A_1354 : i32
      %ne3A_1356 = arith.cmpi ne, %sign3A_1348, %sign3A_1355 : i32
      %rem3A_1357 = arith.remsi %squeeze3A_1339, %jit3A_1340 : i32
      %ne3A_1358 = arith.constant 0 : i32
      %ne3A_1359 = arith.cmpi ne, %rem3A_1357, %ne3A_1358 : i32
      %and3A_1360 = arith.andi %ne3A_1356, %ne3A_1359 : i1
      %sub3A_1361 = arith.constant 1 : i32
      %sub3A_1362 = arith.subi %div3A_1341, %sub3A_1361 : i32
      %select_n3A_1363 = arith.select %and3A_1360, %sub3A_1362, %div3A_1341 : i32
      %mul3A_1364 = arith.constant 128 : i32
      %mul3A_1365 = arith.muli %select_n3A_1363, %mul3A_1364 : i32
      %multiple_of3A_1366 = tpu.assume_multiple %mul3A_1365, 128 : i32
      %dma_start3A_1367 = arith.constant 558 : i32
      %dma_start3A_1368 = arith.constant 0 : i32
      %dma_start3A_1369 = tpu.memref_slice %arg6[%dma_start3A_1367, %dma_start3A_1368] : memref<576x128xf32, #tpu.memory_space<vmem>> -> memref<18x128xf32, #tpu.memory_space<vmem>>
      %dma_start3A_1370 = arith.constant 0 : i32
      %dma_start3A_1371 = tpu.memref_slice %arg3[%dma_start3A_1370, %multiple_of3A_1366] : memref<18x1000000xf32, #tpu.memory_space<hbm>> -> memref<18x128xf32, #tpu.memory_space<hbm>>
      %dma_start3A_1372 = arith.constant 558 : i32
      %dma_start3A_1373 = arith.constant 0 : i32
      %dma_start3A_1374 = tpu.memref_slice %arg6[%dma_start3A_1372, %dma_start3A_1373] : memref<576x128xf32, #tpu.memory_space<vmem>> -> memref<18x128xf32, #tpu.memory_space<vmem>>
      %dma_start3A_1375 = arith.constant 0 : i32
      %dma_start3A_1376 = tpu.memref_slice %arg3[%dma_start3A_1375, %multiple_of3A_1366] : memref<18x1000000xf32, #tpu.memory_space<hbm>> -> memref<18x128xf32, #tpu.memory_space<hbm>>
      tpu.enqueue_dma source(%dma_start3A_1376 : memref<18x128xf32, #tpu.memory_space<hbm>>) target(%dma_start3A_1374 : memref<18x128xf32, #tpu.memory_space<vmem>>) target_semaphore(%arg9 : memref<!tpu.dma_semaphore, #tpu.memory_space<semaphore_mem>>)
      %dma_wait3A_1377 = arith.constant 0 : i32
      %dma_wait3A_1378 = arith.constant 0 : i32
      %dma_wait3A_1379 = tpu.memref_slice %arg6[%dma_wait3A_1377, %dma_wait3A_1378] : memref<576x128xf32, #tpu.memory_space<vmem>> -> memref<288x128xf32, #tpu.memory_space<vmem>>
      %dma_wait3A_1380 = arith.constant 0 : i32
      %dma_wait3A_1381 = arith.constant 0 : i32
      %dma_wait3A_1382 = tpu.memref_slice %arg3[%dma_wait3A_1380, %dma_wait3A_1381] : memref<18x1000000xf32, #tpu.memory_space<hbm>> -> memref<18x128xf32, #tpu.memory_space<hbm>>
      %dma_wait3A_1383 = arith.constant 0 : i32
      %dma_wait3A_1384 = arith.constant 0 : i32
      %dma_wait3A_1385 = tpu.memref_slice %arg6[%dma_wait3A_1383, %dma_wait3A_1384] : memref<576x128xf32, #tpu.memory_space<vmem>> -> memref<288x128xf32, #tpu.memory_space<vmem>>
      %dma_wait3A_1386 = arith.constant 0 : i32
      %dma_wait3A_1387 = arith.constant 0 : i32
      %dma_wait3A_1388 = tpu.memref_slice %arg3[%dma_wait3A_1386, %dma_wait3A_1387] : memref<18x1000000xf32, #tpu.memory_space<hbm>> -> memref<18x128xf32, #tpu.memory_space<hbm>>
      tpu.wait_dma2 semaphore(%arg8 : memref<!tpu.dma_semaphore, #tpu.memory_space<semaphore_mem>>) src(%dma_wait3A_1388 : memref<18x128xf32, #tpu.memory_space<hbm>>) dst(%dma_wait3A_1385 : memref<288x128xf32, #tpu.memory_space<vmem>>)
      %jit3A_1389 = arith.constant 8 : i32
      %div3A_1390 = arith.divsi %mul3A_717, %jit3A_1389 : i32
      %sign3A_1391 = arith.constant 0 : i32
      %sign3A_1392 = arith.cmpi sgt, %mul3A_717, %sign3A_1391 : i32
      %sign3A_1393 = arith.extui %sign3A_1392 : i1 to i32
      %sign3A_1394 = arith.constant 0 : i32
      %sign3A_1395 = arith.cmpi slt, %mul3A_717, %sign3A_1394 : i32
      %sign3A_1396 = arith.extui %sign3A_1395 : i1 to i32
      %sign3A_1397 = arith.subi %sign3A_1393, %sign3A_1396 : i32
      %sign3A_1398 = arith.constant 0 : i32
      %sign3A_1399 = arith.cmpi sgt, %jit3A_1389, %sign3A_1398 : i32
      %sign3A_1400 = arith.extui %sign3A_1399 : i1 to i32
      %sign3A_1401 = arith.constant 0 : i32
      %sign3A_1402 = arith.cmpi slt, %jit3A_1389, %sign3A_1401 : i32
      %sign3A_1403 = arith.extui %sign3A_1402 : i1 to i32
      %sign3A_1404 = arith.subi %sign3A_1400, %sign3A_1403 : i32
      %ne3A_1405 = arith.cmpi ne, %sign3A_1397, %sign3A_1404 : i32
      %rem3A_1406 = arith.remsi %mul3A_717, %jit3A_1389 : i32
      %ne3A_1407 = arith.constant 0 : i32
      %ne3A_1408 = arith.cmpi ne, %rem3A_1406, %ne3A_1407 : i32
      %and3A_1409 = arith.andi %ne3A_1405, %ne3A_1408 : i1
      %sub3A_1410 = arith.constant 1 : i32
      %sub3A_1411 = arith.subi %div3A_1390, %sub3A_1410 : i32
      %select_n3A_1412 = arith.select %and3A_1409, %sub3A_1411, %div3A_1390 : i32
      %add3A_1413 = vector.broadcast %select_n3A_1412 : i32 to vector<16xi32>
      %add3A_1414 = arith.addi %broadcast_in_dim3A_81, %add3A_1413 : vector<16xi32>
      %rem3A_1415 = arith.constant 8 : i32
      %rem3A_1416 = arith.remsi %mul3A_717, %rem3A_1415 : i32
      %mul3A_1417 = arith.constant 16 : i32
      %mul3A_1418 = arith.muli %rem3A_1416, %mul3A_1417 : i32
      %add3A_1419 = vector.broadcast %mul3A_1418 : i32 to vector<16xi32>
      %add3A_1420 = arith.addi %iota3A, %add3A_1419 : vector<16xi32>
      %gather3A_1421 = tpu.vector_load_idx %arg5[%add3A_1414, %add3A_1420] : memref<4x128xi32, #tpu.memory_space<vmem>>[vector<16xi32>, vector<16xi32>], vector<16xi32>,
      %rem3A_1422 = arith.constant 128 : i32
      %rem3A_1423 = vector.broadcast %rem3A_1422 : i32 to vector<16xi32>
      %rem3A_1424 = arith.remsi %gather3A_1421, %rem3A_1423 : vector<16xi32>
      %add3A_1425 = arith.constant 0 : i32
      %add3A_1426 = vector.broadcast %add3A_1425 : i32 to vector<16xi32>
      %add3A_1427 = arith.addi %iota3A, %add3A_1426 : vector<16xi32>
      %mul3A_1428 = arith.constant 18 : i32
      %mul3A_1429 = vector.broadcast %mul3A_1428 : i32 to vector<16xi32>
      %mul3A_1430 = arith.muli %add3A_1427, %mul3A_1429 : vector<16xi32>
      %gather3A_1431 = tpu.vector_load_idx %arg6[%mul3A_1430, %rem3A_1424] : memref<576x128xf32, #tpu.memory_space<vmem>>[vector<16xi32>, vector<16xi32>], vector<16xf32>,
      %broadcast_in_dim3A_1432 = arith.constant 1 : i32
      %broadcast_in_dim3A_1433 = vector.broadcast %broadcast_in_dim3A_1432 : i32 to vector<16xi32>
      %add3A_1434 = arith.addi %mul3A_1430, %broadcast_in_dim3A_1433 : vector<16xi32>
      %gather3A_1435 = tpu.vector_load_idx %arg6[%add3A_1434, %rem3A_1424] : memref<576x128xf32, #tpu.memory_space<vmem>>[vector<16xi32>, vector<16xi32>], vector<16xf32>,
      %gt3A = arith.cmpf ogt, %gather3A_1435, %gather3A_1431 : vector<16xf32>
      %select_n3A_1436 = arith.select %gt3A, %gather3A_1435, %gather3A_1431 : vector<16xi1>, vector<16xf32>
      %select_n3A_1437 = arith.select %gt3A, %broadcast_in_dim3A_1433, %broadcast_in_dim3A_81 : vector<16xi1>, vector<16xi32>
      %broadcast_in_dim3A_1438 = arith.constant 2 : i32
      %broadcast_in_dim3A_1439 = vector.broadcast %broadcast_in_dim3A_1438 : i32 to vector<16xi32>
      %add3A_1440 = arith.addi %mul3A_1430, %broadcast_in_dim3A_1439 : vector<16xi32>
      %gather3A_1441 = tpu.vector_load_idx %arg6[%add3A_1440, %rem3A_1424] : memref<576x128xf32, #tpu.memory_space<vmem>>[vector<16xi32>, vector<16xi32>], vector<16xf32>,
      %gt3A_1442 = arith.cmpf ogt, %gather3A_1441, %select_n3A_1436 : vector<16xf32>
      %select_n3A_1443 = arith.select %gt3A_1442, %gather3A_1441, %select_n3A_1436 : vector<16xi1>, vector<16xf32>
      %select_n3A_1444 = arith.select %gt3A_1442, %broadcast_in_dim3A_1439, %select_n3A_1437 : vector<16xi1>, vector<16xi32>
      %broadcast_in_dim3A_1445 = arith.constant 3 : i32
      %broadcast_in_dim3A_1446 = vector.broadcast %broadcast_in_dim3A_1445 : i32 to vector<16xi32>
      %add3A_1447 = arith.addi %mul3A_1430, %broadcast_in_dim3A_1446 : vector<16xi32>
      %gather3A_1448 = tpu.vector_load_idx %arg6[%add3A_1447, %rem3A_1424] : memref<576x128xf32, #tpu.memory_space<vmem>>[vector<16xi32>, vector<16xi32>], vector<16xf32>,
      %gt3A_1449 = arith.cmpf ogt, %gather3A_1448, %select_n3A_1443 : vector<16xf32>
      %select_n3A_1450 = arith.select %gt3A_1449, %gather3A_1448, %select_n3A_1443 : vector<16xi1>, vector<16xf32>
      %select_n3A_1451 = arith.select %gt3A_1449, %broadcast_in_dim3A_1446, %select_n3A_1444 : vector<16xi1>, vector<16xi32>
      %broadcast_in_dim3A_1452 = arith.constant 4 : i32
      %broadcast_in_dim3A_1453 = vector.broadcast %broadcast_in_dim3A_1452 : i32 to vector<16xi32>
      %add3A_1454 = arith.addi %mul3A_1430, %broadcast_in_dim3A_1453 : vector<16xi32>
      %gather3A_1455 = tpu.vector_load_idx %arg6[%add3A_1454, %rem3A_1424] : memref<576x128xf32, #tpu.memory_space<vmem>>[vector<16xi32>, vector<16xi32>], vector<16xf32>,
      %gt3A_1456 = arith.cmpf ogt, %gather3A_1455, %select_n3A_1450 : vector<16xf32>
      %select_n3A_1457 = arith.select %gt3A_1456, %gather3A_1455, %select_n3A_1450 : vector<16xi1>, vector<16xf32>
      %select_n3A_1458 = arith.select %gt3A_1456, %broadcast_in_dim3A_1453, %select_n3A_1451 : vector<16xi1>, vector<16xi32>
      %broadcast_in_dim3A_1459 = arith.constant 5 : i32
      %broadcast_in_dim3A_1460 = vector.broadcast %broadcast_in_dim3A_1459 : i32 to vector<16xi32>
      %add3A_1461 = arith.addi %mul3A_1430, %broadcast_in_dim3A_1460 : vector<16xi32>
      %gather3A_1462 = tpu.vector_load_idx %arg6[%add3A_1461, %rem3A_1424] : memref<576x128xf32, #tpu.memory_space<vmem>>[vector<16xi32>, vector<16xi32>], vector<16xf32>,
      %gt3A_1463 = arith.cmpf ogt, %gather3A_1462, %select_n3A_1457 : vector<16xf32>
      %select_n3A_1464 = arith.select %gt3A_1463, %gather3A_1462, %select_n3A_1457 : vector<16xi1>, vector<16xf32>
      %select_n3A_1465 = arith.select %gt3A_1463, %broadcast_in_dim3A_1460, %select_n3A_1458 : vector<16xi1>, vector<16xi32>
      %broadcast_in_dim3A_1466 = arith.constant 6 : i32
      %broadcast_in_dim3A_1467 = vector.broadcast %broadcast_in_dim3A_1466 : i32 to vector<16xi32>
      %add3A_1468 = arith.addi %mul3A_1430, %broadcast_in_dim3A_1467 : vector<16xi32>
      %gather3A_1469 = tpu.vector_load_idx %arg6[%add3A_1468, %rem3A_1424] : memref<576x128xf32, #tpu.memory_space<vmem>>[vector<16xi32>, vector<16xi32>], vector<16xf32>,
      %gt3A_1470 = arith.cmpf ogt, %gather3A_1469, %select_n3A_1464 : vector<16xf32>
      %select_n3A_1471 = arith.select %gt3A_1470, %gather3A_1469, %select_n3A_1464 : vector<16xi1>, vector<16xf32>
      %select_n3A_1472 = arith.select %gt3A_1470, %broadcast_in_dim3A_1467, %select_n3A_1465 : vector<16xi1>, vector<16xi32>
      %broadcast_in_dim3A_1473 = arith.constant 7 : i32
      %broadcast_in_dim3A_1474 = vector.broadcast %broadcast_in_dim3A_1473 : i32 to vector<16xi32>
      %add3A_1475 = arith.addi %mul3A_1430, %broadcast_in_dim3A_1474 : vector<16xi32>
      %gather3A_1476 = tpu.vector_load_idx %arg6[%add3A_1475, %rem3A_1424] : memref<576x128xf32, #tpu.memory_space<vmem>>[vector<16xi32>, vector<16xi32>], vector<16xf32>,
      %gt3A_1477 = arith.cmpf ogt, %gather3A_1476, %select_n3A_1471 : vector<16xf32>
      %select_n3A_1478 = arith.select %gt3A_1477, %gather3A_1476, %select_n3A_1471 : vector<16xi1>, vector<16xf32>
      %select_n3A_1479 = arith.select %gt3A_1477, %broadcast_in_dim3A_1474, %select_n3A_1472 : vector<16xi1>, vector<16xi32>
      %broadcast_in_dim3A_1480 = arith.constant 8 : i32
      %broadcast_in_dim3A_1481 = vector.broadcast %broadcast_in_dim3A_1480 : i32 to vector<16xi32>
      %add3A_1482 = arith.addi %mul3A_1430, %broadcast_in_dim3A_1481 : vector<16xi32>
      %gather3A_1483 = tpu.vector_load_idx %arg6[%add3A_1482, %rem3A_1424] : memref<576x128xf32, #tpu.memory_space<vmem>>[vector<16xi32>, vector<16xi32>], vector<16xf32>,
      %gt3A_1484 = arith.cmpf ogt, %gather3A_1483, %select_n3A_1478 : vector<16xf32>
      %select_n3A_1485 = arith.select %gt3A_1484, %gather3A_1483, %select_n3A_1478 : vector<16xi1>, vector<16xf32>
      %select_n3A_1486 = arith.select %gt3A_1484, %broadcast_in_dim3A_1481, %select_n3A_1479 : vector<16xi1>, vector<16xi32>
      %broadcast_in_dim3A_1487 = arith.constant 9 : i32
      %broadcast_in_dim3A_1488 = vector.broadcast %broadcast_in_dim3A_1487 : i32 to vector<16xi32>
      %add3A_1489 = arith.addi %mul3A_1430, %broadcast_in_dim3A_1488 : vector<16xi32>
      %gather3A_1490 = tpu.vector_load_idx %arg6[%add3A_1489, %rem3A_1424] : memref<576x128xf32, #tpu.memory_space<vmem>>[vector<16xi32>, vector<16xi32>], vector<16xf32>,
      %gt3A_1491 = arith.cmpf ogt, %gather3A_1490, %select_n3A_1485 : vector<16xf32>
      %select_n3A_1492 = arith.select %gt3A_1491, %gather3A_1490, %select_n3A_1485 : vector<16xi1>, vector<16xf32>
      %select_n3A_1493 = arith.select %gt3A_1491, %broadcast_in_dim3A_1488, %select_n3A_1486 : vector<16xi1>, vector<16xi32>
      %broadcast_in_dim3A_1494 = arith.constant 10 : i32
      %broadcast_in_dim3A_1495 = vector.broadcast %broadcast_in_dim3A_1494 : i32 to vector<16xi32>
      %add3A_1496 = arith.addi %mul3A_1430, %broadcast_in_dim3A_1495 : vector<16xi32>
      %gather3A_1497 = tpu.vector_load_idx %arg6[%add3A_1496, %rem3A_1424] : memref<576x128xf32, #tpu.memory_space<vmem>>[vector<16xi32>, vector<16xi32>], vector<16xf32>,
      %gt3A_1498 = arith.cmpf ogt, %gather3A_1497, %select_n3A_1492 : vector<16xf32>
      %select_n3A_1499 = arith.select %gt3A_1498, %gather3A_1497, %select_n3A_1492 : vector<16xi1>, vector<16xf32>
      %select_n3A_1500 = arith.select %gt3A_1498, %broadcast_in_dim3A_1495, %select_n3A_1493 : vector<16xi1>, vector<16xi32>
      %broadcast_in_dim3A_1501 = arith.constant 11 : i32
      %broadcast_in_dim3A_1502 = vector.broadcast %broadcast_in_dim3A_1501 : i32 to vector<16xi32>
      %add3A_1503 = arith.addi %mul3A_1430, %broadcast_in_dim3A_1502 : vector<16xi32>
      %gather3A_1504 = tpu.vector_load_idx %arg6[%add3A_1503, %rem3A_1424] : memref<576x128xf32, #tpu.memory_space<vmem>>[vector<16xi32>, vector<16xi32>], vector<16xf32>,
      %gt3A_1505 = arith.cmpf ogt, %gather3A_1504, %select_n3A_1499 : vector<16xf32>
      %select_n3A_1506 = arith.select %gt3A_1505, %gather3A_1504, %select_n3A_1499 : vector<16xi1>, vector<16xf32>
      %select_n3A_1507 = arith.select %gt3A_1505, %broadcast_in_dim3A_1502, %select_n3A_1500 : vector<16xi1>, vector<16xi32>
      %broadcast_in_dim3A_1508 = arith.constant 12 : i32
      %broadcast_in_dim3A_1509 = vector.broadcast %broadcast_in_dim3A_1508 : i32 to vector<16xi32>
      %add3A_1510 = arith.addi %mul3A_1430, %broadcast_in_dim3A_1509 : vector<16xi32>
      %gather3A_1511 = tpu.vector_load_idx %arg6[%add3A_1510, %rem3A_1424] : memref<576x128xf32, #tpu.memory_space<vmem>>[vector<16xi32>, vector<16xi32>], vector<16xf32>,
      %gt3A_1512 = arith.cmpf ogt, %gather3A_1511, %select_n3A_1506 : vector<16xf32>
      %select_n3A_1513 = arith.select %gt3A_1512, %gather3A_1511, %select_n3A_1506 : vector<16xi1>, vector<16xf32>
      %select_n3A_1514 = arith.select %gt3A_1512, %broadcast_in_dim3A_1509, %select_n3A_1507 : vector<16xi1>, vector<16xi32>
      %broadcast_in_dim3A_1515 = arith.constant 13 : i32
      %broadcast_in_dim3A_1516 = vector.broadcast %broadcast_in_dim3A_1515 : i32 to vector<16xi32>
      %add3A_1517 = arith.addi %mul3A_1430, %broadcast_in_dim3A_1516 : vector<16xi32>
      %gather3A_1518 = tpu.vector_load_idx %arg6[%add3A_1517, %rem3A_1424] : memref<576x128xf32, #tpu.memory_space<vmem>>[vector<16xi32>, vector<16xi32>], vector<16xf32>,
      %gt3A_1519 = arith.cmpf ogt, %gather3A_1518, %select_n3A_1513 : vector<16xf32>
      %select_n3A_1520 = arith.select %gt3A_1519, %gather3A_1518, %select_n3A_1513 : vector<16xi1>, vector<16xf32>
      %select_n3A_1521 = arith.select %gt3A_1519, %broadcast_in_dim3A_1516, %select_n3A_1514 : vector<16xi1>, vector<16xi32>
      %broadcast_in_dim3A_1522 = arith.constant 14 : i32
      %broadcast_in_dim3A_1523 = vector.broadcast %broadcast_in_dim3A_1522 : i32 to vector<16xi32>
      %add3A_1524 = arith.addi %mul3A_1430, %broadcast_in_dim3A_1523 : vector<16xi32>
      %gather3A_1525 = tpu.vector_load_idx %arg6[%add3A_1524, %rem3A_1424] : memref<576x128xf32, #tpu.memory_space<vmem>>[vector<16xi32>, vector<16xi32>], vector<16xf32>,
      %gt3A_1526 = arith.cmpf ogt, %gather3A_1525, %select_n3A_1520 : vector<16xf32>
      %select_n3A_1527 = arith.select %gt3A_1526, %gather3A_1525, %select_n3A_1520 : vector<16xi1>, vector<16xf32>
      %select_n3A_1528 = arith.select %gt3A_1526, %broadcast_in_dim3A_1523, %select_n3A_1521 : vector<16xi1>, vector<16xi32>
      %broadcast_in_dim3A_1529 = arith.constant 15 : i32
      %broadcast_in_dim3A_1530 = vector.broadcast %broadcast_in_dim3A_1529 : i32 to vector<16xi32>
      %add3A_1531 = arith.addi %mul3A_1430, %broadcast_in_dim3A_1530 : vector<16xi32>
      %gather3A_1532 = tpu.vector_load_idx %arg6[%add3A_1531, %rem3A_1424] : memref<576x128xf32, #tpu.memory_space<vmem>>[vector<16xi32>, vector<16xi32>], vector<16xf32>,
      %gt3A_1533 = arith.cmpf ogt, %gather3A_1532, %select_n3A_1527 : vector<16xf32>
      %select_n3A_1534 = arith.select %gt3A_1533, %gather3A_1532, %select_n3A_1527 : vector<16xi1>, vector<16xf32>
      %select_n3A_1535 = arith.select %gt3A_1533, %broadcast_in_dim3A_1530, %select_n3A_1528 : vector<16xi1>, vector<16xi32>
      %broadcast_in_dim3A_1536 = arith.constant 16 : i32
      %broadcast_in_dim3A_1537 = vector.broadcast %broadcast_in_dim3A_1536 : i32 to vector<16xi32>
      %add3A_1538 = arith.addi %mul3A_1430, %broadcast_in_dim3A_1537 : vector<16xi32>
      %gather3A_1539 = tpu.vector_load_idx %arg6[%add3A_1538, %rem3A_1424] : memref<576x128xf32, #tpu.memory_space<vmem>>[vector<16xi32>, vector<16xi32>], vector<16xf32>,
      %gt3A_1540 = arith.cmpf ogt, %gather3A_1539, %select_n3A_1534 : vector<16xf32>
      %select_n3A_1541 = arith.select %gt3A_1540, %gather3A_1539, %select_n3A_1534 : vector<16xi1>, vector<16xf32>
      %select_n3A_1542 = arith.select %gt3A_1540, %broadcast_in_dim3A_1537, %select_n3A_1535 : vector<16xi1>, vector<16xi32>
      %broadcast_in_dim3A_1543 = arith.constant 17 : i32
      %broadcast_in_dim3A_1544 = vector.broadcast %broadcast_in_dim3A_1543 : i32 to vector<16xi32>
      %add3A_1545 = arith.addi %mul3A_1430, %broadcast_in_dim3A_1544 : vector<16xi32>
      %gather3A_1546 = tpu.vector_load_idx %arg6[%add3A_1545, %rem3A_1424] : memref<576x128xf32, #tpu.memory_space<vmem>>[vector<16xi32>, vector<16xi32>], vector<16xf32>,
      %gt3A_1547 = arith.cmpf ogt, %gather3A_1546, %select_n3A_1541 : vector<16xf32>
      %select_n3A_1548 = arith.select %gt3A_1547, %gather3A_1546, %select_n3A_1541 : vector<16xi1>, vector<16xf32>
      %select_n3A_1549 = arith.select %gt3A_1547, %broadcast_in_dim3A_1544, %select_n3A_1542 : vector<16xi1>, vector<16xi32>
      %mul3A_1550 = arith.constant 16 : i32
      %mul3A_1551 = arith.muli %mul3A_717, %mul3A_1550 : i32
      %add3A_1552 = vector.broadcast %mul3A_1551 : i32 to vector<16xi32>
      %add3A_1553 = arith.addi %iota3A, %add3A_1552 : vector<16xi32>
      %broadcast_in_dim3A_1554 = arith.constant 0 : i32
      %broadcast_in_dim3A_1555 = vector.broadcast %broadcast_in_dim3A_1554 : i32 to vector<16xi32>
      %eq3A = arith.cmpi eq, %select_n3A_1549, %broadcast_in_dim3A_1555 : vector<16xi32>
      %select_n3A_1556 = arith.select %eq3A, %broadcast_in_dim3A_85, %broadcast_in_dim3A_83 : vector<16xi1>, vector<16xf32>
      tpu.vector_store_idx %arg7[%broadcast_in_dim3A_1555, %add3A_1553], %select_n3A_1556 : memref<18x512xf32, #tpu.memory_space<vmem>>[vector<16xi32>, vector<16xi32>], vector<16xf32>,
      %broadcast_in_dim3A_1557 = arith.constant 1 : i32
      %broadcast_in_dim3A_1558 = vector.broadcast %broadcast_in_dim3A_1557 : i32 to vector<16xi32>
      %eq3A_1559 = arith.cmpi eq, %select_n3A_1549, %broadcast_in_dim3A_1558 : vector<16xi32>
      %select_n3A_1560 = arith.select %eq3A_1559, %broadcast_in_dim3A_85, %broadcast_in_dim3A_83 : vector<16xi1>, vector<16xf32>
      tpu.vector_store_idx %arg7[%broadcast_in_dim3A_1558, %add3A_1553], %select_n3A_1560 : memref<18x512xf32, #tpu.memory_space<vmem>>[vector<16xi32>, vector<16xi32>], vector<16xf32>,
      %broadcast_in_dim3A_1561 = arith.constant 2 : i32
      %broadcast_in_dim3A_1562 = vector.broadcast %broadcast_in_dim3A_1561 : i32 to vector<16xi32>
      %eq3A_1563 = arith.cmpi eq, %select_n3A_1549, %broadcast_in_dim3A_1562 : vector<16xi32>
      %select_n3A_1564 = arith.select %eq3A_1563, %broadcast_in_dim3A_85, %broadcast_in_dim3A_83 : vector<16xi1>, vector<16xf32>
      tpu.vector_store_idx %arg7[%broadcast_in_dim3A_1562, %add3A_1553], %select_n3A_1564 : memref<18x512xf32, #tpu.memory_space<vmem>>[vector<16xi32>, vector<16xi32>], vector<16xf32>,
      %broadcast_in_dim3A_1565 = arith.constant 3 : i32
      %broadcast_in_dim3A_1566 = vector.broadcast %broadcast_in_dim3A_1565 : i32 to vector<16xi32>
      %eq3A_1567 = arith.cmpi eq, %select_n3A_1549, %broadcast_in_dim3A_1566 : vector<16xi32>
      %select_n3A_1568 = arith.select %eq3A_1567, %broadcast_in_dim3A_85, %broadcast_in_dim3A_83 : vector<16xi1>, vector<16xf32>
      tpu.vector_store_idx %arg7[%broadcast_in_dim3A_1566, %add3A_1553], %select_n3A_1568 : memref<18x512xf32, #tpu.memory_space<vmem>>[vector<16xi32>, vector<16xi32>], vector<16xf32>,
      %broadcast_in_dim3A_1569 = arith.constant 4 : i32
      %broadcast_in_dim3A_1570 = vector.broadcast %broadcast_in_dim3A_1569 : i32 to vector<16xi32>
      %eq3A_1571 = arith.cmpi eq, %select_n3A_1549, %broadcast_in_dim3A_1570 : vector<16xi32>
      %select_n3A_1572 = arith.select %eq3A_1571, %broadcast_in_dim3A_85, %broadcast_in_dim3A_83 : vector<16xi1>, vector<16xf32>
      tpu.vector_store_idx %arg7[%broadcast_in_dim3A_1570, %add3A_1553], %select_n3A_1572 : memref<18x512xf32, #tpu.memory_space<vmem>>[vector<16xi32>, vector<16xi32>], vector<16xf32>,
      %broadcast_in_dim3A_1573 = arith.constant 5 : i32
      %broadcast_in_dim3A_1574 = vector.broadcast %broadcast_in_dim3A_1573 : i32 to vector<16xi32>
      %eq3A_1575 = arith.cmpi eq, %select_n3A_1549, %broadcast_in_dim3A_1574 : vector<16xi32>
      %select_n3A_1576 = arith.select %eq3A_1575, %broadcast_in_dim3A_85, %broadcast_in_dim3A_83 : vector<16xi1>, vector<16xf32>
      tpu.vector_store_idx %arg7[%broadcast_in_dim3A_1574, %add3A_1553], %select_n3A_1576 : memref<18x512xf32, #tpu.memory_space<vmem>>[vector<16xi32>, vector<16xi32>], vector<16xf32>,
      %broadcast_in_dim3A_1577 = arith.constant 6 : i32
      %broadcast_in_dim3A_1578 = vector.broadcast %broadcast_in_dim3A_1577 : i32 to vector<16xi32>
      %eq3A_1579 = arith.cmpi eq, %select_n3A_1549, %broadcast_in_dim3A_1578 : vector<16xi32>
      %select_n3A_1580 = arith.select %eq3A_1579, %broadcast_in_dim3A_85, %broadcast_in_dim3A_83 : vector<16xi1>, vector<16xf32>
      tpu.vector_store_idx %arg7[%broadcast_in_dim3A_1578, %add3A_1553], %select_n3A_1580 : memref<18x512xf32, #tpu.memory_space<vmem>>[vector<16xi32>, vector<16xi32>], vector<16xf32>,
      %broadcast_in_dim3A_1581 = arith.constant 7 : i32
      %broadcast_in_dim3A_1582 = vector.broadcast %broadcast_in_dim3A_1581 : i32 to vector<16xi32>
      %eq3A_1583 = arith.cmpi eq, %select_n3A_1549, %broadcast_in_dim3A_1582 : vector<16xi32>
      %select_n3A_1584 = arith.select %eq3A_1583, %broadcast_in_dim3A_85, %broadcast_in_dim3A_83 : vector<16xi1>, vector<16xf32>
      tpu.vector_store_idx %arg7[%broadcast_in_dim3A_1582, %add3A_1553], %select_n3A_1584 : memref<18x512xf32, #tpu.memory_space<vmem>>[vector<16xi32>, vector<16xi32>], vector<16xf32>,
      %broadcast_in_dim3A_1585 = arith.constant 8 : i32
      %broadcast_in_dim3A_1586 = vector.broadcast %broadcast_in_dim3A_1585 : i32 to vector<16xi32>
      %eq3A_1587 = arith.cmpi eq, %select_n3A_1549, %broadcast_in_dim3A_1586 : vector<16xi32>
      %select_n3A_1588 = arith.select %eq3A_1587, %broadcast_in_dim3A_85, %broadcast_in_dim3A_83 : vector<16xi1>, vector<16xf32>
      tpu.vector_store_idx %arg7[%broadcast_in_dim3A_1586, %add3A_1553], %select_n3A_1588 : memref<18x512xf32, #tpu.memory_space<vmem>>[vector<16xi32>, vector<16xi32>], vector<16xf32>,
      %broadcast_in_dim3A_1589 = arith.constant 9 : i32
      %broadcast_in_dim3A_1590 = vector.broadcast %broadcast_in_dim3A_1589 : i32 to vector<16xi32>
      %eq3A_1591 = arith.cmpi eq, %select_n3A_1549, %broadcast_in_dim3A_1590 : vector<16xi32>
      %select_n3A_1592 = arith.select %eq3A_1591, %broadcast_in_dim3A_85, %broadcast_in_dim3A_83 : vector<16xi1>, vector<16xf32>
      tpu.vector_store_idx %arg7[%broadcast_in_dim3A_1590, %add3A_1553], %select_n3A_1592 : memref<18x512xf32, #tpu.memory_space<vmem>>[vector<16xi32>, vector<16xi32>], vector<16xf32>,
      %broadcast_in_dim3A_1593 = arith.constant 10 : i32
      %broadcast_in_dim3A_1594 = vector.broadcast %broadcast_in_dim3A_1593 : i32 to vector<16xi32>
      %eq3A_1595 = arith.cmpi eq, %select_n3A_1549, %broadcast_in_dim3A_1594 : vector<16xi32>
      %select_n3A_1596 = arith.select %eq3A_1595, %broadcast_in_dim3A_85, %broadcast_in_dim3A_83 : vector<16xi1>, vector<16xf32>
      tpu.vector_store_idx %arg7[%broadcast_in_dim3A_1594, %add3A_1553], %select_n3A_1596 : memref<18x512xf32, #tpu.memory_space<vmem>>[vector<16xi32>, vector<16xi32>], vector<16xf32>,
      %broadcast_in_dim3A_1597 = arith.constant 11 : i32
      %broadcast_in_dim3A_1598 = vector.broadcast %broadcast_in_dim3A_1597 : i32 to vector<16xi32>
      %eq3A_1599 = arith.cmpi eq, %select_n3A_1549, %broadcast_in_dim3A_1598 : vector<16xi32>
      %select_n3A_1600 = arith.select %eq3A_1599, %broadcast_in_dim3A_85, %broadcast_in_dim3A_83 : vector<16xi1>, vector<16xf32>
      tpu.vector_store_idx %arg7[%broadcast_in_dim3A_1598, %add3A_1553], %select_n3A_1600 : memref<18x512xf32, #tpu.memory_space<vmem>>[vector<16xi32>, vector<16xi32>], vector<16xf32>,
      %broadcast_in_dim3A_1601 = arith.constant 12 : i32
      %broadcast_in_dim3A_1602 = vector.broadcast %broadcast_in_dim3A_1601 : i32 to vector<16xi32>
      %eq3A_1603 = arith.cmpi eq, %select_n3A_1549, %broadcast_in_dim3A_1602 : vector<16xi32>
      %select_n3A_1604 = arith.select %eq3A_1603, %broadcast_in_dim3A_85, %broadcast_in_dim3A_83 : vector<16xi1>, vector<16xf32>
      tpu.vector_store_idx %arg7[%broadcast_in_dim3A_1602, %add3A_1553], %select_n3A_1604 : memref<18x512xf32, #tpu.memory_space<vmem>>[vector<16xi32>, vector<16xi32>], vector<16xf32>,
      %broadcast_in_dim3A_1605 = arith.constant 13 : i32
      %broadcast_in_dim3A_1606 = vector.broadcast %broadcast_in_dim3A_1605 : i32 to vector<16xi32>
      %eq3A_1607 = arith.cmpi eq, %select_n3A_1549, %broadcast_in_dim3A_1606 : vector<16xi32>
      %select_n3A_1608 = arith.select %eq3A_1607, %broadcast_in_dim3A_85, %broadcast_in_dim3A_83 : vector<16xi1>, vector<16xf32>
      tpu.vector_store_idx %arg7[%broadcast_in_dim3A_1606, %add3A_1553], %select_n3A_1608 : memref<18x512xf32, #tpu.memory_space<vmem>>[vector<16xi32>, vector<16xi32>], vector<16xf32>,
      %broadcast_in_dim3A_1609 = arith.constant 14 : i32
      %broadcast_in_dim3A_1610 = vector.broadcast %broadcast_in_dim3A_1609 : i32 to vector<16xi32>
      %eq3A_1611 = arith.cmpi eq, %select_n3A_1549, %broadcast_in_dim3A_1610 : vector<16xi32>
      %select_n3A_1612 = arith.select %eq3A_1611, %broadcast_in_dim3A_85, %broadcast_in_dim3A_83 : vector<16xi1>, vector<16xf32>
      tpu.vector_store_idx %arg7[%broadcast_in_dim3A_1610, %add3A_1553], %select_n3A_1612 : memref<18x512xf32, #tpu.memory_space<vmem>>[vector<16xi32>, vector<16xi32>], vector<16xf32>,
      %broadcast_in_dim3A_1613 = arith.constant 15 : i32
      %broadcast_in_dim3A_1614 = vector.broadcast %broadcast_in_dim3A_1613 : i32 to vector<16xi32>
      %eq3A_1615 = arith.cmpi eq, %select_n3A_1549, %broadcast_in_dim3A_1614 : vector<16xi32>
      %select_n3A_1616 = arith.select %eq3A_1615, %broadcast_in_dim3A_85, %broadcast_in_dim3A_83 : vector<16xi1>, vector<16xf32>
      tpu.vector_store_idx %arg7[%broadcast_in_dim3A_1614, %add3A_1553], %select_n3A_1616 : memref<18x512xf32, #tpu.memory_space<vmem>>[vector<16xi32>, vector<16xi32>], vector<16xf32>,
      %broadcast_in_dim3A_1617 = arith.constant 16 : i32
      %broadcast_in_dim3A_1618 = vector.broadcast %broadcast_in_dim3A_1617 : i32 to vector<16xi32>
      %eq3A_1619 = arith.cmpi eq, %select_n3A_1549, %broadcast_in_dim3A_1618 : vector<16xi32>
      %select_n3A_1620 = arith.select %eq3A_1619, %broadcast_in_dim3A_85, %broadcast_in_dim3A_83 : vector<16xi1>, vector<16xf32>
      tpu.vector_store_idx %arg7[%broadcast_in_dim3A_1618, %add3A_1553], %select_n3A_1620 : memref<18x512xf32, #tpu.memory_space<vmem>>[vector<16xi32>, vector<16xi32>], vector<16xf32>,
      %broadcast_in_dim3A_1621 = arith.constant 17 : i32
      %broadcast_in_dim3A_1622 = vector.broadcast %broadcast_in_dim3A_1621 : i32 to vector<16xi32>
      %eq3A_1623 = arith.cmpi eq, %select_n3A_1549, %broadcast_in_dim3A_1622 : vector<16xi32>
      %select_n3A_1624 = arith.select %eq3A_1623, %broadcast_in_dim3A_85, %broadcast_in_dim3A_83 : vector<16xi1>, vector<16xf32>
      tpu.vector_store_idx %arg7[%broadcast_in_dim3A_1622, %add3A_1553], %select_n3A_1624 : memref<18x512xf32, #tpu.memory_space<vmem>>[vector<16xi32>, vector<16xi32>], vector<16xf32>,
      %add3A_1625 = arith.constant 2 : i32
      %add3A_1626 = arith.addi %mul3A_717, %add3A_1625 : i32
      %lt3A = arith.constant 32 : i32
      %lt3A_1627 = arith.cmpi slt, %add3A_1626, %lt3A : i32
      %convert_element_type3A = arith.extui %lt3A_1627 : i1 to i32
      %cond3A = arith.constant 0 : i32
      %cond3A_1628 = arith.cmpi ne, %convert_element_type3A, %cond3A : i32
      scf.if %cond3A_1628 {
        %add3A_1881 = arith.constant 2 : i32
        %add3A_1882 = arith.addi %mul3A_717, %add3A_1881 : i32
        %jit3A_1883 = arith.constant 8 : i32
        %div3A_1884 = arith.divsi %add3A_1882, %jit3A_1883 : i32
        %sign3A_1885 = arith.constant 0 : i32
        %sign3A_1886 = arith.cmpi sgt, %add3A_1882, %sign3A_1885 : i32
        %sign3A_1887 = arith.extui %sign3A_1886 : i1 to i32
        %sign3A_1888 = arith.constant 0 : i32
        %sign3A_1889 = arith.cmpi slt, %add3A_1882, %sign3A_1888 : i32
        %sign3A_1890 = arith.extui %sign3A_1889 : i1 to i32
        %sign3A_1891 = arith.subi %sign3A_1887, %sign3A_1890 : i32
        %sign3A_1892 = arith.constant 0 : i32
        %sign3A_1893 = arith.cmpi sgt, %jit3A_1883, %sign3A_1892 : i32
        %sign3A_1894 = arith.extui %sign3A_1893 : i1 to i32
        %sign3A_1895 = arith.constant 0 : i32
        %sign3A_1896 = arith.cmpi slt, %jit3A_1883, %sign3A_1895 : i32
        %sign3A_1897 = arith.extui %sign3A_1896 : i1 to i32
        %sign3A_1898 = arith.subi %sign3A_1894, %sign3A_1897 : i32
        %ne3A_1899 = arith.cmpi ne, %sign3A_1891, %sign3A_1898 : i32
        %rem3A_1900 = arith.remsi %add3A_1882, %jit3A_1883 : i32
        %ne3A_1901 = arith.constant 0 : i32
        %ne3A_1902 = arith.cmpi ne, %rem3A_1900, %ne3A_1901 : i32
        %and3A_1903 = arith.andi %ne3A_1899, %ne3A_1902 : i1
        %sub3A_1904 = arith.constant 1 : i32
        %sub3A_1905 = arith.subi %div3A_1884, %sub3A_1904 : i32
        %select_n3A_1906 = arith.select %and3A_1903, %sub3A_1905, %div3A_1884 : i32
        %add3A_1907 = vector.broadcast %select_n3A_1906 : i32 to vector<16xi32>
        %add3A_1908 = arith.addi %broadcast_in_dim3A_81, %add3A_1907 : vector<16xi32>
        %rem3A_1909 = arith.constant 8 : i32
        %rem3A_1910 = arith.remsi %add3A_1882, %rem3A_1909 : i32
        %mul3A_1911 = arith.constant 16 : i32
        %mul3A_1912 = arith.muli %rem3A_1910, %mul3A_1911 : i32
        %add3A_1913 = vector.broadcast %mul3A_1912 : i32 to vector<16xi32>
        %add3A_1914 = arith.addi %iota3A, %add3A_1913 : vector<16xi32>
        %gather3A_1915 = tpu.vector_load_idx %arg5[%add3A_1908, %add3A_1914] : memref<4x128xi32, #tpu.memory_space<vmem>>[vector<16xi32>, vector<16xi32>], vector<16xi32>,
        %slice3A_1916 = vector.extract_strided_slice %gather3A_1915 {offsets = [0], sizes = [1], strides = [1]} : vector<16xi32> to vector<1xi32>
        %squeeze3A_1917 = vector.extract %slice3A_1916[0] : i32 from vector<1xi32>
        %jit3A_1918 = arith.constant 128 : i32
        %div3A_1919 = arith.divsi %squeeze3A_1917, %jit3A_1918 : i32
        %sign3A_1920 = arith.constant 0 : i32
        %sign3A_1921 = arith.cmpi sgt, %squeeze3A_1917, %sign3A_1920 : i32
        %sign3A_1922 = arith.extui %sign3A_1921 : i1 to i32
        %sign3A_1923 = arith.constant 0 : i32
        %sign3A_1924 = arith.cmpi slt, %squeeze3A_1917, %sign3A_1923 : i32
        %sign3A_1925 = arith.extui %sign3A_1924 : i1 to i32
        %sign3A_1926 = arith.subi %sign3A_1922, %sign3A_1925 : i32
        %sign3A_1927 = arith.constant 0 : i32
        %sign3A_1928 = arith.cmpi sgt, %jit3A_1918, %sign3A_1927 : i32
        %sign3A_1929 = arith.extui %sign3A_1928 : i1 to i32
        %sign3A_1930 = arith.constant 0 : i32
        %sign3A_1931 = arith.cmpi slt, %jit3A_1918, %sign3A_1930 : i32
        %sign3A_1932 = arith.extui %sign3A_1931 : i1 to i32
        %sign3A_1933 = arith.subi %sign3A_1929, %sign3A_1932 : i32
        %ne3A_1934 = arith.cmpi ne, %sign3A_1926, %sign3A_1933 : i32
        %rem3A_1935 = arith.remsi %squeeze3A_1917, %jit3A_1918 : i32
        %ne3A_1936 = arith.constant 0 : i32
        %ne3A_1937 = arith.cmpi ne, %rem3A_1935, %ne3A_1936 : i32
        %and3A_1938 = arith.andi %ne3A_1934, %ne3A_1937 : i1
        %sub3A_1939 = arith.constant 1 : i32
        %sub3A_1940 = arith.subi %div3A_1919, %sub3A_1939 : i32
        %select_n3A_1941 = arith.select %and3A_1938, %sub3A_1940, %div3A_1919 : i32
        %mul3A_1942 = arith.constant 128 : i32
        %mul3A_1943 = arith.muli %select_n3A_1941, %mul3A_1942 : i32
        %multiple_of3A_1944 = tpu.assume_multiple %mul3A_1943, 128 : i32
        %dma_start3A_1945 = arith.constant 0 : i32
        %dma_start3A_1946 = arith.constant 0 : i32
        %dma_start3A_1947 = tpu.memref_slice %arg6[%dma_start3A_1945, %dma_start3A_1946] : memref<576x128xf32, #tpu.memory_space<vmem>> -> memref<18x128xf32, #tpu.memory_space<vmem>>
        %dma_start3A_1948 = arith.constant 0 : i32
        %dma_start3A_1949 = tpu.memref_slice %arg3[%dma_start3A_1948, %multiple_of3A_1944] : memref<18x1000000xf32, #tpu.memory_space<hbm>> -> memref<18x128xf32, #tpu.memory_space<hbm>>
        %dma_start3A_1950 = arith.constant 0 : i32
        %dma_start3A_1951 = arith.constant 0 : i32
        %dma_start3A_1952 = tpu.memref_slice %arg6[%dma_start3A_1950, %dma_start3A_1951] : memref<576x128xf32, #tpu.memory_space<vmem>> -> memref<18x128xf32, #tpu.memory_space<vmem>>
        %dma_start3A_1953 = arith.constant 0 : i32
        %dma_start3A_1954 = tpu.memref_slice %arg3[%dma_start3A_1953, %multiple_of3A_1944] : memref<18x1000000xf32, #tpu.memory_space<hbm>> -> memref<18x128xf32, #tpu.memory_space<hbm>>
        tpu.enqueue_dma source(%dma_start3A_1954 : memref<18x128xf32, #tpu.memory_space<hbm>>) target(%dma_start3A_1952 : memref<18x128xf32, #tpu.memory_space<vmem>>) target_semaphore(%arg8 : memref<!tpu.dma_semaphore, #tpu.memory_space<semaphore_mem>>)
        %slice3A_1955 = vector.extract_strided_slice %gather3A_1915 {offsets = [1], sizes = [1], strides = [1]} : vector<16xi32> to vector<1xi32>
        %squeeze3A_1956 = vector.extract %slice3A_1955[0] : i32 from vector<1xi32>
        %jit3A_1957 = arith.constant 128 : i32
        %div3A_1958 = arith.divsi %squeeze3A_1956, %jit3A_1957 : i32
        %sign3A_1959 = arith.constant 0 : i32
        %sign3A_1960 = arith.cmpi sgt, %squeeze3A_1956, %sign3A_1959 : i32
        %sign3A_1961 = arith.extui %sign3A_1960 : i1 to i32
        %sign3A_1962 = arith.constant 0 : i32
        %sign3A_1963 = arith.cmpi slt, %squeeze3A_1956, %sign3A_1962 : i32
        %sign3A_1964 = arith.extui %sign3A_1963 : i1 to i32
        %sign3A_1965 = arith.subi %sign3A_1961, %sign3A_1964 : i32
        %sign3A_1966 = arith.constant 0 : i32
        %sign3A_1967 = arith.cmpi sgt, %jit3A_1957, %sign3A_1966 : i32
        %sign3A_1968 = arith.extui %sign3A_1967 : i1 to i32
        %sign3A_1969 = arith.constant 0 : i32
        %sign3A_1970 = arith.cmpi slt, %jit3A_1957, %sign3A_1969 : i32
        %sign3A_1971 = arith.extui %sign3A_1970 : i1 to i32
        %sign3A_1972 = arith.subi %sign3A_1968, %sign3A_1971 : i32
        %ne3A_1973 = arith.cmpi ne, %sign3A_1965, %sign3A_1972 : i32
        %rem3A_1974 = arith.remsi %squeeze3A_1956, %jit3A_1957 : i32
        %ne3A_1975 = arith.constant 0 : i32
        %ne3A_1976 = arith.cmpi ne, %rem3A_1974, %ne3A_1975 : i32
        %and3A_1977 = arith.andi %ne3A_1973, %ne3A_1976 : i1
        %sub3A_1978 = arith.constant 1 : i32
        %sub3A_1979 = arith.subi %div3A_1958, %sub3A_1978 : i32
        %select_n3A_1980 = arith.select %and3A_1977, %sub3A_1979, %div3A_1958 : i32
        %mul3A_1981 = arith.constant 128 : i32
        %mul3A_1982 = arith.muli %select_n3A_1980, %mul3A_1981 : i32
        %multiple_of3A_1983 = tpu.assume_multiple %mul3A_1982, 128 : i32
        %dma_start3A_1984 = arith.constant 18 : i32
        %dma_start3A_1985 = arith.constant 0 : i32
        %dma_start3A_1986 = tpu.memref_slice %arg6[%dma_start3A_1984, %dma_start3A_1985] : memref<576x128xf32, #tpu.memory_space<vmem>> -> memref<18x128xf32, #tpu.memory_space<vmem>>
        %dma_start3A_1987 = arith.constant 0 : i32
        %dma_start3A_1988 = tpu.memref_slice %arg3[%dma_start3A_1987, %multiple_of3A_1983] : memref<18x1000000xf32, #tpu.memory_space<hbm>> -> memref<18x128xf32, #tpu.memory_space<hbm>>
        %dma_start3A_1989 = arith.constant 18 : i32
        %dma_start3A_1990 = arith.constant 0 : i32
        %dma_start3A_1991 = tpu.memref_slice %arg6[%dma_start3A_1989, %dma_start3A_1990] : memref<576x128xf32, #tpu.memory_space<vmem>> -> memref<18x128xf32, #tpu.memory_space<vmem>>
        %dma_start3A_1992 = arith.constant 0 : i32
        %dma_start3A_1993 = tpu.memref_slice %arg3[%dma_start3A_1992, %multiple_of3A_1983] : memref<18x1000000xf32, #tpu.memory_space<hbm>> -> memref<18x128xf32, #tpu.memory_space<hbm>>
        tpu.enqueue_dma source(%dma_start3A_1993 : memref<18x128xf32, #tpu.memory_space<hbm>>) target(%dma_start3A_1991 : memref<18x128xf32, #tpu.memory_space<vmem>>) target_semaphore(%arg8 : memref<!tpu.dma_semaphore, #tpu.memory_space<semaphore_mem>>)
        %slice3A_1994 = vector.extract_strided_slice %gather3A_1915 {offsets = [2], sizes = [1], strides = [1]} : vector<16xi32> to vector<1xi32>
        %squeeze3A_1995 = vector.extract %slice3A_1994[0] : i32 from vector<1xi32>
        %jit3A_1996 = arith.constant 128 : i32
        %div3A_1997 = arith.divsi %squeeze3A_1995, %jit3A_1996 : i32
        %sign3A_1998 = arith.constant 0 : i32
        %sign3A_1999 = arith.cmpi sgt, %squeeze3A_1995, %sign3A_1998 : i32
        %sign3A_2000 = arith.extui %sign3A_1999 : i1 to i32
        %sign3A_2001 = arith.constant 0 : i32
        %sign3A_2002 = arith.cmpi slt, %squeeze3A_1995, %sign3A_2001 : i32
        %sign3A_2003 = arith.extui %sign3A_2002 : i1 to i32
        %sign3A_2004 = arith.subi %sign3A_2000, %sign3A_2003 : i32
        %sign3A_2005 = arith.constant 0 : i32
        %sign3A_2006 = arith.cmpi sgt, %jit3A_1996, %sign3A_2005 : i32
        %sign3A_2007 = arith.extui %sign3A_2006 : i1 to i32
        %sign3A_2008 = arith.constant 0 : i32
        %sign3A_2009 = arith.cmpi slt, %jit3A_1996, %sign3A_2008 : i32
        %sign3A_2010 = arith.extui %sign3A_2009 : i1 to i32
        %sign3A_2011 = arith.subi %sign3A_2007, %sign3A_2010 : i32
        %ne3A_2012 = arith.cmpi ne, %sign3A_2004, %sign3A_2011 : i32
        %rem3A_2013 = arith.remsi %squeeze3A_1995, %jit3A_1996 : i32
        %ne3A_2014 = arith.constant 0 : i32
        %ne3A_2015 = arith.cmpi ne, %rem3A_2013, %ne3A_2014 : i32
        %and3A_2016 = arith.andi %ne3A_2012, %ne3A_2015 : i1
        %sub3A_2017 = arith.constant 1 : i32
        %sub3A_2018 = arith.subi %div3A_1997, %sub3A_2017 : i32
        %select_n3A_2019 = arith.select %and3A_2016, %sub3A_2018, %div3A_1997 : i32
        %mul3A_2020 = arith.constant 128 : i32
        %mul3A_2021 = arith.muli %select_n3A_2019, %mul3A_2020 : i32
        %multiple_of3A_2022 = tpu.assume_multiple %mul3A_2021, 128 : i32
        %dma_start3A_2023 = arith.constant 36 : i32
        %dma_start3A_2024 = arith.constant 0 : i32
        %dma_start3A_2025 = tpu.memref_slice %arg6[%dma_start3A_2023, %dma_start3A_2024] : memref<576x128xf32, #tpu.memory_space<vmem>> -> memref<18x128xf32, #tpu.memory_space<vmem>>
        %dma_start3A_2026 = arith.constant 0 : i32
        %dma_start3A_2027 = tpu.memref_slice %arg3[%dma_start3A_2026, %multiple_of3A_2022] : memref<18x1000000xf32, #tpu.memory_space<hbm>> -> memref<18x128xf32, #tpu.memory_space<hbm>>
        %dma_start3A_2028 = arith.constant 36 : i32
        %dma_start3A_2029 = arith.constant 0 : i32
        %dma_start3A_2030 = tpu.memref_slice %arg6[%dma_start3A_2028, %dma_start3A_2029] : memref<576x128xf32, #tpu.memory_space<vmem>> -> memref<18x128xf32, #tpu.memory_space<vmem>>
        %dma_start3A_2031 = arith.constant 0 : i32
        %dma_start3A_2032 = tpu.memref_slice %arg3[%dma_start3A_2031, %multiple_of3A_2022] : memref<18x1000000xf32, #tpu.memory_space<hbm>> -> memref<18x128xf32, #tpu.memory_space<hbm>>
        tpu.enqueue_dma source(%dma_start3A_2032 : memref<18x128xf32, #tpu.memory_space<hbm>>) target(%dma_start3A_2030 : memref<18x128xf32, #tpu.memory_space<vmem>>) target_semaphore(%arg8 : memref<!tpu.dma_semaphore, #tpu.memory_space<semaphore_mem>>)
        %slice3A_2033 = vector.extract_strided_slice %gather3A_1915 {offsets = [3], sizes = [1], strides = [1]} : vector<16xi32> to vector<1xi32>
        %squeeze3A_2034 = vector.extract %slice3A_2033[0] : i32 from vector<1xi32>
        %jit3A_2035 = arith.constant 128 : i32
        %div3A_2036 = arith.divsi %squeeze3A_2034, %jit3A_2035 : i32
        %sign3A_2037 = arith.constant 0 : i32
        %sign3A_2038 = arith.cmpi sgt, %squeeze3A_2034, %sign3A_2037 : i32
        %sign3A_2039 = arith.extui %sign3A_2038 : i1 to i32
        %sign3A_2040 = arith.constant 0 : i32
        %sign3A_2041 = arith.cmpi slt, %squeeze3A_2034, %sign3A_2040 : i32
        %sign3A_2042 = arith.extui %sign3A_2041 : i1 to i32
        %sign3A_2043 = arith.subi %sign3A_2039, %sign3A_2042 : i32
        %sign3A_2044 = arith.constant 0 : i32
        %sign3A_2045 = arith.cmpi sgt, %jit3A_2035, %sign3A_2044 : i32
        %sign3A_2046 = arith.extui %sign3A_2045 : i1 to i32
        %sign3A_2047 = arith.constant 0 : i32
        %sign3A_2048 = arith.cmpi slt, %jit3A_2035, %sign3A_2047 : i32
        %sign3A_2049 = arith.extui %sign3A_2048 : i1 to i32
        %sign3A_2050 = arith.subi %sign3A_2046, %sign3A_2049 : i32
        %ne3A_2051 = arith.cmpi ne, %sign3A_2043, %sign3A_2050 : i32
        %rem3A_2052 = arith.remsi %squeeze3A_2034, %jit3A_2035 : i32
        %ne3A_2053 = arith.constant 0 : i32
        %ne3A_2054 = arith.cmpi ne, %rem3A_2052, %ne3A_2053 : i32
        %and3A_2055 = arith.andi %ne3A_2051, %ne3A_2054 : i1
        %sub3A_2056 = arith.constant 1 : i32
        %sub3A_2057 = arith.subi %div3A_2036, %sub3A_2056 : i32
        %select_n3A_2058 = arith.select %and3A_2055, %sub3A_2057, %div3A_2036 : i32
        %mul3A_2059 = arith.constant 128 : i32
        %mul3A_2060 = arith.muli %select_n3A_2058, %mul3A_2059 : i32
        %multiple_of3A_2061 = tpu.assume_multiple %mul3A_2060, 128 : i32
        %dma_start3A_2062 = arith.constant 54 : i32
        %dma_start3A_2063 = arith.constant 0 : i32
        %dma_start3A_2064 = tpu.memref_slice %arg6[%dma_start3A_2062, %dma_start3A_2063] : memref<576x128xf32, #tpu.memory_space<vmem>> -> memref<18x128xf32, #tpu.memory_space<vmem>>
        %dma_start3A_2065 = arith.constant 0 : i32
        %dma_start3A_2066 = tpu.memref_slice %arg3[%dma_start3A_2065, %multiple_of3A_2061] : memref<18x1000000xf32, #tpu.memory_space<hbm>> -> memref<18x128xf32, #tpu.memory_space<hbm>>
        %dma_start3A_2067 = arith.constant 54 : i32
        %dma_start3A_2068 = arith.constant 0 : i32
        %dma_start3A_2069 = tpu.memref_slice %arg6[%dma_start3A_2067, %dma_start3A_2068] : memref<576x128xf32, #tpu.memory_space<vmem>> -> memref<18x128xf32, #tpu.memory_space<vmem>>
        %dma_start3A_2070 = arith.constant 0 : i32
        %dma_start3A_2071 = tpu.memref_slice %arg3[%dma_start3A_2070, %multiple_of3A_2061] : memref<18x1000000xf32, #tpu.memory_space<hbm>> -> memref<18x128xf32, #tpu.memory_space<hbm>>
        tpu.enqueue_dma source(%dma_start3A_2071 : memref<18x128xf32, #tpu.memory_space<hbm>>) target(%dma_start3A_2069 : memref<18x128xf32, #tpu.memory_space<vmem>>) target_semaphore(%arg8 : memref<!tpu.dma_semaphore, #tpu.memory_space<semaphore_mem>>)
        %slice3A_2072 = vector.extract_strided_slice %gather3A_1915 {offsets = [4], sizes = [1], strides = [1]} : vector<16xi32> to vector<1xi32>
        %squeeze3A_2073 = vector.extract %slice3A_2072[0] : i32 from vector<1xi32>
        %jit3A_2074 = arith.constant 128 : i32
        %div3A_2075 = arith.divsi %squeeze3A_2073, %jit3A_2074 : i32
        %sign3A_2076 = arith.constant 0 : i32
        %sign3A_2077 = arith.cmpi sgt, %squeeze3A_2073, %sign3A_2076 : i32
        %sign3A_2078 = arith.extui %sign3A_2077 : i1 to i32
        %sign3A_2079 = arith.constant 0 : i32
        %sign3A_2080 = arith.cmpi slt, %squeeze3A_2073, %sign3A_2079 : i32
        %sign3A_2081 = arith.extui %sign3A_2080 : i1 to i32
        %sign3A_2082 = arith.subi %sign3A_2078, %sign3A_2081 : i32
        %sign3A_2083 = arith.constant 0 : i32
        %sign3A_2084 = arith.cmpi sgt, %jit3A_2074, %sign3A_2083 : i32
        %sign3A_2085 = arith.extui %sign3A_2084 : i1 to i32
        %sign3A_2086 = arith.constant 0 : i32
        %sign3A_2087 = arith.cmpi slt, %jit3A_2074, %sign3A_2086 : i32
        %sign3A_2088 = arith.extui %sign3A_2087 : i1 to i32
        %sign3A_2089 = arith.subi %sign3A_2085, %sign3A_2088 : i32
        %ne3A_2090 = arith.cmpi ne, %sign3A_2082, %sign3A_2089 : i32
        %rem3A_2091 = arith.remsi %squeeze3A_2073, %jit3A_2074 : i32
        %ne3A_2092 = arith.constant 0 : i32
        %ne3A_2093 = arith.cmpi ne, %rem3A_2091, %ne3A_2092 : i32
        %and3A_2094 = arith.andi %ne3A_2090, %ne3A_2093 : i1
        %sub3A_2095 = arith.constant 1 : i32
        %sub3A_2096 = arith.subi %div3A_2075, %sub3A_2095 : i32
        %select_n3A_2097 = arith.select %and3A_2094, %sub3A_2096, %div3A_2075 : i32
        %mul3A_2098 = arith.constant 128 : i32
        %mul3A_2099 = arith.muli %select_n3A_2097, %mul3A_2098 : i32
        %multiple_of3A_2100 = tpu.assume_multiple %mul3A_2099, 128 : i32
        %dma_start3A_2101 = arith.constant 72 : i32
        %dma_start3A_2102 = arith.constant 0 : i32
        %dma_start3A_2103 = tpu.memref_slice %arg6[%dma_start3A_2101, %dma_start3A_2102] : memref<576x128xf32, #tpu.memory_space<vmem>> -> memref<18x128xf32, #tpu.memory_space<vmem>>
        %dma_start3A_2104 = arith.constant 0 : i32
        %dma_start3A_2105 = tpu.memref_slice %arg3[%dma_start3A_2104, %multiple_of3A_2100] : memref<18x1000000xf32, #tpu.memory_space<hbm>> -> memref<18x128xf32, #tpu.memory_space<hbm>>
        %dma_start3A_2106 = arith.constant 72 : i32
        %dma_start3A_2107 = arith.constant 0 : i32
        %dma_start3A_2108 = tpu.memref_slice %arg6[%dma_start3A_2106, %dma_start3A_2107] : memref<576x128xf32, #tpu.memory_space<vmem>> -> memref<18x128xf32, #tpu.memory_space<vmem>>
        %dma_start3A_2109 = arith.constant 0 : i32
        %dma_start3A_2110 = tpu.memref_slice %arg3[%dma_start3A_2109, %multiple_of3A_2100] : memref<18x1000000xf32, #tpu.memory_space<hbm>> -> memref<18x128xf32, #tpu.memory_space<hbm>>
        tpu.enqueue_dma source(%dma_start3A_2110 : memref<18x128xf32, #tpu.memory_space<hbm>>) target(%dma_start3A_2108 : memref<18x128xf32, #tpu.memory_space<vmem>>) target_semaphore(%arg8 : memref<!tpu.dma_semaphore, #tpu.memory_space<semaphore_mem>>)
        %slice3A_2111 = vector.extract_strided_slice %gather3A_1915 {offsets = [5], sizes = [1], strides = [1]} : vector<16xi32> to vector<1xi32>
        %squeeze3A_2112 = vector.extract %slice3A_2111[0] : i32 from vector<1xi32>
        %jit3A_2113 = arith.constant 128 : i32
        %div3A_2114 = arith.divsi %squeeze3A_2112, %jit3A_2113 : i32
        %sign3A_2115 = arith.constant 0 : i32
        %sign3A_2116 = arith.cmpi sgt, %squeeze3A_2112, %sign3A_2115 : i32
        %sign3A_2117 = arith.extui %sign3A_2116 : i1 to i32
        %sign3A_2118 = arith.constant 0 : i32
        %sign3A_2119 = arith.cmpi slt, %squeeze3A_2112, %sign3A_2118 : i32
        %sign3A_2120 = arith.extui %sign3A_2119 : i1 to i32
        %sign3A_2121 = arith.subi %sign3A_2117, %sign3A_2120 : i32
        %sign3A_2122 = arith.constant 0 : i32
        %sign3A_2123 = arith.cmpi sgt, %jit3A_2113, %sign3A_2122 : i32
        %sign3A_2124 = arith.extui %sign3A_2123 : i1 to i32
        %sign3A_2125 = arith.constant 0 : i32
        %sign3A_2126 = arith.cmpi slt, %jit3A_2113, %sign3A_2125 : i32
        %sign3A_2127 = arith.extui %sign3A_2126 : i1 to i32
        %sign3A_2128 = arith.subi %sign3A_2124, %sign3A_2127 : i32
        %ne3A_2129 = arith.cmpi ne, %sign3A_2121, %sign3A_2128 : i32
        %rem3A_2130 = arith.remsi %squeeze3A_2112, %jit3A_2113 : i32
        %ne3A_2131 = arith.constant 0 : i32
        %ne3A_2132 = arith.cmpi ne, %rem3A_2130, %ne3A_2131 : i32
        %and3A_2133 = arith.andi %ne3A_2129, %ne3A_2132 : i1
        %sub3A_2134 = arith.constant 1 : i32
        %sub3A_2135 = arith.subi %div3A_2114, %sub3A_2134 : i32
        %select_n3A_2136 = arith.select %and3A_2133, %sub3A_2135, %div3A_2114 : i32
        %mul3A_2137 = arith.constant 128 : i32
        %mul3A_2138 = arith.muli %select_n3A_2136, %mul3A_2137 : i32
        %multiple_of3A_2139 = tpu.assume_multiple %mul3A_2138, 128 : i32
        %dma_start3A_2140 = arith.constant 90 : i32
        %dma_start3A_2141 = arith.constant 0 : i32
        %dma_start3A_2142 = tpu.memref_slice %arg6[%dma_start3A_2140, %dma_start3A_2141] : memref<576x128xf32, #tpu.memory_space<vmem>> -> memref<18x128xf32, #tpu.memory_space<vmem>>
        %dma_start3A_2143 = arith.constant 0 : i32
        %dma_start3A_2144 = tpu.memref_slice %arg3[%dma_start3A_2143, %multiple_of3A_2139] : memref<18x1000000xf32, #tpu.memory_space<hbm>> -> memref<18x128xf32, #tpu.memory_space<hbm>>
        %dma_start3A_2145 = arith.constant 90 : i32
        %dma_start3A_2146 = arith.constant 0 : i32
        %dma_start3A_2147 = tpu.memref_slice %arg6[%dma_start3A_2145, %dma_start3A_2146] : memref<576x128xf32, #tpu.memory_space<vmem>> -> memref<18x128xf32, #tpu.memory_space<vmem>>
        %dma_start3A_2148 = arith.constant 0 : i32
        %dma_start3A_2149 = tpu.memref_slice %arg3[%dma_start3A_2148, %multiple_of3A_2139] : memref<18x1000000xf32, #tpu.memory_space<hbm>> -> memref<18x128xf32, #tpu.memory_space<hbm>>
        tpu.enqueue_dma source(%dma_start3A_2149 : memref<18x128xf32, #tpu.memory_space<hbm>>) target(%dma_start3A_2147 : memref<18x128xf32, #tpu.memory_space<vmem>>) target_semaphore(%arg8 : memref<!tpu.dma_semaphore, #tpu.memory_space<semaphore_mem>>)
        %slice3A_2150 = vector.extract_strided_slice %gather3A_1915 {offsets = [6], sizes = [1], strides = [1]} : vector<16xi32> to vector<1xi32>
        %squeeze3A_2151 = vector.extract %slice3A_2150[0] : i32 from vector<1xi32>
        %jit3A_2152 = arith.constant 128 : i32
        %div3A_2153 = arith.divsi %squeeze3A_2151, %jit3A_2152 : i32
        %sign3A_2154 = arith.constant 0 : i32
        %sign3A_2155 = arith.cmpi sgt, %squeeze3A_2151, %sign3A_2154 : i32
        %sign3A_2156 = arith.extui %sign3A_2155 : i1 to i32
        %sign3A_2157 = arith.constant 0 : i32
        %sign3A_2158 = arith.cmpi slt, %squeeze3A_2151, %sign3A_2157 : i32
        %sign3A_2159 = arith.extui %sign3A_2158 : i1 to i32
        %sign3A_2160 = arith.subi %sign3A_2156, %sign3A_2159 : i32
        %sign3A_2161 = arith.constant 0 : i32
        %sign3A_2162 = arith.cmpi sgt, %jit3A_2152, %sign3A_2161 : i32
        %sign3A_2163 = arith.extui %sign3A_2162 : i1 to i32
        %sign3A_2164 = arith.constant 0 : i32
        %sign3A_2165 = arith.cmpi slt, %jit3A_2152, %sign3A_2164 : i32
        %sign3A_2166 = arith.extui %sign3A_2165 : i1 to i32
        %sign3A_2167 = arith.subi %sign3A_2163, %sign3A_2166 : i32
        %ne3A_2168 = arith.cmpi ne, %sign3A_2160, %sign3A_2167 : i32
        %rem3A_2169 = arith.remsi %squeeze3A_2151, %jit3A_2152 : i32
        %ne3A_2170 = arith.constant 0 : i32
        %ne3A_2171 = arith.cmpi ne, %rem3A_2169, %ne3A_2170 : i32
        %and3A_2172 = arith.andi %ne3A_2168, %ne3A_2171 : i1
        %sub3A_2173 = arith.constant 1 : i32
        %sub3A_2174 = arith.subi %div3A_2153, %sub3A_2173 : i32
        %select_n3A_2175 = arith.select %and3A_2172, %sub3A_2174, %div3A_2153 : i32
        %mul3A_2176 = arith.constant 128 : i32
        %mul3A_2177 = arith.muli %select_n3A_2175, %mul3A_2176 : i32
        %multiple_of3A_2178 = tpu.assume_multiple %mul3A_2177, 128 : i32
        %dma_start3A_2179 = arith.constant 108 : i32
        %dma_start3A_2180 = arith.constant 0 : i32
        %dma_start3A_2181 = tpu.memref_slice %arg6[%dma_start3A_2179, %dma_start3A_2180] : memref<576x128xf32, #tpu.memory_space<vmem>> -> memref<18x128xf32, #tpu.memory_space<vmem>>
        %dma_start3A_2182 = arith.constant 0 : i32
        %dma_start3A_2183 = tpu.memref_slice %arg3[%dma_start3A_2182, %multiple_of3A_2178] : memref<18x1000000xf32, #tpu.memory_space<hbm>> -> memref<18x128xf32, #tpu.memory_space<hbm>>
        %dma_start3A_2184 = arith.constant 108 : i32
        %dma_start3A_2185 = arith.constant 0 : i32
        %dma_start3A_2186 = tpu.memref_slice %arg6[%dma_start3A_2184, %dma_start3A_2185] : memref<576x128xf32, #tpu.memory_space<vmem>> -> memref<18x128xf32, #tpu.memory_space<vmem>>
        %dma_start3A_2187 = arith.constant 0 : i32
        %dma_start3A_2188 = tpu.memref_slice %arg3[%dma_start3A_2187, %multiple_of3A_2178] : memref<18x1000000xf32, #tpu.memory_space<hbm>> -> memref<18x128xf32, #tpu.memory_space<hbm>>
        tpu.enqueue_dma source(%dma_start3A_2188 : memref<18x128xf32, #tpu.memory_space<hbm>>) target(%dma_start3A_2186 : memref<18x128xf32, #tpu.memory_space<vmem>>) target_semaphore(%arg8 : memref<!tpu.dma_semaphore, #tpu.memory_space<semaphore_mem>>)
        %slice3A_2189 = vector.extract_strided_slice %gather3A_1915 {offsets = [7], sizes = [1], strides = [1]} : vector<16xi32> to vector<1xi32>
        %squeeze3A_2190 = vector.extract %slice3A_2189[0] : i32 from vector<1xi32>
        %jit3A_2191 = arith.constant 128 : i32
        %div3A_2192 = arith.divsi %squeeze3A_2190, %jit3A_2191 : i32
        %sign3A_2193 = arith.constant 0 : i32
        %sign3A_2194 = arith.cmpi sgt, %squeeze3A_2190, %sign3A_2193 : i32
        %sign3A_2195 = arith.extui %sign3A_2194 : i1 to i32
        %sign3A_2196 = arith.constant 0 : i32
        %sign3A_2197 = arith.cmpi slt, %squeeze3A_2190, %sign3A_2196 : i32
        %sign3A_2198 = arith.extui %sign3A_2197 : i1 to i32
        %sign3A_2199 = arith.subi %sign3A_2195, %sign3A_2198 : i32
        %sign3A_2200 = arith.constant 0 : i32
        %sign3A_2201 = arith.cmpi sgt, %jit3A_2191, %sign3A_2200 : i32
        %sign3A_2202 = arith.extui %sign3A_2201 : i1 to i32
        %sign3A_2203 = arith.constant 0 : i32
        %sign3A_2204 = arith.cmpi slt, %jit3A_2191, %sign3A_2203 : i32
        %sign3A_2205 = arith.extui %sign3A_2204 : i1 to i32
        %sign3A_2206 = arith.subi %sign3A_2202, %sign3A_2205 : i32
        %ne3A_2207 = arith.cmpi ne, %sign3A_2199, %sign3A_2206 : i32
        %rem3A_2208 = arith.remsi %squeeze3A_2190, %jit3A_2191 : i32
        %ne3A_2209 = arith.constant 0 : i32
        %ne3A_2210 = arith.cmpi ne, %rem3A_2208, %ne3A_2209 : i32
        %and3A_2211 = arith.andi %ne3A_2207, %ne3A_2210 : i1
        %sub3A_2212 = arith.constant 1 : i32
        %sub3A_2213 = arith.subi %div3A_2192, %sub3A_2212 : i32
        %select_n3A_2214 = arith.select %and3A_2211, %sub3A_2213, %div3A_2192 : i32
        %mul3A_2215 = arith.constant 128 : i32
        %mul3A_2216 = arith.muli %select_n3A_2214, %mul3A_2215 : i32
        %multiple_of3A_2217 = tpu.assume_multiple %mul3A_2216, 128 : i32
        %dma_start3A_2218 = arith.constant 126 : i32
        %dma_start3A_2219 = arith.constant 0 : i32
        %dma_start3A_2220 = tpu.memref_slice %arg6[%dma_start3A_2218, %dma_start3A_2219] : memref<576x128xf32, #tpu.memory_space<vmem>> -> memref<18x128xf32, #tpu.memory_space<vmem>>
        %dma_start3A_2221 = arith.constant 0 : i32
        %dma_start3A_2222 = tpu.memref_slice %arg3[%dma_start3A_2221, %multiple_of3A_2217] : memref<18x1000000xf32, #tpu.memory_space<hbm>> -> memref<18x128xf32, #tpu.memory_space<hbm>>
        %dma_start3A_2223 = arith.constant 126 : i32
        %dma_start3A_2224 = arith.constant 0 : i32
        %dma_start3A_2225 = tpu.memref_slice %arg6[%dma_start3A_2223, %dma_start3A_2224] : memref<576x128xf32, #tpu.memory_space<vmem>> -> memref<18x128xf32, #tpu.memory_space<vmem>>
        %dma_start3A_2226 = arith.constant 0 : i32
        %dma_start3A_2227 = tpu.memref_slice %arg3[%dma_start3A_2226, %multiple_of3A_2217] : memref<18x1000000xf32, #tpu.memory_space<hbm>> -> memref<18x128xf32, #tpu.memory_space<hbm>>
        tpu.enqueue_dma source(%dma_start3A_2227 : memref<18x128xf32, #tpu.memory_space<hbm>>) target(%dma_start3A_2225 : memref<18x128xf32, #tpu.memory_space<vmem>>) target_semaphore(%arg8 : memref<!tpu.dma_semaphore, #tpu.memory_space<semaphore_mem>>)
        %slice3A_2228 = vector.extract_strided_slice %gather3A_1915 {offsets = [8], sizes = [1], strides = [1]} : vector<16xi32> to vector<1xi32>
        %squeeze3A_2229 = vector.extract %slice3A_2228[0] : i32 from vector<1xi32>
        %jit3A_2230 = arith.constant 128 : i32
        %div3A_2231 = arith.divsi %squeeze3A_2229, %jit3A_2230 : i32
        %sign3A_2232 = arith.constant 0 : i32
        %sign3A_2233 = arith.cmpi sgt, %squeeze3A_2229, %sign3A_2232 : i32
        %sign3A_2234 = arith.extui %sign3A_2233 : i1 to i32
        %sign3A_2235 = arith.constant 0 : i32
        %sign3A_2236 = arith.cmpi slt, %squeeze3A_2229, %sign3A_2235 : i32
        %sign3A_2237 = arith.extui %sign3A_2236 : i1 to i32
        %sign3A_2238 = arith.subi %sign3A_2234, %sign3A_2237 : i32
        %sign3A_2239 = arith.constant 0 : i32
        %sign3A_2240 = arith.cmpi sgt, %jit3A_2230, %sign3A_2239 : i32
        %sign3A_2241 = arith.extui %sign3A_2240 : i1 to i32
        %sign3A_2242 = arith.constant 0 : i32
        %sign3A_2243 = arith.cmpi slt, %jit3A_2230, %sign3A_2242 : i32
        %sign3A_2244 = arith.extui %sign3A_2243 : i1 to i32
        %sign3A_2245 = arith.subi %sign3A_2241, %sign3A_2244 : i32
        %ne3A_2246 = arith.cmpi ne, %sign3A_2238, %sign3A_2245 : i32
        %rem3A_2247 = arith.remsi %squeeze3A_2229, %jit3A_2230 : i32
        %ne3A_2248 = arith.constant 0 : i32
        %ne3A_2249 = arith.cmpi ne, %rem3A_2247, %ne3A_2248 : i32
        %and3A_2250 = arith.andi %ne3A_2246, %ne3A_2249 : i1
        %sub3A_2251 = arith.constant 1 : i32
        %sub3A_2252 = arith.subi %div3A_2231, %sub3A_2251 : i32
        %select_n3A_2253 = arith.select %and3A_2250, %sub3A_2252, %div3A_2231 : i32
        %mul3A_2254 = arith.constant 128 : i32
        %mul3A_2255 = arith.muli %select_n3A_2253, %mul3A_2254 : i32
        %multiple_of3A_2256 = tpu.assume_multiple %mul3A_2255, 128 : i32
        %dma_start3A_2257 = arith.constant 144 : i32
        %dma_start3A_2258 = arith.constant 0 : i32
        %dma_start3A_2259 = tpu.memref_slice %arg6[%dma_start3A_2257, %dma_start3A_2258] : memref<576x128xf32, #tpu.memory_space<vmem>> -> memref<18x128xf32, #tpu.memory_space<vmem>>
        %dma_start3A_2260 = arith.constant 0 : i32
        %dma_start3A_2261 = tpu.memref_slice %arg3[%dma_start3A_2260, %multiple_of3A_2256] : memref<18x1000000xf32, #tpu.memory_space<hbm>> -> memref<18x128xf32, #tpu.memory_space<hbm>>
        %dma_start3A_2262 = arith.constant 144 : i32
        %dma_start3A_2263 = arith.constant 0 : i32
        %dma_start3A_2264 = tpu.memref_slice %arg6[%dma_start3A_2262, %dma_start3A_2263] : memref<576x128xf32, #tpu.memory_space<vmem>> -> memref<18x128xf32, #tpu.memory_space<vmem>>
        %dma_start3A_2265 = arith.constant 0 : i32
        %dma_start3A_2266 = tpu.memref_slice %arg3[%dma_start3A_2265, %multiple_of3A_2256] : memref<18x1000000xf32, #tpu.memory_space<hbm>> -> memref<18x128xf32, #tpu.memory_space<hbm>>
        tpu.enqueue_dma source(%dma_start3A_2266 : memref<18x128xf32, #tpu.memory_space<hbm>>) target(%dma_start3A_2264 : memref<18x128xf32, #tpu.memory_space<vmem>>) target_semaphore(%arg8 : memref<!tpu.dma_semaphore, #tpu.memory_space<semaphore_mem>>)
        %slice3A_2267 = vector.extract_strided_slice %gather3A_1915 {offsets = [9], sizes = [1], strides = [1]} : vector<16xi32> to vector<1xi32>
        %squeeze3A_2268 = vector.extract %slice3A_2267[0] : i32 from vector<1xi32>
        %jit3A_2269 = arith.constant 128 : i32
        %div3A_2270 = arith.divsi %squeeze3A_2268, %jit3A_2269 : i32
        %sign3A_2271 = arith.constant 0 : i32
        %sign3A_2272 = arith.cmpi sgt, %squeeze3A_2268, %sign3A_2271 : i32
        %sign3A_2273 = arith.extui %sign3A_2272 : i1 to i32
        %sign3A_2274 = arith.constant 0 : i32
        %sign3A_2275 = arith.cmpi slt, %squeeze3A_2268, %sign3A_2274 : i32
        %sign3A_2276 = arith.extui %sign3A_2275 : i1 to i32
        %sign3A_2277 = arith.subi %sign3A_2273, %sign3A_2276 : i32
        %sign3A_2278 = arith.constant 0 : i32
        %sign3A_2279 = arith.cmpi sgt, %jit3A_2269, %sign3A_2278 : i32
        %sign3A_2280 = arith.extui %sign3A_2279 : i1 to i32
        %sign3A_2281 = arith.constant 0 : i32
        %sign3A_2282 = arith.cmpi slt, %jit3A_2269, %sign3A_2281 : i32
        %sign3A_2283 = arith.extui %sign3A_2282 : i1 to i32
        %sign3A_2284 = arith.subi %sign3A_2280, %sign3A_2283 : i32
        %ne3A_2285 = arith.cmpi ne, %sign3A_2277, %sign3A_2284 : i32
        %rem3A_2286 = arith.remsi %squeeze3A_2268, %jit3A_2269 : i32
        %ne3A_2287 = arith.constant 0 : i32
        %ne3A_2288 = arith.cmpi ne, %rem3A_2286, %ne3A_2287 : i32
        %and3A_2289 = arith.andi %ne3A_2285, %ne3A_2288 : i1
        %sub3A_2290 = arith.constant 1 : i32
        %sub3A_2291 = arith.subi %div3A_2270, %sub3A_2290 : i32
        %select_n3A_2292 = arith.select %and3A_2289, %sub3A_2291, %div3A_2270 : i32
        %mul3A_2293 = arith.constant 128 : i32
        %mul3A_2294 = arith.muli %select_n3A_2292, %mul3A_2293 : i32
        %multiple_of3A_2295 = tpu.assume_multiple %mul3A_2294, 128 : i32
        %dma_start3A_2296 = arith.constant 162 : i32
        %dma_start3A_2297 = arith.constant 0 : i32
        %dma_start3A_2298 = tpu.memref_slice %arg6[%dma_start3A_2296, %dma_start3A_2297] : memref<576x128xf32, #tpu.memory_space<vmem>> -> memref<18x128xf32, #tpu.memory_space<vmem>>
        %dma_start3A_2299 = arith.constant 0 : i32
        %dma_start3A_2300 = tpu.memref_slice %arg3[%dma_start3A_2299, %multiple_of3A_2295] : memref<18x1000000xf32, #tpu.memory_space<hbm>> -> memref<18x128xf32, #tpu.memory_space<hbm>>
        %dma_start3A_2301 = arith.constant 162 : i32
        %dma_start3A_2302 = arith.constant 0 : i32
        %dma_start3A_2303 = tpu.memref_slice %arg6[%dma_start3A_2301, %dma_start3A_2302] : memref<576x128xf32, #tpu.memory_space<vmem>> -> memref<18x128xf32, #tpu.memory_space<vmem>>
        %dma_start3A_2304 = arith.constant 0 : i32
        %dma_start3A_2305 = tpu.memref_slice %arg3[%dma_start3A_2304, %multiple_of3A_2295] : memref<18x1000000xf32, #tpu.memory_space<hbm>> -> memref<18x128xf32, #tpu.memory_space<hbm>>
        tpu.enqueue_dma source(%dma_start3A_2305 : memref<18x128xf32, #tpu.memory_space<hbm>>) target(%dma_start3A_2303 : memref<18x128xf32, #tpu.memory_space<vmem>>) target_semaphore(%arg8 : memref<!tpu.dma_semaphore, #tpu.memory_space<semaphore_mem>>)
        %slice3A_2306 = vector.extract_strided_slice %gather3A_1915 {offsets = [10], sizes = [1], strides = [1]} : vector<16xi32> to vector<1xi32>
        %squeeze3A_2307 = vector.extract %slice3A_2306[0] : i32 from vector<1xi32>
        %jit3A_2308 = arith.constant 128 : i32
        %div3A_2309 = arith.divsi %squeeze3A_2307, %jit3A_2308 : i32
        %sign3A_2310 = arith.constant 0 : i32
        %sign3A_2311 = arith.cmpi sgt, %squeeze3A_2307, %sign3A_2310 : i32
        %sign3A_2312 = arith.extui %sign3A_2311 : i1 to i32
        %sign3A_2313 = arith.constant 0 : i32
        %sign3A_2314 = arith.cmpi slt, %squeeze3A_2307, %sign3A_2313 : i32
        %sign3A_2315 = arith.extui %sign3A_2314 : i1 to i32
        %sign3A_2316 = arith.subi %sign3A_2312, %sign3A_2315 : i32
        %sign3A_2317 = arith.constant 0 : i32
        %sign3A_2318 = arith.cmpi sgt, %jit3A_2308, %sign3A_2317 : i32
        %sign3A_2319 = arith.extui %sign3A_2318 : i1 to i32
        %sign3A_2320 = arith.constant 0 : i32
        %sign3A_2321 = arith.cmpi slt, %jit3A_2308, %sign3A_2320 : i32
        %sign3A_2322 = arith.extui %sign3A_2321 : i1 to i32
        %sign3A_2323 = arith.subi %sign3A_2319, %sign3A_2322 : i32
        %ne3A_2324 = arith.cmpi ne, %sign3A_2316, %sign3A_2323 : i32
        %rem3A_2325 = arith.remsi %squeeze3A_2307, %jit3A_2308 : i32
        %ne3A_2326 = arith.constant 0 : i32
        %ne3A_2327 = arith.cmpi ne, %rem3A_2325, %ne3A_2326 : i32
        %and3A_2328 = arith.andi %ne3A_2324, %ne3A_2327 : i1
        %sub3A_2329 = arith.constant 1 : i32
        %sub3A_2330 = arith.subi %div3A_2309, %sub3A_2329 : i32
        %select_n3A_2331 = arith.select %and3A_2328, %sub3A_2330, %div3A_2309 : i32
        %mul3A_2332 = arith.constant 128 : i32
        %mul3A_2333 = arith.muli %select_n3A_2331, %mul3A_2332 : i32
        %multiple_of3A_2334 = tpu.assume_multiple %mul3A_2333, 128 : i32
        %dma_start3A_2335 = arith.constant 180 : i32
        %dma_start3A_2336 = arith.constant 0 : i32
        %dma_start3A_2337 = tpu.memref_slice %arg6[%dma_start3A_2335, %dma_start3A_2336] : memref<576x128xf32, #tpu.memory_space<vmem>> -> memref<18x128xf32, #tpu.memory_space<vmem>>
        %dma_start3A_2338 = arith.constant 0 : i32
        %dma_start3A_2339 = tpu.memref_slice %arg3[%dma_start3A_2338, %multiple_of3A_2334] : memref<18x1000000xf32, #tpu.memory_space<hbm>> -> memref<18x128xf32, #tpu.memory_space<hbm>>
        %dma_start3A_2340 = arith.constant 180 : i32
        %dma_start3A_2341 = arith.constant 0 : i32
        %dma_start3A_2342 = tpu.memref_slice %arg6[%dma_start3A_2340, %dma_start3A_2341] : memref<576x128xf32, #tpu.memory_space<vmem>> -> memref<18x128xf32, #tpu.memory_space<vmem>>
        %dma_start3A_2343 = arith.constant 0 : i32
        %dma_start3A_2344 = tpu.memref_slice %arg3[%dma_start3A_2343, %multiple_of3A_2334] : memref<18x1000000xf32, #tpu.memory_space<hbm>> -> memref<18x128xf32, #tpu.memory_space<hbm>>
        tpu.enqueue_dma source(%dma_start3A_2344 : memref<18x128xf32, #tpu.memory_space<hbm>>) target(%dma_start3A_2342 : memref<18x128xf32, #tpu.memory_space<vmem>>) target_semaphore(%arg8 : memref<!tpu.dma_semaphore, #tpu.memory_space<semaphore_mem>>)
        %slice3A_2345 = vector.extract_strided_slice %gather3A_1915 {offsets = [11], sizes = [1], strides = [1]} : vector<16xi32> to vector<1xi32>
        %squeeze3A_2346 = vector.extract %slice3A_2345[0] : i32 from vector<1xi32>
        %jit3A_2347 = arith.constant 128 : i32
        %div3A_2348 = arith.divsi %squeeze3A_2346, %jit3A_2347 : i32
        %sign3A_2349 = arith.constant 0 : i32
        %sign3A_2350 = arith.cmpi sgt, %squeeze3A_2346, %sign3A_2349 : i32
        %sign3A_2351 = arith.extui %sign3A_2350 : i1 to i32
        %sign3A_2352 = arith.constant 0 : i32
        %sign3A_2353 = arith.cmpi slt, %squeeze3A_2346, %sign3A_2352 : i32
        %sign3A_2354 = arith.extui %sign3A_2353 : i1 to i32
        %sign3A_2355 = arith.subi %sign3A_2351, %sign3A_2354 : i32
        %sign3A_2356 = arith.constant 0 : i32
        %sign3A_2357 = arith.cmpi sgt, %jit3A_2347, %sign3A_2356 : i32
        %sign3A_2358 = arith.extui %sign3A_2357 : i1 to i32
        %sign3A_2359 = arith.constant 0 : i32
        %sign3A_2360 = arith.cmpi slt, %jit3A_2347, %sign3A_2359 : i32
        %sign3A_2361 = arith.extui %sign3A_2360 : i1 to i32
        %sign3A_2362 = arith.subi %sign3A_2358, %sign3A_2361 : i32
        %ne3A_2363 = arith.cmpi ne, %sign3A_2355, %sign3A_2362 : i32
        %rem3A_2364 = arith.remsi %squeeze3A_2346, %jit3A_2347 : i32
        %ne3A_2365 = arith.constant 0 : i32
        %ne3A_2366 = arith.cmpi ne, %rem3A_2364, %ne3A_2365 : i32
        %and3A_2367 = arith.andi %ne3A_2363, %ne3A_2366 : i1
        %sub3A_2368 = arith.constant 1 : i32
        %sub3A_2369 = arith.subi %div3A_2348, %sub3A_2368 : i32
        %select_n3A_2370 = arith.select %and3A_2367, %sub3A_2369, %div3A_2348 : i32
        %mul3A_2371 = arith.constant 128 : i32
        %mul3A_2372 = arith.muli %select_n3A_2370, %mul3A_2371 : i32
        %multiple_of3A_2373 = tpu.assume_multiple %mul3A_2372, 128 : i32
        %dma_start3A_2374 = arith.constant 198 : i32
        %dma_start3A_2375 = arith.constant 0 : i32
        %dma_start3A_2376 = tpu.memref_slice %arg6[%dma_start3A_2374, %dma_start3A_2375] : memref<576x128xf32, #tpu.memory_space<vmem>> -> memref<18x128xf32, #tpu.memory_space<vmem>>
        %dma_start3A_2377 = arith.constant 0 : i32
        %dma_start3A_2378 = tpu.memref_slice %arg3[%dma_start3A_2377, %multiple_of3A_2373] : memref<18x1000000xf32, #tpu.memory_space<hbm>> -> memref<18x128xf32, #tpu.memory_space<hbm>>
        %dma_start3A_2379 = arith.constant 198 : i32
        %dma_start3A_2380 = arith.constant 0 : i32
        %dma_start3A_2381 = tpu.memref_slice %arg6[%dma_start3A_2379, %dma_start3A_2380] : memref<576x128xf32, #tpu.memory_space<vmem>> -> memref<18x128xf32, #tpu.memory_space<vmem>>
        %dma_start3A_2382 = arith.constant 0 : i32
        %dma_start3A_2383 = tpu.memref_slice %arg3[%dma_start3A_2382, %multiple_of3A_2373] : memref<18x1000000xf32, #tpu.memory_space<hbm>> -> memref<18x128xf32, #tpu.memory_space<hbm>>
        tpu.enqueue_dma source(%dma_start3A_2383 : memref<18x128xf32, #tpu.memory_space<hbm>>) target(%dma_start3A_2381 : memref<18x128xf32, #tpu.memory_space<vmem>>) target_semaphore(%arg8 : memref<!tpu.dma_semaphore, #tpu.memory_space<semaphore_mem>>)
        %slice3A_2384 = vector.extract_strided_slice %gather3A_1915 {offsets = [12], sizes = [1], strides = [1]} : vector<16xi32> to vector<1xi32>
        %squeeze3A_2385 = vector.extract %slice3A_2384[0] : i32 from vector<1xi32>
        %jit3A_2386 = arith.constant 128 : i32
        %div3A_2387 = arith.divsi %squeeze3A_2385, %jit3A_2386 : i32
        %sign3A_2388 = arith.constant 0 : i32
        %sign3A_2389 = arith.cmpi sgt, %squeeze3A_2385, %sign3A_2388 : i32
        %sign3A_2390 = arith.extui %sign3A_2389 : i1 to i32
        %sign3A_2391 = arith.constant 0 : i32
        %sign3A_2392 = arith.cmpi slt, %squeeze3A_2385, %sign3A_2391 : i32
        %sign3A_2393 = arith.extui %sign3A_2392 : i1 to i32
        %sign3A_2394 = arith.subi %sign3A_2390, %sign3A_2393 : i32
        %sign3A_2395 = arith.constant 0 : i32
        %sign3A_2396 = arith.cmpi sgt, %jit3A_2386, %sign3A_2395 : i32
        %sign3A_2397 = arith.extui %sign3A_2396 : i1 to i32
        %sign3A_2398 = arith.constant 0 : i32
        %sign3A_2399 = arith.cmpi slt, %jit3A_2386, %sign3A_2398 : i32
        %sign3A_2400 = arith.extui %sign3A_2399 : i1 to i32
        %sign3A_2401 = arith.subi %sign3A_2397, %sign3A_2400 : i32
        %ne3A_2402 = arith.cmpi ne, %sign3A_2394, %sign3A_2401 : i32
        %rem3A_2403 = arith.remsi %squeeze3A_2385, %jit3A_2386 : i32
        %ne3A_2404 = arith.constant 0 : i32
        %ne3A_2405 = arith.cmpi ne, %rem3A_2403, %ne3A_2404 : i32
        %and3A_2406 = arith.andi %ne3A_2402, %ne3A_2405 : i1
        %sub3A_2407 = arith.constant 1 : i32
        %sub3A_2408 = arith.subi %div3A_2387, %sub3A_2407 : i32
        %select_n3A_2409 = arith.select %and3A_2406, %sub3A_2408, %div3A_2387 : i32
        %mul3A_2410 = arith.constant 128 : i32
        %mul3A_2411 = arith.muli %select_n3A_2409, %mul3A_2410 : i32
        %multiple_of3A_2412 = tpu.assume_multiple %mul3A_2411, 128 : i32
        %dma_start3A_2413 = arith.constant 216 : i32
        %dma_start3A_2414 = arith.constant 0 : i32
        %dma_start3A_2415 = tpu.memref_slice %arg6[%dma_start3A_2413, %dma_start3A_2414] : memref<576x128xf32, #tpu.memory_space<vmem>> -> memref<18x128xf32, #tpu.memory_space<vmem>>
        %dma_start3A_2416 = arith.constant 0 : i32
        %dma_start3A_2417 = tpu.memref_slice %arg3[%dma_start3A_2416, %multiple_of3A_2412] : memref<18x1000000xf32, #tpu.memory_space<hbm>> -> memref<18x128xf32, #tpu.memory_space<hbm>>
        %dma_start3A_2418 = arith.constant 216 : i32
        %dma_start3A_2419 = arith.constant 0 : i32
        %dma_start3A_2420 = tpu.memref_slice %arg6[%dma_start3A_2418, %dma_start3A_2419] : memref<576x128xf32, #tpu.memory_space<vmem>> -> memref<18x128xf32, #tpu.memory_space<vmem>>
        %dma_start3A_2421 = arith.constant 0 : i32
        %dma_start3A_2422 = tpu.memref_slice %arg3[%dma_start3A_2421, %multiple_of3A_2412] : memref<18x1000000xf32, #tpu.memory_space<hbm>> -> memref<18x128xf32, #tpu.memory_space<hbm>>
        tpu.enqueue_dma source(%dma_start3A_2422 : memref<18x128xf32, #tpu.memory_space<hbm>>) target(%dma_start3A_2420 : memref<18x128xf32, #tpu.memory_space<vmem>>) target_semaphore(%arg8 : memref<!tpu.dma_semaphore, #tpu.memory_space<semaphore_mem>>)
        %slice3A_2423 = vector.extract_strided_slice %gather3A_1915 {offsets = [13], sizes = [1], strides = [1]} : vector<16xi32> to vector<1xi32>
        %squeeze3A_2424 = vector.extract %slice3A_2423[0] : i32 from vector<1xi32>
        %jit3A_2425 = arith.constant 128 : i32
        %div3A_2426 = arith.divsi %squeeze3A_2424, %jit3A_2425 : i32
        %sign3A_2427 = arith.constant 0 : i32
        %sign3A_2428 = arith.cmpi sgt, %squeeze3A_2424, %sign3A_2427 : i32
        %sign3A_2429 = arith.extui %sign3A_2428 : i1 to i32
        %sign3A_2430 = arith.constant 0 : i32
        %sign3A_2431 = arith.cmpi slt, %squeeze3A_2424, %sign3A_2430 : i32
        %sign3A_2432 = arith.extui %sign3A_2431 : i1 to i32
        %sign3A_2433 = arith.subi %sign3A_2429, %sign3A_2432 : i32
        %sign3A_2434 = arith.constant 0 : i32
        %sign3A_2435 = arith.cmpi sgt, %jit3A_2425, %sign3A_2434 : i32
        %sign3A_2436 = arith.extui %sign3A_2435 : i1 to i32
        %sign3A_2437 = arith.constant 0 : i32
        %sign3A_2438 = arith.cmpi slt, %jit3A_2425, %sign3A_2437 : i32
        %sign3A_2439 = arith.extui %sign3A_2438 : i1 to i32
        %sign3A_2440 = arith.subi %sign3A_2436, %sign3A_2439 : i32
        %ne3A_2441 = arith.cmpi ne, %sign3A_2433, %sign3A_2440 : i32
        %rem3A_2442 = arith.remsi %squeeze3A_2424, %jit3A_2425 : i32
        %ne3A_2443 = arith.constant 0 : i32
        %ne3A_2444 = arith.cmpi ne, %rem3A_2442, %ne3A_2443 : i32
        %and3A_2445 = arith.andi %ne3A_2441, %ne3A_2444 : i1
        %sub3A_2446 = arith.constant 1 : i32
        %sub3A_2447 = arith.subi %div3A_2426, %sub3A_2446 : i32
        %select_n3A_2448 = arith.select %and3A_2445, %sub3A_2447, %div3A_2426 : i32
        %mul3A_2449 = arith.constant 128 : i32
        %mul3A_2450 = arith.muli %select_n3A_2448, %mul3A_2449 : i32
        %multiple_of3A_2451 = tpu.assume_multiple %mul3A_2450, 128 : i32
        %dma_start3A_2452 = arith.constant 234 : i32
        %dma_start3A_2453 = arith.constant 0 : i32
        %dma_start3A_2454 = tpu.memref_slice %arg6[%dma_start3A_2452, %dma_start3A_2453] : memref<576x128xf32, #tpu.memory_space<vmem>> -> memref<18x128xf32, #tpu.memory_space<vmem>>
        %dma_start3A_2455 = arith.constant 0 : i32
        %dma_start3A_2456 = tpu.memref_slice %arg3[%dma_start3A_2455, %multiple_of3A_2451] : memref<18x1000000xf32, #tpu.memory_space<hbm>> -> memref<18x128xf32, #tpu.memory_space<hbm>>
        %dma_start3A_2457 = arith.constant 234 : i32
        %dma_start3A_2458 = arith.constant 0 : i32
        %dma_start3A_2459 = tpu.memref_slice %arg6[%dma_start3A_2457, %dma_start3A_2458] : memref<576x128xf32, #tpu.memory_space<vmem>> -> memref<18x128xf32, #tpu.memory_space<vmem>>
        %dma_start3A_2460 = arith.constant 0 : i32
        %dma_start3A_2461 = tpu.memref_slice %arg3[%dma_start3A_2460, %multiple_of3A_2451] : memref<18x1000000xf32, #tpu.memory_space<hbm>> -> memref<18x128xf32, #tpu.memory_space<hbm>>
        tpu.enqueue_dma source(%dma_start3A_2461 : memref<18x128xf32, #tpu.memory_space<hbm>>) target(%dma_start3A_2459 : memref<18x128xf32, #tpu.memory_space<vmem>>) target_semaphore(%arg8 : memref<!tpu.dma_semaphore, #tpu.memory_space<semaphore_mem>>)
        %slice3A_2462 = vector.extract_strided_slice %gather3A_1915 {offsets = [14], sizes = [1], strides = [1]} : vector<16xi32> to vector<1xi32>
        %squeeze3A_2463 = vector.extract %slice3A_2462[0] : i32 from vector<1xi32>
        %jit3A_2464 = arith.constant 128 : i32
        %div3A_2465 = arith.divsi %squeeze3A_2463, %jit3A_2464 : i32
        %sign3A_2466 = arith.constant 0 : i32
        %sign3A_2467 = arith.cmpi sgt, %squeeze3A_2463, %sign3A_2466 : i32
        %sign3A_2468 = arith.extui %sign3A_2467 : i1 to i32
        %sign3A_2469 = arith.constant 0 : i32
        %sign3A_2470 = arith.cmpi slt, %squeeze3A_2463, %sign3A_2469 : i32
        %sign3A_2471 = arith.extui %sign3A_2470 : i1 to i32
        %sign3A_2472 = arith.subi %sign3A_2468, %sign3A_2471 : i32
        %sign3A_2473 = arith.constant 0 : i32
        %sign3A_2474 = arith.cmpi sgt, %jit3A_2464, %sign3A_2473 : i32
        %sign3A_2475 = arith.extui %sign3A_2474 : i1 to i32
        %sign3A_2476 = arith.constant 0 : i32
        %sign3A_2477 = arith.cmpi slt, %jit3A_2464, %sign3A_2476 : i32
        %sign3A_2478 = arith.extui %sign3A_2477 : i1 to i32
        %sign3A_2479 = arith.subi %sign3A_2475, %sign3A_2478 : i32
        %ne3A_2480 = arith.cmpi ne, %sign3A_2472, %sign3A_2479 : i32
        %rem3A_2481 = arith.remsi %squeeze3A_2463, %jit3A_2464 : i32
        %ne3A_2482 = arith.constant 0 : i32
        %ne3A_2483 = arith.cmpi ne, %rem3A_2481, %ne3A_2482 : i32
        %and3A_2484 = arith.andi %ne3A_2480, %ne3A_2483 : i1
        %sub3A_2485 = arith.constant 1 : i32
        %sub3A_2486 = arith.subi %div3A_2465, %sub3A_2485 : i32
        %select_n3A_2487 = arith.select %and3A_2484, %sub3A_2486, %div3A_2465 : i32
        %mul3A_2488 = arith.constant 128 : i32
        %mul3A_2489 = arith.muli %select_n3A_2487, %mul3A_2488 : i32
        %multiple_of3A_2490 = tpu.assume_multiple %mul3A_2489, 128 : i32
        %dma_start3A_2491 = arith.constant 252 : i32
        %dma_start3A_2492 = arith.constant 0 : i32
        %dma_start3A_2493 = tpu.memref_slice %arg6[%dma_start3A_2491, %dma_start3A_2492] : memref<576x128xf32, #tpu.memory_space<vmem>> -> memref<18x128xf32, #tpu.memory_space<vmem>>
        %dma_start3A_2494 = arith.constant 0 : i32
        %dma_start3A_2495 = tpu.memref_slice %arg3[%dma_start3A_2494, %multiple_of3A_2490] : memref<18x1000000xf32, #tpu.memory_space<hbm>> -> memref<18x128xf32, #tpu.memory_space<hbm>>
        %dma_start3A_2496 = arith.constant 252 : i32
        %dma_start3A_2497 = arith.constant 0 : i32
        %dma_start3A_2498 = tpu.memref_slice %arg6[%dma_start3A_2496, %dma_start3A_2497] : memref<576x128xf32, #tpu.memory_space<vmem>> -> memref<18x128xf32, #tpu.memory_space<vmem>>
        %dma_start3A_2499 = arith.constant 0 : i32
        %dma_start3A_2500 = tpu.memref_slice %arg3[%dma_start3A_2499, %multiple_of3A_2490] : memref<18x1000000xf32, #tpu.memory_space<hbm>> -> memref<18x128xf32, #tpu.memory_space<hbm>>
        tpu.enqueue_dma source(%dma_start3A_2500 : memref<18x128xf32, #tpu.memory_space<hbm>>) target(%dma_start3A_2498 : memref<18x128xf32, #tpu.memory_space<vmem>>) target_semaphore(%arg8 : memref<!tpu.dma_semaphore, #tpu.memory_space<semaphore_mem>>)
        %slice3A_2501 = vector.extract_strided_slice %gather3A_1915 {offsets = [15], sizes = [1], strides = [1]} : vector<16xi32> to vector<1xi32>
        %squeeze3A_2502 = vector.extract %slice3A_2501[0] : i32 from vector<1xi32>
        %jit3A_2503 = arith.constant 128 : i32
        %div3A_2504 = arith.divsi %squeeze3A_2502, %jit3A_2503 : i32
        %sign3A_2505 = arith.constant 0 : i32
        %sign3A_2506 = arith.cmpi sgt, %squeeze3A_2502, %sign3A_2505 : i32
        %sign3A_2507 = arith.extui %sign3A_2506 : i1 to i32
        %sign3A_2508 = arith.constant 0 : i32
        %sign3A_2509 = arith.cmpi slt, %squeeze3A_2502, %sign3A_2508 : i32
        %sign3A_2510 = arith.extui %sign3A_2509 : i1 to i32
        %sign3A_2511 = arith.subi %sign3A_2507, %sign3A_2510 : i32
        %sign3A_2512 = arith.constant 0 : i32
        %sign3A_2513 = arith.cmpi sgt, %jit3A_2503, %sign3A_2512 : i32
        %sign3A_2514 = arith.extui %sign3A_2513 : i1 to i32
        %sign3A_2515 = arith.constant 0 : i32
        %sign3A_2516 = arith.cmpi slt, %jit3A_2503, %sign3A_2515 : i32
        %sign3A_2517 = arith.extui %sign3A_2516 : i1 to i32
        %sign3A_2518 = arith.subi %sign3A_2514, %sign3A_2517 : i32
        %ne3A_2519 = arith.cmpi ne, %sign3A_2511, %sign3A_2518 : i32
        %rem3A_2520 = arith.remsi %squeeze3A_2502, %jit3A_2503 : i32
        %ne3A_2521 = arith.constant 0 : i32
        %ne3A_2522 = arith.cmpi ne, %rem3A_2520, %ne3A_2521 : i32
        %and3A_2523 = arith.andi %ne3A_2519, %ne3A_2522 : i1
        %sub3A_2524 = arith.constant 1 : i32
        %sub3A_2525 = arith.subi %div3A_2504, %sub3A_2524 : i32
        %select_n3A_2526 = arith.select %and3A_2523, %sub3A_2525, %div3A_2504 : i32
        %mul3A_2527 = arith.constant 128 : i32
        %mul3A_2528 = arith.muli %select_n3A_2526, %mul3A_2527 : i32
        %multiple_of3A_2529 = tpu.assume_multiple %mul3A_2528, 128 : i32
        %dma_start3A_2530 = arith.constant 270 : i32
        %dma_start3A_2531 = arith.constant 0 : i32
        %dma_start3A_2532 = tpu.memref_slice %arg6[%dma_start3A_2530, %dma_start3A_2531] : memref<576x128xf32, #tpu.memory_space<vmem>> -> memref<18x128xf32, #tpu.memory_space<vmem>>
        %dma_start3A_2533 = arith.constant 0 : i32
        %dma_start3A_2534 = tpu.memref_slice %arg3[%dma_start3A_2533, %multiple_of3A_2529] : memref<18x1000000xf32, #tpu.memory_space<hbm>> -> memref<18x128xf32, #tpu.memory_space<hbm>>
        %dma_start3A_2535 = arith.constant 270 : i32
        %dma_start3A_2536 = arith.constant 0 : i32
        %dma_start3A_2537 = tpu.memref_slice %arg6[%dma_start3A_2535, %dma_start3A_2536] : memref<576x128xf32, #tpu.memory_space<vmem>> -> memref<18x128xf32, #tpu.memory_space<vmem>>
        %dma_start3A_2538 = arith.constant 0 : i32
        %dma_start3A_2539 = tpu.memref_slice %arg3[%dma_start3A_2538, %multiple_of3A_2529] : memref<18x1000000xf32, #tpu.memory_space<hbm>> -> memref<18x128xf32, #tpu.memory_space<hbm>>
        tpu.enqueue_dma source(%dma_start3A_2539 : memref<18x128xf32, #tpu.memory_space<hbm>>) target(%dma_start3A_2537 : memref<18x128xf32, #tpu.memory_space<vmem>>) target_semaphore(%arg8 : memref<!tpu.dma_semaphore, #tpu.memory_space<semaphore_mem>>)
      } else {
      }
      %dma_wait3A_1629 = arith.constant 288 : i32
      %dma_wait3A_1630 = arith.constant 0 : i32
      %dma_wait3A_1631 = tpu.memref_slice %arg6[%dma_wait3A_1629, %dma_wait3A_1630] : memref<576x128xf32, #tpu.memory_space<vmem>> -> memref<288x128xf32, #tpu.memory_space<vmem>>
      %dma_wait3A_1632 = arith.constant 0 : i32
      %dma_wait3A_1633 = arith.constant 0 : i32
      %dma_wait3A_1634 = tpu.memref_slice %arg3[%dma_wait3A_1632, %dma_wait3A_1633] : memref<18x1000000xf32, #tpu.memory_space<hbm>> -> memref<18x128xf32, #tpu.memory_space<hbm>>
      %dma_wait3A_1635 = arith.constant 288 : i32
      %dma_wait3A_1636 = arith.constant 0 : i32
      %dma_wait3A_1637 = tpu.memref_slice %arg6[%dma_wait3A_1635, %dma_wait3A_1636] : memref<576x128xf32, #tpu.memory_space<vmem>> -> memref<288x128xf32, #tpu.memory_space<vmem>>
      %dma_wait3A_1638 = arith.constant 0 : i32
      %dma_wait3A_1639 = arith.constant 0 : i32
      %dma_wait3A_1640 = tpu.memref_slice %arg3[%dma_wait3A_1638, %dma_wait3A_1639] : memref<18x1000000xf32, #tpu.memory_space<hbm>> -> memref<18x128xf32, #tpu.memory_space<hbm>>
      tpu.wait_dma2 semaphore(%arg9 : memref<!tpu.dma_semaphore, #tpu.memory_space<semaphore_mem>>) src(%dma_wait3A_1640 : memref<18x128xf32, #tpu.memory_space<hbm>>) dst(%dma_wait3A_1637 : memref<288x128xf32, #tpu.memory_space<vmem>>)
      %add3A_1641 = arith.constant 1 : i32
      %add3A_1642 = arith.addi %mul3A_717, %add3A_1641 : i32
      %jit3A_1643 = arith.constant 8 : i32
      %div3A_1644 = arith.divsi %add3A_1642, %jit3A_1643 : i32
      %sign3A_1645 = arith.constant 0 : i32
      %sign3A_1646 = arith.cmpi sgt, %add3A_1642, %sign3A_1645 : i32
      %sign3A_1647 = arith.extui %sign3A_1646 : i1 to i32
      %sign3A_1648 = arith.constant 0 : i32
      %sign3A_1649 = arith.cmpi slt, %add3A_1642, %sign3A_1648 : i32
      %sign3A_1650 = arith.extui %sign3A_1649 : i1 to i32
      %sign3A_1651 = arith.subi %sign3A_1647, %sign3A_1650 : i32
      %sign3A_1652 = arith.constant 0 : i32
      %sign3A_1653 = arith.cmpi sgt, %jit3A_1643, %sign3A_1652 : i32
      %sign3A_1654 = arith.extui %sign3A_1653 : i1 to i32
      %sign3A_1655 = arith.constant 0 : i32
      %sign3A_1656 = arith.cmpi slt, %jit3A_1643, %sign3A_1655 : i32
      %sign3A_1657 = arith.extui %sign3A_1656 : i1 to i32
      %sign3A_1658 = arith.subi %sign3A_1654, %sign3A_1657 : i32
      %ne3A_1659 = arith.cmpi ne, %sign3A_1651, %sign3A_1658 : i32
      %rem3A_1660 = arith.remsi %add3A_1642, %jit3A_1643 : i32
      %ne3A_1661 = arith.constant 0 : i32
      %ne3A_1662 = arith.cmpi ne, %rem3A_1660, %ne3A_1661 : i32
      %and3A_1663 = arith.andi %ne3A_1659, %ne3A_1662 : i1
      %sub3A_1664 = arith.constant 1 : i32
      %sub3A_1665 = arith.subi %div3A_1644, %sub3A_1664 : i32
      %select_n3A_1666 = arith.select %and3A_1663, %sub3A_1665, %div3A_1644 : i32
      %add3A_1667 = vector.broadcast %select_n3A_1666 : i32 to vector<16xi32>
      %add3A_1668 = arith.addi %broadcast_in_dim3A_81, %add3A_1667 : vector<16xi32>
      %rem3A_1669 = arith.constant 8 : i32
      %rem3A_1670 = arith.remsi %add3A_1642, %rem3A_1669 : i32
      %mul3A_1671 = arith.constant 16 : i32
      %mul3A_1672 = arith.muli %rem3A_1670, %mul3A_1671 : i32
      %add3A_1673 = vector.broadcast %mul3A_1672 : i32 to vector<16xi32>
      %add3A_1674 = arith.addi %iota3A, %add3A_1673 : vector<16xi32>
      %gather3A_1675 = tpu.vector_load_idx %arg5[%add3A_1668, %add3A_1674] : memref<4x128xi32, #tpu.memory_space<vmem>>[vector<16xi32>, vector<16xi32>], vector<16xi32>,
      %rem3A_1676 = arith.constant 128 : i32
      %rem3A_1677 = vector.broadcast %rem3A_1676 : i32 to vector<16xi32>
      %rem3A_1678 = arith.remsi %gather3A_1675, %rem3A_1677 : vector<16xi32>
      %add3A_1679 = arith.constant 16 : i32
      %add3A_1680 = vector.broadcast %add3A_1679 : i32 to vector<16xi32>
      %add3A_1681 = arith.addi %iota3A, %add3A_1680 : vector<16xi32>
      %mul3A_1682 = arith.constant 18 : i32
      %mul3A_1683 = vector.broadcast %mul3A_1682 : i32 to vector<16xi32>
      %mul3A_1684 = arith.muli %add3A_1681, %mul3A_1683 : vector<16xi32>
      %gather3A_1685 = tpu.vector_load_idx %arg6[%mul3A_1684, %rem3A_1678] : memref<576x128xf32, #tpu.memory_space<vmem>>[vector<16xi32>, vector<16xi32>], vector<16xf32>,
      %broadcast_in_dim3A_1686 = arith.constant 1 : i32
      %broadcast_in_dim3A_1687 = vector.broadcast %broadcast_in_dim3A_1686 : i32 to vector<16xi32>
      %add3A_1688 = arith.addi %mul3A_1684, %broadcast_in_dim3A_1687 : vector<16xi32>
      %gather3A_1689 = tpu.vector_load_idx %arg6[%add3A_1688, %rem3A_1678] : memref<576x128xf32, #tpu.memory_space<vmem>>[vector<16xi32>, vector<16xi32>], vector<16xf32>,
      %gt3A_1690 = arith.cmpf ogt, %gather3A_1689, %gather3A_1685 : vector<16xf32>
      %select_n3A_1691 = arith.select %gt3A_1690, %gather3A_1689, %gather3A_1685 : vector<16xi1>, vector<16xf32>
      %select_n3A_1692 = arith.select %gt3A_1690, %broadcast_in_dim3A_1687, %broadcast_in_dim3A_81 : vector<16xi1>, vector<16xi32>
      %broadcast_in_dim3A_1693 = arith.constant 2 : i32
      %broadcast_in_dim3A_1694 = vector.broadcast %broadcast_in_dim3A_1693 : i32 to vector<16xi32>
      %add3A_1695 = arith.addi %mul3A_1684, %broadcast_in_dim3A_1694 : vector<16xi32>
      %gather3A_1696 = tpu.vector_load_idx %arg6[%add3A_1695, %rem3A_1678] : memref<576x128xf32, #tpu.memory_space<vmem>>[vector<16xi32>, vector<16xi32>], vector<16xf32>,
      %gt3A_1697 = arith.cmpf ogt, %gather3A_1696, %select_n3A_1691 : vector<16xf32>
      %select_n3A_1698 = arith.select %gt3A_1697, %gather3A_1696, %select_n3A_1691 : vector<16xi1>, vector<16xf32>
      %select_n3A_1699 = arith.select %gt3A_1697, %broadcast_in_dim3A_1694, %select_n3A_1692 : vector<16xi1>, vector<16xi32>
      %broadcast_in_dim3A_1700 = arith.constant 3 : i32
      %broadcast_in_dim3A_1701 = vector.broadcast %broadcast_in_dim3A_1700 : i32 to vector<16xi32>
      %add3A_1702 = arith.addi %mul3A_1684, %broadcast_in_dim3A_1701 : vector<16xi32>
      %gather3A_1703 = tpu.vector_load_idx %arg6[%add3A_1702, %rem3A_1678] : memref<576x128xf32, #tpu.memory_space<vmem>>[vector<16xi32>, vector<16xi32>], vector<16xf32>,
      %gt3A_1704 = arith.cmpf ogt, %gather3A_1703, %select_n3A_1698 : vector<16xf32>
      %select_n3A_1705 = arith.select %gt3A_1704, %gather3A_1703, %select_n3A_1698 : vector<16xi1>, vector<16xf32>
      %select_n3A_1706 = arith.select %gt3A_1704, %broadcast_in_dim3A_1701, %select_n3A_1699 : vector<16xi1>, vector<16xi32>
      %broadcast_in_dim3A_1707 = arith.constant 4 : i32
      %broadcast_in_dim3A_1708 = vector.broadcast %broadcast_in_dim3A_1707 : i32 to vector<16xi32>
      %add3A_1709 = arith.addi %mul3A_1684, %broadcast_in_dim3A_1708 : vector<16xi32>
      %gather3A_1710 = tpu.vector_load_idx %arg6[%add3A_1709, %rem3A_1678] : memref<576x128xf32, #tpu.memory_space<vmem>>[vector<16xi32>, vector<16xi32>], vector<16xf32>,
      %gt3A_1711 = arith.cmpf ogt, %gather3A_1710, %select_n3A_1705 : vector<16xf32>
      %select_n3A_1712 = arith.select %gt3A_1711, %gather3A_1710, %select_n3A_1705 : vector<16xi1>, vector<16xf32>
      %select_n3A_1713 = arith.select %gt3A_1711, %broadcast_in_dim3A_1708, %select_n3A_1706 : vector<16xi1>, vector<16xi32>
      %broadcast_in_dim3A_1714 = arith.constant 5 : i32
      %broadcast_in_dim3A_1715 = vector.broadcast %broadcast_in_dim3A_1714 : i32 to vector<16xi32>
      %add3A_1716 = arith.addi %mul3A_1684, %broadcast_in_dim3A_1715 : vector<16xi32>
      %gather3A_1717 = tpu.vector_load_idx %arg6[%add3A_1716, %rem3A_1678] : memref<576x128xf32, #tpu.memory_space<vmem>>[vector<16xi32>, vector<16xi32>], vector<16xf32>,
      %gt3A_1718 = arith.cmpf ogt, %gather3A_1717, %select_n3A_1712 : vector<16xf32>
      %select_n3A_1719 = arith.select %gt3A_1718, %gather3A_1717, %select_n3A_1712 : vector<16xi1>, vector<16xf32>
      %select_n3A_1720 = arith.select %gt3A_1718, %broadcast_in_dim3A_1715, %select_n3A_1713 : vector<16xi1>, vector<16xi32>
      %broadcast_in_dim3A_1721 = arith.constant 6 : i32
      %broadcast_in_dim3A_1722 = vector.broadcast %broadcast_in_dim3A_1721 : i32 to vector<16xi32>
      %add3A_1723 = arith.addi %mul3A_1684, %broadcast_in_dim3A_1722 : vector<16xi32>
      %gather3A_1724 = tpu.vector_load_idx %arg6[%add3A_1723, %rem3A_1678] : memref<576x128xf32, #tpu.memory_space<vmem>>[vector<16xi32>, vector<16xi32>], vector<16xf32>,
      %gt3A_1725 = arith.cmpf ogt, %gather3A_1724, %select_n3A_1719 : vector<16xf32>
      %select_n3A_1726 = arith.select %gt3A_1725, %gather3A_1724, %select_n3A_1719 : vector<16xi1>, vector<16xf32>
      %select_n3A_1727 = arith.select %gt3A_1725, %broadcast_in_dim3A_1722, %select_n3A_1720 : vector<16xi1>, vector<16xi32>
      %broadcast_in_dim3A_1728 = arith.constant 7 : i32
      %broadcast_in_dim3A_1729 = vector.broadcast %broadcast_in_dim3A_1728 : i32 to vector<16xi32>
      %add3A_1730 = arith.addi %mul3A_1684, %broadcast_in_dim3A_1729 : vector<16xi32>
      %gather3A_1731 = tpu.vector_load_idx %arg6[%add3A_1730, %rem3A_1678] : memref<576x128xf32, #tpu.memory_space<vmem>>[vector<16xi32>, vector<16xi32>], vector<16xf32>,
      %gt3A_1732 = arith.cmpf ogt, %gather3A_1731, %select_n3A_1726 : vector<16xf32>
      %select_n3A_1733 = arith.select %gt3A_1732, %gather3A_1731, %select_n3A_1726 : vector<16xi1>, vector<16xf32>
      %select_n3A_1734 = arith.select %gt3A_1732, %broadcast_in_dim3A_1729, %select_n3A_1727 : vector<16xi1>, vector<16xi32>
      %broadcast_in_dim3A_1735 = arith.constant 8 : i32
      %broadcast_in_dim3A_1736 = vector.broadcast %broadcast_in_dim3A_1735 : i32 to vector<16xi32>
      %add3A_1737 = arith.addi %mul3A_1684, %broadcast_in_dim3A_1736 : vector<16xi32>
      %gather3A_1738 = tpu.vector_load_idx %arg6[%add3A_1737, %rem3A_1678] : memref<576x128xf32, #tpu.memory_space<vmem>>[vector<16xi32>, vector<16xi32>], vector<16xf32>,
      %gt3A_1739 = arith.cmpf ogt, %gather3A_1738, %select_n3A_1733 : vector<16xf32>
      %select_n3A_1740 = arith.select %gt3A_1739, %gather3A_1738, %select_n3A_1733 : vector<16xi1>, vector<16xf32>
      %select_n3A_1741 = arith.select %gt3A_1739, %broadcast_in_dim3A_1736, %select_n3A_1734 : vector<16xi1>, vector<16xi32>
      %broadcast_in_dim3A_1742 = arith.constant 9 : i32
      %broadcast_in_dim3A_1743 = vector.broadcast %broadcast_in_dim3A_1742 : i32 to vector<16xi32>
      %add3A_1744 = arith.addi %mul3A_1684, %broadcast_in_dim3A_1743 : vector<16xi32>
      %gather3A_1745 = tpu.vector_load_idx %arg6[%add3A_1744, %rem3A_1678] : memref<576x128xf32, #tpu.memory_space<vmem>>[vector<16xi32>, vector<16xi32>], vector<16xf32>,
      %gt3A_1746 = arith.cmpf ogt, %gather3A_1745, %select_n3A_1740 : vector<16xf32>
      %select_n3A_1747 = arith.select %gt3A_1746, %gather3A_1745, %select_n3A_1740 : vector<16xi1>, vector<16xf32>
      %select_n3A_1748 = arith.select %gt3A_1746, %broadcast_in_dim3A_1743, %select_n3A_1741 : vector<16xi1>, vector<16xi32>
      %broadcast_in_dim3A_1749 = arith.constant 10 : i32
      %broadcast_in_dim3A_1750 = vector.broadcast %broadcast_in_dim3A_1749 : i32 to vector<16xi32>
      %add3A_1751 = arith.addi %mul3A_1684, %broadcast_in_dim3A_1750 : vector<16xi32>
      %gather3A_1752 = tpu.vector_load_idx %arg6[%add3A_1751, %rem3A_1678] : memref<576x128xf32, #tpu.memory_space<vmem>>[vector<16xi32>, vector<16xi32>], vector<16xf32>,
      %gt3A_1753 = arith.cmpf ogt, %gather3A_1752, %select_n3A_1747 : vector<16xf32>
      %select_n3A_1754 = arith.select %gt3A_1753, %gather3A_1752, %select_n3A_1747 : vector<16xi1>, vector<16xf32>
      %select_n3A_1755 = arith.select %gt3A_1753, %broadcast_in_dim3A_1750, %select_n3A_1748 : vector<16xi1>, vector<16xi32>
      %broadcast_in_dim3A_1756 = arith.constant 11 : i32
      %broadcast_in_dim3A_1757 = vector.broadcast %broadcast_in_dim3A_1756 : i32 to vector<16xi32>
      %add3A_1758 = arith.addi %mul3A_1684, %broadcast_in_dim3A_1757 : vector<16xi32>
      %gather3A_1759 = tpu.vector_load_idx %arg6[%add3A_1758, %rem3A_1678] : memref<576x128xf32, #tpu.memory_space<vmem>>[vector<16xi32>, vector<16xi32>], vector<16xf32>,
      %gt3A_1760 = arith.cmpf ogt, %gather3A_1759, %select_n3A_1754 : vector<16xf32>
      %select_n3A_1761 = arith.select %gt3A_1760, %gather3A_1759, %select_n3A_1754 : vector<16xi1>, vector<16xf32>
      %select_n3A_1762 = arith.select %gt3A_1760, %broadcast_in_dim3A_1757, %select_n3A_1755 : vector<16xi1>, vector<16xi32>
      %broadcast_in_dim3A_1763 = arith.constant 12 : i32
      %broadcast_in_dim3A_1764 = vector.broadcast %broadcast_in_dim3A_1763 : i32 to vector<16xi32>
      %add3A_1765 = arith.addi %mul3A_1684, %broadcast_in_dim3A_1764 : vector<16xi32>
      %gather3A_1766 = tpu.vector_load_idx %arg6[%add3A_1765, %rem3A_1678] : memref<576x128xf32, #tpu.memory_space<vmem>>[vector<16xi32>, vector<16xi32>], vector<16xf32>,
      %gt3A_1767 = arith.cmpf ogt, %gather3A_1766, %select_n3A_1761 : vector<16xf32>
      %select_n3A_1768 = arith.select %gt3A_1767, %gather3A_1766, %select_n3A_1761 : vector<16xi1>, vector<16xf32>
      %select_n3A_1769 = arith.select %gt3A_1767, %broadcast_in_dim3A_1764, %select_n3A_1762 : vector<16xi1>, vector<16xi32>
      %broadcast_in_dim3A_1770 = arith.constant 13 : i32
      %broadcast_in_dim3A_1771 = vector.broadcast %broadcast_in_dim3A_1770 : i32 to vector<16xi32>
      %add3A_1772 = arith.addi %mul3A_1684, %broadcast_in_dim3A_1771 : vector<16xi32>
      %gather3A_1773 = tpu.vector_load_idx %arg6[%add3A_1772, %rem3A_1678] : memref<576x128xf32, #tpu.memory_space<vmem>>[vector<16xi32>, vector<16xi32>], vector<16xf32>,
      %gt3A_1774 = arith.cmpf ogt, %gather3A_1773, %select_n3A_1768 : vector<16xf32>
      %select_n3A_1775 = arith.select %gt3A_1774, %gather3A_1773, %select_n3A_1768 : vector<16xi1>, vector<16xf32>
      %select_n3A_1776 = arith.select %gt3A_1774, %broadcast_in_dim3A_1771, %select_n3A_1769 : vector<16xi1>, vector<16xi32>
      %broadcast_in_dim3A_1777 = arith.constant 14 : i32
      %broadcast_in_dim3A_1778 = vector.broadcast %broadcast_in_dim3A_1777 : i32 to vector<16xi32>
      %add3A_1779 = arith.addi %mul3A_1684, %broadcast_in_dim3A_1778 : vector<16xi32>
      %gather3A_1780 = tpu.vector_load_idx %arg6[%add3A_1779, %rem3A_1678] : memref<576x128xf32, #tpu.memory_space<vmem>>[vector<16xi32>, vector<16xi32>], vector<16xf32>,
      %gt3A_1781 = arith.cmpf ogt, %gather3A_1780, %select_n3A_1775 : vector<16xf32>
      %select_n3A_1782 = arith.select %gt3A_1781, %gather3A_1780, %select_n3A_1775 : vector<16xi1>, vector<16xf32>
      %select_n3A_1783 = arith.select %gt3A_1781, %broadcast_in_dim3A_1778, %select_n3A_1776 : vector<16xi1>, vector<16xi32>
      %broadcast_in_dim3A_1784 = arith.constant 15 : i32
      %broadcast_in_dim3A_1785 = vector.broadcast %broadcast_in_dim3A_1784 : i32 to vector<16xi32>
      %add3A_1786 = arith.addi %mul3A_1684, %broadcast_in_dim3A_1785 : vector<16xi32>
      %gather3A_1787 = tpu.vector_load_idx %arg6[%add3A_1786, %rem3A_1678] : memref<576x128xf32, #tpu.memory_space<vmem>>[vector<16xi32>, vector<16xi32>], vector<16xf32>,
      %gt3A_1788 = arith.cmpf ogt, %gather3A_1787, %select_n3A_1782 : vector<16xf32>
      %select_n3A_1789 = arith.select %gt3A_1788, %gather3A_1787, %select_n3A_1782 : vector<16xi1>, vector<16xf32>
      %select_n3A_1790 = arith.select %gt3A_1788, %broadcast_in_dim3A_1785, %select_n3A_1783 : vector<16xi1>, vector<16xi32>
      %broadcast_in_dim3A_1791 = arith.constant 16 : i32
      %broadcast_in_dim3A_1792 = vector.broadcast %broadcast_in_dim3A_1791 : i32 to vector<16xi32>
      %add3A_1793 = arith.addi %mul3A_1684, %broadcast_in_dim3A_1792 : vector<16xi32>
      %gather3A_1794 = tpu.vector_load_idx %arg6[%add3A_1793, %rem3A_1678] : memref<576x128xf32, #tpu.memory_space<vmem>>[vector<16xi32>, vector<16xi32>], vector<16xf32>,
      %gt3A_1795 = arith.cmpf ogt, %gather3A_1794, %select_n3A_1789 : vector<16xf32>
      %select_n3A_1796 = arith.select %gt3A_1795, %gather3A_1794, %select_n3A_1789 : vector<16xi1>, vector<16xf32>
      %select_n3A_1797 = arith.select %gt3A_1795, %broadcast_in_dim3A_1792, %select_n3A_1790 : vector<16xi1>, vector<16xi32>
      %broadcast_in_dim3A_1798 = arith.constant 17 : i32
      %broadcast_in_dim3A_1799 = vector.broadcast %broadcast_in_dim3A_1798 : i32 to vector<16xi32>
      %add3A_1800 = arith.addi %mul3A_1684, %broadcast_in_dim3A_1799 : vector<16xi32>
      %gather3A_1801 = tpu.vector_load_idx %arg6[%add3A_1800, %rem3A_1678] : memref<576x128xf32, #tpu.memory_space<vmem>>[vector<16xi32>, vector<16xi32>], vector<16xf32>,
      %gt3A_1802 = arith.cmpf ogt, %gather3A_1801, %select_n3A_1796 : vector<16xf32>
      %select_n3A_1803 = arith.select %gt3A_1802, %gather3A_1801, %select_n3A_1796 : vector<16xi1>, vector<16xf32>
      %select_n3A_1804 = arith.select %gt3A_1802, %broadcast_in_dim3A_1799, %select_n3A_1797 : vector<16xi1>, vector<16xi32>
      %mul3A_1805 = arith.constant 16 : i32
      %mul3A_1806 = arith.muli %add3A_1642, %mul3A_1805 : i32
      %add3A_1807 = vector.broadcast %mul3A_1806 : i32 to vector<16xi32>
      %add3A_1808 = arith.addi %iota3A, %add3A_1807 : vector<16xi32>
      %broadcast_in_dim3A_1809 = arith.constant 0 : i32
      %broadcast_in_dim3A_1810 = vector.broadcast %broadcast_in_dim3A_1809 : i32 to vector<16xi32>
      %eq3A_1811 = arith.cmpi eq, %select_n3A_1804, %broadcast_in_dim3A_1810 : vector<16xi32>
      %select_n3A_1812 = arith.select %eq3A_1811, %broadcast_in_dim3A_85, %broadcast_in_dim3A_83 : vector<16xi1>, vector<16xf32>
      tpu.vector_store_idx %arg7[%broadcast_in_dim3A_1810, %add3A_1808], %select_n3A_1812 : memref<18x512xf32, #tpu.memory_space<vmem>>[vector<16xi32>, vector<16xi32>], vector<16xf32>,
      %broadcast_in_dim3A_1813 = arith.constant 1 : i32
      %broadcast_in_dim3A_1814 = vector.broadcast %broadcast_in_dim3A_1813 : i32 to vector<16xi32>
      %eq3A_1815 = arith.cmpi eq, %select_n3A_1804, %broadcast_in_dim3A_1814 : vector<16xi32>
      %select_n3A_1816 = arith.select %eq3A_1815, %broadcast_in_dim3A_85, %broadcast_in_dim3A_83 : vector<16xi1>, vector<16xf32>
      tpu.vector_store_idx %arg7[%broadcast_in_dim3A_1814, %add3A_1808], %select_n3A_1816 : memref<18x512xf32, #tpu.memory_space<vmem>>[vector<16xi32>, vector<16xi32>], vector<16xf32>,
      %broadcast_in_dim3A_1817 = arith.constant 2 : i32
      %broadcast_in_dim3A_1818 = vector.broadcast %broadcast_in_dim3A_1817 : i32 to vector<16xi32>
      %eq3A_1819 = arith.cmpi eq, %select_n3A_1804, %broadcast_in_dim3A_1818 : vector<16xi32>
      %select_n3A_1820 = arith.select %eq3A_1819, %broadcast_in_dim3A_85, %broadcast_in_dim3A_83 : vector<16xi1>, vector<16xf32>
      tpu.vector_store_idx %arg7[%broadcast_in_dim3A_1818, %add3A_1808], %select_n3A_1820 : memref<18x512xf32, #tpu.memory_space<vmem>>[vector<16xi32>, vector<16xi32>], vector<16xf32>,
      %broadcast_in_dim3A_1821 = arith.constant 3 : i32
      %broadcast_in_dim3A_1822 = vector.broadcast %broadcast_in_dim3A_1821 : i32 to vector<16xi32>
      %eq3A_1823 = arith.cmpi eq, %select_n3A_1804, %broadcast_in_dim3A_1822 : vector<16xi32>
      %select_n3A_1824 = arith.select %eq3A_1823, %broadcast_in_dim3A_85, %broadcast_in_dim3A_83 : vector<16xi1>, vector<16xf32>
      tpu.vector_store_idx %arg7[%broadcast_in_dim3A_1822, %add3A_1808], %select_n3A_1824 : memref<18x512xf32, #tpu.memory_space<vmem>>[vector<16xi32>, vector<16xi32>], vector<16xf32>,
      %broadcast_in_dim3A_1825 = arith.constant 4 : i32
      %broadcast_in_dim3A_1826 = vector.broadcast %broadcast_in_dim3A_1825 : i32 to vector<16xi32>
      %eq3A_1827 = arith.cmpi eq, %select_n3A_1804, %broadcast_in_dim3A_1826 : vector<16xi32>
      %select_n3A_1828 = arith.select %eq3A_1827, %broadcast_in_dim3A_85, %broadcast_in_dim3A_83 : vector<16xi1>, vector<16xf32>
      tpu.vector_store_idx %arg7[%broadcast_in_dim3A_1826, %add3A_1808], %select_n3A_1828 : memref<18x512xf32, #tpu.memory_space<vmem>>[vector<16xi32>, vector<16xi32>], vector<16xf32>,
      %broadcast_in_dim3A_1829 = arith.constant 5 : i32
      %broadcast_in_dim3A_1830 = vector.broadcast %broadcast_in_dim3A_1829 : i32 to vector<16xi32>
      %eq3A_1831 = arith.cmpi eq, %select_n3A_1804, %broadcast_in_dim3A_1830 : vector<16xi32>
      %select_n3A_1832 = arith.select %eq3A_1831, %broadcast_in_dim3A_85, %broadcast_in_dim3A_83 : vector<16xi1>, vector<16xf32>
      tpu.vector_store_idx %arg7[%broadcast_in_dim3A_1830, %add3A_1808], %select_n3A_1832 : memref<18x512xf32, #tpu.memory_space<vmem>>[vector<16xi32>, vector<16xi32>], vector<16xf32>,
      %broadcast_in_dim3A_1833 = arith.constant 6 : i32
      %broadcast_in_dim3A_1834 = vector.broadcast %broadcast_in_dim3A_1833 : i32 to vector<16xi32>
      %eq3A_1835 = arith.cmpi eq, %select_n3A_1804, %broadcast_in_dim3A_1834 : vector<16xi32>
      %select_n3A_1836 = arith.select %eq3A_1835, %broadcast_in_dim3A_85, %broadcast_in_dim3A_83 : vector<16xi1>, vector<16xf32>
      tpu.vector_store_idx %arg7[%broadcast_in_dim3A_1834, %add3A_1808], %select_n3A_1836 : memref<18x512xf32, #tpu.memory_space<vmem>>[vector<16xi32>, vector<16xi32>], vector<16xf32>,
      %broadcast_in_dim3A_1837 = arith.constant 7 : i32
      %broadcast_in_dim3A_1838 = vector.broadcast %broadcast_in_dim3A_1837 : i32 to vector<16xi32>
      %eq3A_1839 = arith.cmpi eq, %select_n3A_1804, %broadcast_in_dim3A_1838 : vector<16xi32>
      %select_n3A_1840 = arith.select %eq3A_1839, %broadcast_in_dim3A_85, %broadcast_in_dim3A_83 : vector<16xi1>, vector<16xf32>
      tpu.vector_store_idx %arg7[%broadcast_in_dim3A_1838, %add3A_1808], %select_n3A_1840 : memref<18x512xf32, #tpu.memory_space<vmem>>[vector<16xi32>, vector<16xi32>], vector<16xf32>,
      %broadcast_in_dim3A_1841 = arith.constant 8 : i32
      %broadcast_in_dim3A_1842 = vector.broadcast %broadcast_in_dim3A_1841 : i32 to vector<16xi32>
      %eq3A_1843 = arith.cmpi eq, %select_n3A_1804, %broadcast_in_dim3A_1842 : vector<16xi32>
      %select_n3A_1844 = arith.select %eq3A_1843, %broadcast_in_dim3A_85, %broadcast_in_dim3A_83 : vector<16xi1>, vector<16xf32>
      tpu.vector_store_idx %arg7[%broadcast_in_dim3A_1842, %add3A_1808], %select_n3A_1844 : memref<18x512xf32, #tpu.memory_space<vmem>>[vector<16xi32>, vector<16xi32>], vector<16xf32>,
      %broadcast_in_dim3A_1845 = arith.constant 9 : i32
      %broadcast_in_dim3A_1846 = vector.broadcast %broadcast_in_dim3A_1845 : i32 to vector<16xi32>
      %eq3A_1847 = arith.cmpi eq, %select_n3A_1804, %broadcast_in_dim3A_1846 : vector<16xi32>
      %select_n3A_1848 = arith.select %eq3A_1847, %broadcast_in_dim3A_85, %broadcast_in_dim3A_83 : vector<16xi1>, vector<16xf32>
      tpu.vector_store_idx %arg7[%broadcast_in_dim3A_1846, %add3A_1808], %select_n3A_1848 : memref<18x512xf32, #tpu.memory_space<vmem>>[vector<16xi32>, vector<16xi32>], vector<16xf32>,
      %broadcast_in_dim3A_1849 = arith.constant 10 : i32
      %broadcast_in_dim3A_1850 = vector.broadcast %broadcast_in_dim3A_1849 : i32 to vector<16xi32>
      %eq3A_1851 = arith.cmpi eq, %select_n3A_1804, %broadcast_in_dim3A_1850 : vector<16xi32>
      %select_n3A_1852 = arith.select %eq3A_1851, %broadcast_in_dim3A_85, %broadcast_in_dim3A_83 : vector<16xi1>, vector<16xf32>
      tpu.vector_store_idx %arg7[%broadcast_in_dim3A_1850, %add3A_1808], %select_n3A_1852 : memref<18x512xf32, #tpu.memory_space<vmem>>[vector<16xi32>, vector<16xi32>], vector<16xf32>,
      %broadcast_in_dim3A_1853 = arith.constant 11 : i32
      %broadcast_in_dim3A_1854 = vector.broadcast %broadcast_in_dim3A_1853 : i32 to vector<16xi32>
      %eq3A_1855 = arith.cmpi eq, %select_n3A_1804, %broadcast_in_dim3A_1854 : vector<16xi32>
      %select_n3A_1856 = arith.select %eq3A_1855, %broadcast_in_dim3A_85, %broadcast_in_dim3A_83 : vector<16xi1>, vector<16xf32>
      tpu.vector_store_idx %arg7[%broadcast_in_dim3A_1854, %add3A_1808], %select_n3A_1856 : memref<18x512xf32, #tpu.memory_space<vmem>>[vector<16xi32>, vector<16xi32>], vector<16xf32>,
      %broadcast_in_dim3A_1857 = arith.constant 12 : i32
      %broadcast_in_dim3A_1858 = vector.broadcast %broadcast_in_dim3A_1857 : i32 to vector<16xi32>
      %eq3A_1859 = arith.cmpi eq, %select_n3A_1804, %broadcast_in_dim3A_1858 : vector<16xi32>
      %select_n3A_1860 = arith.select %eq3A_1859, %broadcast_in_dim3A_85, %broadcast_in_dim3A_83 : vector<16xi1>, vector<16xf32>
      tpu.vector_store_idx %arg7[%broadcast_in_dim3A_1858, %add3A_1808], %select_n3A_1860 : memref<18x512xf32, #tpu.memory_space<vmem>>[vector<16xi32>, vector<16xi32>], vector<16xf32>,
      %broadcast_in_dim3A_1861 = arith.constant 13 : i32
      %broadcast_in_dim3A_1862 = vector.broadcast %broadcast_in_dim3A_1861 : i32 to vector<16xi32>
      %eq3A_1863 = arith.cmpi eq, %select_n3A_1804, %broadcast_in_dim3A_1862 : vector<16xi32>
      %select_n3A_1864 = arith.select %eq3A_1863, %broadcast_in_dim3A_85, %broadcast_in_dim3A_83 : vector<16xi1>, vector<16xf32>
      tpu.vector_store_idx %arg7[%broadcast_in_dim3A_1862, %add3A_1808], %select_n3A_1864 : memref<18x512xf32, #tpu.memory_space<vmem>>[vector<16xi32>, vector<16xi32>], vector<16xf32>,
      %broadcast_in_dim3A_1865 = arith.constant 14 : i32
      %broadcast_in_dim3A_1866 = vector.broadcast %broadcast_in_dim3A_1865 : i32 to vector<16xi32>
      %eq3A_1867 = arith.cmpi eq, %select_n3A_1804, %broadcast_in_dim3A_1866 : vector<16xi32>
      %select_n3A_1868 = arith.select %eq3A_1867, %broadcast_in_dim3A_85, %broadcast_in_dim3A_83 : vector<16xi1>, vector<16xf32>
      tpu.vector_store_idx %arg7[%broadcast_in_dim3A_1866, %add3A_1808], %select_n3A_1868 : memref<18x512xf32, #tpu.memory_space<vmem>>[vector<16xi32>, vector<16xi32>], vector<16xf32>,
      %broadcast_in_dim3A_1869 = arith.constant 15 : i32
      %broadcast_in_dim3A_1870 = vector.broadcast %broadcast_in_dim3A_1869 : i32 to vector<16xi32>
      %eq3A_1871 = arith.cmpi eq, %select_n3A_1804, %broadcast_in_dim3A_1870 : vector<16xi32>
      %select_n3A_1872 = arith.select %eq3A_1871, %broadcast_in_dim3A_85, %broadcast_in_dim3A_83 : vector<16xi1>, vector<16xf32>
      tpu.vector_store_idx %arg7[%broadcast_in_dim3A_1870, %add3A_1808], %select_n3A_1872 : memref<18x512xf32, #tpu.memory_space<vmem>>[vector<16xi32>, vector<16xi32>], vector<16xf32>,
      %broadcast_in_dim3A_1873 = arith.constant 16 : i32
      %broadcast_in_dim3A_1874 = vector.broadcast %broadcast_in_dim3A_1873 : i32 to vector<16xi32>
      %eq3A_1875 = arith.cmpi eq, %select_n3A_1804, %broadcast_in_dim3A_1874 : vector<16xi32>
      %select_n3A_1876 = arith.select %eq3A_1875, %broadcast_in_dim3A_85, %broadcast_in_dim3A_83 : vector<16xi1>, vector<16xf32>
      tpu.vector_store_idx %arg7[%broadcast_in_dim3A_1874, %add3A_1808], %select_n3A_1876 : memref<18x512xf32, #tpu.memory_space<vmem>>[vector<16xi32>, vector<16xi32>], vector<16xf32>,
      %broadcast_in_dim3A_1877 = arith.constant 17 : i32
      %broadcast_in_dim3A_1878 = vector.broadcast %broadcast_in_dim3A_1877 : i32 to vector<16xi32>
      %eq3A_1879 = arith.cmpi eq, %select_n3A_1804, %broadcast_in_dim3A_1878 : vector<16xi32>
      %select_n3A_1880 = arith.select %eq3A_1879, %broadcast_in_dim3A_85, %broadcast_in_dim3A_83 : vector<16xi1>, vector<16xf32>
      tpu.vector_store_idx %arg7[%broadcast_in_dim3A_1878, %add3A_1808], %select_n3A_1880 : memref<18x512xf32, #tpu.memory_space<vmem>>[vector<16xi32>, vector<16xi32>], vector<16xf32>,
    }
    %scan3A_714 = arith.constant 16 : i32
    "tpu.region"() ({
      %run_scoped3A = tpu.sem_alloc : memref<!tpu.dma_semaphore, #tpu.memory_space<semaphore_mem>>
      %dma_start3A_715 = arith.constant 0 : i32
      %dma_start3A_716 = tpu.memref_slice %arg4[%dma_start3A_715, %multiple_of3A] : memref<18x16384xf32, #tpu.memory_space<hbm>> -> memref<18x512xf32, #tpu.memory_space<hbm>>
      %dma_start3A_717 = arith.constant 0 : i32
      %dma_start3A_718 = tpu.memref_slice %arg4[%dma_start3A_717, %multiple_of3A] : memref<18x16384xf32, #tpu.memory_space<hbm>> -> memref<18x512xf32, #tpu.memory_space<hbm>>
      tpu.enqueue_dma source(%arg7 : memref<18x512xf32, #tpu.memory_space<vmem>>) target(%dma_start3A_718 : memref<18x512xf32, #tpu.memory_space<hbm>>) target_semaphore(%run_scoped3A : memref<!tpu.dma_semaphore, #tpu.memory_space<semaphore_mem>>)
      %dma_wait3A_719 = arith.constant 0 : i32
      %dma_wait3A_720 = tpu.memref_slice %arg4[%dma_wait3A_719, %multiple_of3A] : memref<18x16384xf32, #tpu.memory_space<hbm>> -> memref<18x512xf32, #tpu.memory_space<hbm>>
      %dma_wait3A_721 = arith.constant 0 : i32
      %dma_wait3A_722 = tpu.memref_slice %arg4[%dma_wait3A_721, %multiple_of3A] : memref<18x16384xf32, #tpu.memory_space<hbm>> -> memref<18x512xf32, #tpu.memory_space<hbm>>
      tpu.wait_dma2 semaphore(%run_scoped3A : memref<!tpu.dma_semaphore, #tpu.memory_space<semaphore_mem>>) src(%arg7 : memref<18x512xf32, #tpu.memory_space<vmem>>) dst(%dma_wait3A_722 : memref<18x512xf32, #tpu.memory_space<hbm>>)
      tpu.yield
    }) : () -> ()
    return
  }
}

</mosaic_0001>

<sc_bundles>
// kernel: kernel.3.cloned.1.call-start
scs
__scs_entry_jumppad:
0x0: {  	(pc) =	sbr.rel $0x88, $3  }
0x1: {  	(tag) =	ssettag $0x0;
	lr =	simm.s32 $0x1  }
0x2: {  	[smem:$0x3F9F] =	sst lr;
	_ =	strace $0xD0000000  }
0x3: {  	_ = 	snop  }
0x4: {  	_ = 	snop  }
0x5: {  	_ = 	snop  }
0x6: {  	_ = 	snop  }
0x7: {  	_ = 	snop  }
__scs_overlays_trampoline_lowered:
0x8: {  	[smem:$0x3FAE] =	sst s0  }
0x9: {  	[smem:$0x3FAF] =	sst s1  }
0xa: {  	[smem:$0x3FB0] =	sst s2  }
0xb: {  	[smem:$0x3FB1] =	sst s3  }
0xc: {  	[smem:$0x3FB2] =	sst s4  }
0xd: {  	[smem:$0x3FB3] =	sst s5  }
0xe: {  	[smem:$0x3FB4] =	sst s6  }
0xf: {  	[smem:$0x3FB5] =	sst s7  }
0x10: {  	[smem:$0x3FB6] =	sst s8  }
0x11: {  	[smem:$0x3FB7] =	sst s9;
	s0 =	simm.s32 @!p0 $0x0  }
0x12: {  	s1 =	sld [smem:$0x3F9D];
	s0 =	simm.s32 @p0 $0x1  }
0x13: {  	[smem:$0x3FB8] =	sst s0;
	s0 =	simm.s32 @!p1 $0x0  }
0x14: {  	s2 =	sld [smem:$0x3F9C];
	s0 =	simm.s32 @p1 $0x1  }
0x15: {  	[smem:$0x3FB9] =	sst s0;
	s0 =	simm.s32 @!p2 $0x0  }
0x16: {  	s3 =	sld [smem:$0x3FDB];
	s0 =	simm.s32 @p2 $0x1  }
0x17: {  	s4 =	simm.s32 $0x1BF5;
	[smem:$0x3FBB] =	sst s0  }
0x18: {  	s0 =	sld [smem:$0x3F9E];
	_ =	swait.ge [sflag:s4], $0x0  }
0x19: {  	s7 =	sld [smem:$0x3F9F]  }
0x1a: {  	s8 =	sadd.s32 $0xFFFFE003, lr  }
0x1b: {  	s9 =	sadd.s32 $0xFFFFFEF7, lr;
	s5 =	simm.s32 $0xFFFFFFFF;
	p2 =	slt.u32 s8, $0xFFFFF086  }
0x1c: {  	p1 =	slt.u32 s9, $0xF7A;
	s5 =	simm.s32 @!p2 $0x0  }
0x1d: {  	s5 =	simm.s32 @p1 $0x1;
	p0 =	seq.s32 s7, s2  }
0x1e: {  	s7 =	smul.u32 @!p0 $0xF7A, s2;
	p2 =	seq.s32 @!p0 s5, $0x0  }
0x1f: {  	s9 =	smul.u32 $0xF7A, s1;
	s8 =	simm.s32 @!p0 $0x1BF5;
	p2 =	por !p2, p0  }
0x20: {  	[sflag:s8] =	ssyncset.s32 @!p0 $0xFFFFF086;
	s6 =	sadd.s32 @!p0 s3, s7;
	s7 =	simm.s32 @!p0 $0x108  }
0x21: {  	s3 =	sadd.s32 s3, s9;
	s6 =	sadd.s32 @!p0 $0x88, s6;
	s7 =	simm.s32 @p2 $0x1082  }
0x22: {  	[simem:s7], [sflag:s8] =	dma.local @!p0 [hbm:s6], $0xF7A  }
0x23: {  	s9 =	sor.u32 $0xD0000000, s2;
	s6 =	simm.s32 $0x108;
	_ =	swait.ge @!p0 [sflag:s8], $0x0  }
0x24: {  	s3 =	sadd.s32 $0x88, s3;
	s6 =	simm.s32 @!p1 $0x1082;
	[sflag:s4] =	ssyncset.s32 $0xFFFFF086  }
0x25: {  	[simem:s6], [sflag:s4] =	dma.local [hbm:s3], $0xF7A  }
0x26: {  	[smem:$0x3F9F] =	sst s1;
	(tag) =	ssettag s2;
	_ =	strace s9  }
0x27: {  	s1 =	sld [smem:$0x3FAF]  }
0x28: {  	s2 =	sld [smem:$0x3FB0]  }
0x29: {  	s4 =	sld [smem:$0x3FB2]  }
0x2a: {  	p0 =	seq.s32 s5, $0x0;
	s5 =	sld [smem:$0x3FB3]  }
0x2b: {  	s6 =	sld [smem:$0x3FB4]  }
0x2c: {  	s7 =	sld [smem:$0x3FB5]  }
0x2d: {  	s3 =	simm.s32 $0x108;
	s8 =	sld [smem:$0x3FB6]  }
0x2e: {  	s3 =	simm.s32 @!p0 $0x1082;
	s9 =	sld [smem:$0x3FB7]  }
0x2f: {  	lr =	sadd.s32 s0, s3;
	s0 =	sld [smem:$0x3FAE]  }
0x30: {  	s3 =	sld [smem:$0x3FB1]  }
0x31: {  	[smem:$0x3FBA] =	sst s10  }
0x32: {  	s10 =	sld [smem:$0x3FB8];
	_ =	sdelay $0x3  }
0x33: {  	p0 =	seq.s32 s10, $0x1;
	s10 =	sld [smem:$0x3FBA];
	_ =	sdelay $0x3  }
0x34: {  	[smem:$0x3FBA] =	sst s10  }
0x35: {  	s10 =	sld [smem:$0x3FB9];
	_ =	sdelay $0x3  }
0x36: {  	p1 =	seq.s32 s10, $0x1;
	s10 =	sld [smem:$0x3FBA];
	_ =	sdelay $0x3  }
0x37: {  	[smem:$0x3FBA] =	sst s10  }
0x38: {  	s10 =	sld [smem:$0x3FBB]  }
0x39: {  	_ = 	snop;
	(pc) =	sbr.ind lr, $3  }
0x3a: {  	_ = 	snop  }
0x3b: {  	_ = 	snop  }
0x3c: {  	p2 =	seq.s32 s10, $0x1;
	s10 =	sld [smem:$0x3FBA]  }
0x3d: {  	_ =	shalt  }
0x3e: {  	_ =	shalt  }
0x3f: {  	_ =	shalt  }
0x40: {  	_ =	shalt  }
0x41: {  	_ =	shalt  }
0x42: {  	_ =	shalt  }
0x43: {  	_ =	shalt  }
0x44: {  	_ =	shalt  }
0x45: {  	_ =	shalt  }
0x46: {  	_ =	shalt  }
0x47: {  	_ =	shalt  }
0x48: {  	_ =	shalt  }
0x49: {  	_ =	shalt  }
0x4a: {  	_ =	shalt  }
0x4b: {  	_ =	shalt  }
0x4c: {  	_ =	shalt  }
0x4d: {  	_ =	shalt  }
0x4e: {  	_ =	shalt  }
0x4f: {  	_ =	shalt  }
0x50: {  	_ =	shalt  }
0x51: {  	_ =	shalt  }
0x52: {  	_ =	shalt  }
0x53: {  	_ =	shalt  }
0x54: {  	_ =	shalt  }
0x55: {  	_ =	shalt  }
0x56: {  	_ =	shalt  }
0x57: {  	_ =	shalt  }
0x58: {  	_ =	shalt  }
0x59: {  	_ =	shalt  }
0x5a: {  	_ =	shalt  }
0x5b: {  	_ =	shalt  }
0x5c: {  	_ =	shalt  }
0x5d: {  	_ =	shalt  }
0x5e: {  	_ =	shalt  }
0x5f: {  	_ =	shalt  }
0x60: {  	_ =	shalt  }
0x61: {  	_ =	shalt  }
0x62: {  	_ =	shalt  }
0x63: {  	_ =	shalt  }
0x64: {  	_ =	shalt  }
0x65: {  	_ =	shalt  }
0x66: {  	_ =	shalt  }
0x67: {  	_ =	shalt  }
0x68: {  	_ =	shalt  }
0x69: {  	_ =	shalt  }
0x6a: {  	_ =	shalt  }
0x6b: {  	_ =	shalt  }
0x6c: {  	_ =	shalt  }
0x6d: {  	_ =	shalt  }
0x6e: {  	_ =	shalt  }
0x6f: {  	_ =	shalt  }
0x70: {  	_ =	shalt  }
0x71: {  	_ =	shalt  }
0x72: {  	_ =	shalt  }
0x73: {  	_ =	shalt  }
0x74: {  	_ =	shalt  }
0x75: {  	_ =	shalt  }
0x76: {  	_ =	shalt  }
0x77: {  	_ =	shalt  }
0x78: {  	_ =	shalt  }
0x79: {  	_ =	shalt  }
0x7a: {  	_ =	shalt  }
0x7b: {  	_ =	shalt  }
0x7c: {  	_ =	shalt  }
0x7d: {  	_ =	shalt  }
0x7e: {  	_ =	shalt  }
0x7f: {  	_ =	shalt  }
0x80: {  	_ =	shalt  }
0x81: {  	_ =	shalt  }
0x82: {  	_ =	shalt  }
0x83: {  	_ =	shalt  }
0x84: {  	_ =	shalt  }
0x85: {  	_ =	shalt  }
0x86: {  	_ =	shalt  }
0x87: {  	_ =	shalt  }
.Lfunc_end0:
.L_simem_size_0:
called_computation_lowered:
.L_overlay_start_0:
0x88: {  	s2 =	sld [smem:$0x3FD9]  }
0x89: {  	s3 =	sld [smem:$0x3FFE];
	_ =	sdelay $0x1  }
0x8a: {  	s1 =	srdreg.scid  }
0x8b: {  	s0 =	sand.u32 $0x1, s1  }
0x8c: {  	s18 =	sshll.u32 s0, $0xA;
	s2 =	sadd.s32 s3, s2  }
0x8d: {  	s2 =	sadd.s32 s2, s18  }
0x8e: {  	[smem:$0x3FC6] =	sst s2  }
0x8f: {  	_ = 	snop  }
0x90: {  	s2 =	sld [smem:$0x3FC9]  }
0x91: {  	s19 =	sld [smem:$0x3FC8]  }
0x92: {  	s4 =	sld [smem:$0x3FD0];
	(tm) =	ssettm $0x1  }
0x93: {  	s5 =	sld [smem:$0x3FFB];
	_ =	sdelay $0x3  }
0x94: {  	_ =	strace s5  }
0x95: {  	s5 =	sld [smem:$0x3FFC];
	_ =	sdelay $0x3  }
0x96: {  	_ =	strace s5  }
0x97: {  	s5 =	sld [smem:$0x3FFD];
	_ =	sdelay $0x3  }
0x98: {  	_ =	strace s5  }
0x99: {  	_ =	strace $0x8FFFFFFF  }
0x9a: {  	s20 =	sld [smem:$0x3FDB];
	_ =	sdelay $0x1  }
0x9b: {  	s6 =	simm.s32 $_scs_section_size  }
0x9c: {  	s7 =	simm.s32 $_size__tile_overlayer_lowered;
	s8 =	simm.s32 $_tile_overlayer_lowered  }
0x9d: {  	s23 =	simm.s32 $0x1BFF;
	s22 =	sshll.u32 s8, $0x1;
	s5 =	sadd.s32 s6, s20  }
0x9e: {  	s9 =	simm.s32 $0x0;
	s21 =	sshll.u32 s7, $0x1;
	s7 =	sadd.s32 s22, s5  }
0x9f: {  	[timem:s9], [sflag:s23] =	dma.local [hbm:s7], s21  }
0xa0: {  	_ =	swait.ge [sflag:s23], s21  }
0xa1: {  	s6 =	ssub.s32 $0x0, s21;
	[sflag:s23] =	ssyncset.done $0x0  }
0xa2: {  	[sflag:s23] =	ssyncadd.s32 s6;
	_ =	sdelay $0x1  }
0xa3: {  	s24 =	simm.s32 $0x1B8B  }
0xa4: {  	_ =	swait.ge [sflag:s24], $0x1  }
0xa5: {  	[sflag:s24] =	ssyncset.done $0x0  }
0xa6: {  	s25 =	simm.s32 $0x1B8E;
	[sflag:s24] =	ssyncadd.s32 $0xFFFFFFFF  }
0xa7: {  	s26 =	simm.s32 $execute0_lowered;
	[smem:$0x3FD2] =	sst s25  }
0xa8: {  	s6 =	sshll.u32 s26, $0x1;
	_ =	strace $0x80000046;
	[dreg:$0x1] =	wrdreg $0xFFFFFFFF  }
0xa9: {  	s28 =	simm.s32 $_size_execute0_lowered;
	s5 =	sadd.s32 s5, s6;
	[dreg:$0x0] =	wrdreg $0x0  }
0xaa: {  	s6 =	sshll.u32 s28, $0x1;
	[dreg:$0x2] =	wrdreg s5  }
0xab: {  	[dreg:$0x3] =	wrdreg s6  }
0xac: {  	[dreg:$0x4] =	wrdreg $0xC0  }
0xad: {  	_ =	task [dreg:s9], $0x5FFFF  }
0xae: {  	[dreg:$0x1] =	wrdreg $0xFFFFFFFF  }
0xaf: {  	[dreg:$0x0] =	wrdreg $0x60  }
0xb0: {  	[dreg:$0x2] =	wrdreg s2  }
0xb1: {  	[dreg:$0x3] =	wrdreg s19  }
0xb2: {  	[dreg:$0x4] =	wrdreg s4  }
0xb3: {  	[dreg:$0x5] =	wrdreg $0x9  }
0xb4: {  	_ =	task.clear_ibuf [dreg:s9], $0x6FFFF;
	_ =	strace $0x90000046  }
0xb5: {  	s29 =	simm.s32 $0x9;
	_ =	strace $0x80000048  }
0xb6: {  	_ =	swait.ge [sflag:s29], $0x1  }
0xb7: {  	[sflag:s29] =	ssyncadd.s32 $0xFFFFFFFF  }
0xb8: {  	_ =	strace $0x90000048  }
0xb9: {  	_ =	sfence  }
0xba: {  	s30 =	sld [smem:$0x0];
	_ =	sdelay $0x2  }
0xbb: {  	s31 =	sshll.u32 s1, $0xD;
	s1 =	sshrl.u32 s1, $0x2  }
0xbc: {  	s3 =	sand.u32 $0x4000, s31;
	s1 =	sadd.s32 s1, s30  }
0xbd: {  	s0 =	sor.u32 s3, s0;
	s1 =	sshll.u32 s1, $0x11  }
0xbe: {  	s0 =	sor.u32 s1, s0  }
0xbf: {  	s0 =	sadd.s32 $0x8F2B, s0  }
0xc0: {  	[sflag:s0] =	ssyncadd.remote.s32 $0x1  }
0xc1: {  	_ =	sfence.sel $0xFFFF  }
0xc2: {  	[dreg:$0x0] =	wrdreg $0xFFFFFFFF;
	(pc) =	sbr.abs _section_cstart, $3  }
0xc3: {  	[dreg:$0x1] =	wrdreg $0xFFFFFFFF  }
0xc4: {  	_ =	task.clear_ibuf [dreg:s9], $0x2FFFF;
	_ =	strace $0x9FFFFFFF  }
0xc5: {  	(tm) =	ssettm $0x7FFFFFFF  }
tec
execute0_lowered:
.L_overlay_start_1:
0x0: {  	(tag) =	ssettag $0x1  }
0x1: {  	s0 =	rddreg [dreg:$0x0]  }
0x2: {  	s2 =	rddreg [dreg:$0x1];
	s1 =	srdreg.scid  }
0x3: {  	s4 =	rddreg [dreg:$0x2];
	s3 =	stileid.u32;
	s13 =	simm.s32 $0x1  }
0x4: {  	s14 =	simm.s32 $0x400;
	s15 =	simm.s32 $0x7A1400;
	s16 =	simm.s32 $0x200;
	v0 =	vlaneseq.u32  }
0x5: {  	s9 =	simm.s32 $0xE200;
	s17 =	simm.s32 $0xEB00;
	s18 =	simm.s32 $0xEC00;
	v1 =	vmul.u32 $0x900, v0  }
0x6: {  	v20 =	vimm.f32 $5.499999970e-02;
	s19 =	simm.s32 $0xF400;
	s20 =	simm.s32 $0xF500;
	s21 =	simm.s32 $0xFD00  }
0x7: {  	v18 =	vimm.s32 $0x0;
	s28 =	simm.s32 $0x11800;
	s29 =	simm.s32 $0x11900;
	s30 =	simm.s32 $0x12100;
	v2 =	vor.u32 $0x80, v1;
	v3 =	vadd.s32 $0x100, v1  }
0x8: {  	s31 =	simm.s32 $0x12200;
	s1 =	sand.u32 $0x1, s1;
	s5 =	sshll.u32 s3, $0xA;
	v4 =	vadd.s32 $0x180, v1;
	v5 =	vadd.s32 $0x200, v1;
	v6 =	vadd.s32 $0x280, v1  }
0x9: {  	s3 =	simm.s32 $0x0;
	s6 =	sshll.u32 s1, $0x9;
	s1 =	ssub.s32 $0x2, s1;
	v7 =	vadd.s32 $0x300, v1;
	v8 =	vadd.s32 $0x380, v1;
	v9 =	vadd.s32 $0x400, v1  }
0xa: {  	[smem:$0x7FF] =	sst s3;
	s5 =	sor.u32 s6, s5;
	s22 =	sshrl.u32 s1, $0x1;
	v10 =	vadd.s32 $0x480, v1;
	v11 =	vadd.s32 $0x500, v1;
	v12 =	vadd.s32 $0x580, v1  }
0xb: {  	_ =	strace $0x80000047;
	v13 =	vadd.s32 $0x600, v1;
	v14 =	vadd.s32 $0x680, v1;
	v15 =	vadd.s32 $0x700, v1;
	s7 =	sshrl.u32 s5, $0x3;
	s25 =	sadd.s32 s4, s5  }
0xc: {  	v16 =	vadd.s32 $0x780, v1;
	v17 =	vadd.s32 $0x800, v1;
	v19 =	vadd.s32 $0x880, v1;
	s1 =	ssub.s32 s1, s22;
	s0 =	sadd.s32 s0, s7;
	[dreg:$0x8] =	wrdreg s25  }
0xd: {  	v21 =	vadd.s32 $0x9000, v1;
	v22 =	vadd.s32 $0x9080, v1;
	v23 =	vadd.s32 $0x9100, v1;
	s6 =	simm.s32 $0x0;
	s26 =	smax.u32 s1, $0x1;
	[dreg:$0x4] =	wrdreg s0  }
.Ltmp0:
0xe: {  	v24 =	vadd.s32 $0x9180, v1;
	v25 =	vadd.s32 $0x9200, v1;
	v26 =	vadd.s32 $0x9280, v1;
	s23 =	sadd.s32 $0x10, s0;
	[dreg:$0x9] =	wrdreg s26;
	(pc) =	sbr.rel .LBB2_1-.Ltmp0, $4  }
0xf: {  	v27 =	vadd.s32 $0x9300, v1;
	v28 =	vadd.s32 $0x9380, v1;
	v29 =	vadd.s32 $0x9400, v1;
	s4 =	simm.s32 $0xE300;
	s24 =	sadd.s32 $0x20, s0;
	[dreg:$0x5] =	wrdreg s23  }
0x10: {  	v30 =	vadd.s32 $0x9480, v1;
	v31 =	vadd.s32 $0x9500, v1;
	v32 =	vadd.s32 $0x9580, v1;
	s22 =	simm.s32 $0xFE00;
	s0 =	sadd.s32 $0x30, s0;
	[dreg:$0x6] =	wrdreg s24  }
0x11: {  	v33 =	vadd.s32 $0x9600, v1;
	v34 =	vadd.s32 $0x9680, v1;
	v35 =	vadd.s32 $0x9700, v1;
	s25 =	simm.s32 $0x10F00;
	s26 =	simm.s32 $0x11000;
	[dreg:$0x7] =	wrdreg s0  }
0x12: {  	v36 =	vadd.s32 $0x9780, v1;
	v37 =	vadd.s32 $0x9800, v1;
	v38 =	vadd.s32 $0x9880, v1;
	s23 =	simm.s32 $0x10600;
	s24 =	simm.s32 $0x10700;
	s0 =	simm.s32 $0x2  }
.LBB2_5:
0x13: {  	s1 =	rddreg [dreg:$0x8]  }
0x14: {  	s5 =	simm.s32 $0x1000;
	s6 =	simm.s32 $0x20000;
	s10 =	simm.s32 $0x3  }
0x15: {  	[hbm4b:s1+s5] =	stream.strided.scatter [tilespmem:s31], [sflag:$0x3], $0x3000, s6, s5, $0x38;
	[tilespmem:$0x15200] =	vst v63  }
0x16: {  	_ =	swait.ge [sflag:s10], $0x3000  }
0x17: {  	s11 =	rddreg [dreg:$0xa]  }
0x18: {  	s12 =	rddreg [dreg:$0x9];
	s6 =	sadd.s32 $0x1, s11  }
0x19: {  	p0 =	sne.s32 s6, s12  }
.Ltmp1:
0x1a: {  	_ = 	snop;
	(pc) =	sbr.rel @!p0 .LBB2_6-.Ltmp1, $3  }
0x1b: {  	_ =	sdelay $0x1  }
0x1c: {  	[sflag:s10] =	ssyncset.done $0x0  }
0x1d: {  	[sflag:s10] =	ssyncadd.s32 $0xFFFFD000  }
.LBB2_1:
0x1e: {  	[dreg:$0xa] =	wrdreg s6  }
0x1f: {  	s1 =	rddreg [dreg:$0x4]  }
0x20: {  	[tilespmem:s3], [sflag:$0x1] =	stream.linear.gather [hbm4b:s1+s3], $0x80, $0x38;
	[tilespmem:$0x15200] =	vst v63  }
0x21: {  	s6 =	rddreg [dreg:$0x5];
	s5 =	simm.s32 $0x80  }
0x22: {  	[tilespmem:s5], [sflag:$0x1] =	stream.linear.gather [hbm4b:s6+s3], $0x80, $0x38;
	[tilespmem:$0x15200] =	vst v63  }
0x23: {  	s7 =	rddreg [dreg:$0x6];
	s8 =	simm.s32 $0x100  }
0x24: {  	[tilespmem:s8], [sflag:$0x1] =	stream.linear.gather [hbm4b:s7+s3], $0x80, $0x38;
	[tilespmem:$0x15200] =	vst v63  }
0x25: {  	s10 =	rddreg [dreg:$0x7];
	s11 =	simm.s32 $0x180  }
0x26: {  	[tilespmem:s11], [sflag:$0x1] =	stream.linear.gather [hbm4b:s10+s3], $0x80, $0x38;
	[tilespmem:$0x15200] =	vst v63  }
0x27: {  	_ =	swait.ge [sflag:s13], $0x80  }
0x28: {  	[sflag:s13] =	ssyncset.done $0x0  }
0x29: {  	[sflag:s13] =	ssyncadd.s32 $0xFFFFFF80  }
0x2a: {  	_ =	swait.ge [sflag:s13], $0x80  }
0x2b: {  	[sflag:s13] =	ssyncset.done $0x0  }
0x2c: {  	[sflag:s13] =	ssyncadd.s32 $0xFFFFFF80  }
0x2d: {  	_ =	swait.ge [sflag:s13], $0x80  }
0x2e: {  	[sflag:s13] =	ssyncset.done $0x0  }
0x2f: {  	[sflag:s13] =	ssyncadd.s32 $0xFFFFFF80  }
0x30: {  	_ =	swait.ge [sflag:s13], $0x80  }
0x31: {  	[sflag:s13] =	ssyncset.done $0x0  }
0x32: {  	[sflag:s13] =	ssyncadd.s32 $0xFFFFFF80  }
0x33: {  	v39 =	vld.idx.msk [tilespmem:v0+s3+$0x0], $0xffff;
	_ =	sdelay $0x4  }
0x34: {  	(v2sf) =	vpush v39, $0x0;
	_ =	sdelay $0x6  }
0x35: {  	(v2sf) =	vpush v39, $0x1;
	_ =	sdelay $0x7  }
0x36: {  	s12 =	spop (v2sf)  }
0x37: {  	(v2sf) =	vpush v39, $0x2;
	s7 =	sand.u32 $0x7F, s12  }
0x38: {  	s8 =	sshra.s32 s12, $0x1F;
	p0 =	slt.s32 s12, $0x1;
	p1 =	sne.s32 s7, $0x0  }
0x39: {  	s10 =	sshrl.u32 s8, $0x19;
	p0 =	por !p0, !p1  }
0x3a: {  	s5 =	simm.s32 $0x1;
	s1 =	sadd.s32 s10, s12;
	p0 =	por !p0, !p0  }
0x3b: {  	s1 =	sshrl.u32 s1, $0x7;
	s5 =	simm.s32 @!p0 $0x0  }
0x3c: {  	s1 =	ssub.s32 s1, s5  }
0x3d: {  	s11 =	simm.s32 $0xA00;
	s12 =	spop (v2sf);
	s1 =	sshll.u32 s1, $0x7  }
0x3e: {  	s6 =	sand.u32 $0x7F, s12;
	s7 =	sshra.s32 s12, $0x1F;
	s1 =	sand.u32 $0x1FFFFF80, s1  }
0x3f: {  	p1 =	slt.s32 s12, $0x1;
	p2 =	sne.s32 s6, $0x0;
	s1 =	sadd.s32 s2, s1  }
0x40: {  	(v2sf) =	vpush v39, $0x3;
	[tilespmem:s16], [sflag:$0x1] =	stream.strided.gather [hbm4b:s1+s14], $0x800, s15, s14, $0x38;
	[tilespmem:$0x15200] =	vst v63  }
0x41: {  	s8 =	sshrl.u32 s7, $0x19;
	p0 =	por !p1, !p2;
	s1 =	sadd.s32 $0x1E8500, s1  }
0x42: {  	[tilespmem:s11], [sflag:$0x1] =	stream.linear.gather [hbm4b:s1+s3], $0x100, $0x38;
	[tilespmem:$0x15200] =	vst v63  }
0x43: {  	s5 =	simm.s32 $0x1;
	p0 =	por !p0, !p0;
	s1 =	sadd.s32 s8, s12  }
0x44: {  	s5 =	simm.s32 @!p0 $0x0;
	s1 =	sshrl.u32 s1, $0x7  }
0x45: {  	s10 =	simm.s32 $0xB00;
	s1 =	ssub.s32 s1, s5  }
0x46: {  	s11 =	simm.s32 $0x1300;
	s1 =	sshll.u32 s1, $0x7;
	s12 =	spop (v2sf)  }
0x47: {  	s1 =	sand.u32 $0x1FFFFF80, s1;
	s6 =	sand.u32 $0x7F, s12;
	s7 =	sshra.s32 s12, $0x1F  }
0x48: {  	p3 =	slt.s32 s12, $0x1;
	s1 =	sadd.s32 s2, s1;
	p4 =	sne.s32 s6, $0x0  }
0x49: {  	(v2sf) =	vpush v39, $0x4;
	[tilespmem:s10], [sflag:$0x1] =	stream.strided.gather [hbm4b:s1+s14], $0x800, s15, s14, $0x38;
	[tilespmem:$0x15200] =	vst v63  }
0x4a: {  	s8 =	sshrl.u32 s7, $0x19;
	s1 =	sadd.s32 $0x1E8500, s1;
	p0 =	por !p3, !p4  }
0x4b: {  	[tilespmem:s11], [sflag:$0x1] =	stream.linear.gather [hbm4b:s1+s3], $0x100, $0x38;
	[tilespmem:$0x15200] =	vst v63  }
0x4c: {  	s5 =	simm.s32 $0x1;
	p0 =	por !p0, !p0;
	s1 =	sadd.s32 s8, s12  }
0x4d: {  	s5 =	simm.s32 @!p0 $0x0;
	s1 =	sshrl.u32 s1, $0x7  }
0x4e: {  	s10 =	simm.s32 $0x1400;
	s1 =	ssub.s32 s1, s5  }
0x4f: {  	s11 =	simm.s32 $0x1C00;
	s12 =	spop (v2sf);
	s1 =	sshll.u32 s1, $0x7  }
0x50: {  	s6 =	sand.u32 $0x7F, s12;
	s7 =	sshra.s32 s12, $0x1F;
	s1 =	sand.u32 $0x1FFFFF80, s1  }
0x51: {  	p5 =	slt.s32 s12, $0x1;
	p6 =	sne.s32 s6, $0x0;
	s1 =	sadd.s32 s2, s1  }
0x52: {  	(v2sf) =	vpush v39, $0x5;
	[tilespmem:s10], [sflag:$0x1] =	stream.strided.gather [hbm4b:s1+s14], $0x800, s15, s14, $0x38;
	[tilespmem:$0x15200] =	vst v63  }
0x53: {  	s8 =	sshrl.u32 s7, $0x19;
	p0 =	por !p5, !p6;
	s1 =	sadd.s32 $0x1E8500, s1  }
0x54: {  	[tilespmem:s11], [sflag:$0x1] =	stream.linear.gather [hbm4b:s1+s3], $0x100, $0x38;
	[tilespmem:$0x15200] =	vst v63  }
0x55: {  	s5 =	simm.s32 $0x1;
	p0 =	por !p0, !p0;
	s1 =	sadd.s32 s8, s12  }
0x56: {  	s5 =	simm.s32 @!p0 $0x0;
	s1 =	sshrl.u32 s1, $0x7  }
0x57: {  	s10 =	simm.s32 $0x1D00;
	s1 =	ssub.s32 s1, s5  }
0x58: {  	s11 =	simm.s32 $0x2500;
	s12 =	spop (v2sf);
	s1 =	sshll.u32 s1, $0x7  }
0x59: {  	s6 =	sand.u32 $0x7F, s12;
	s7 =	sshra.s32 s12, $0x1F;
	s1 =	sand.u32 $0x1FFFFF80, s1  }
0x5a: {  	p1 =	slt.s32 s12, $0x1;
	p2 =	sne.s32 s6, $0x0;
	s1 =	sadd.s32 s2, s1  }
0x5b: {  	(v2sf) =	vpush v39, $0x6;
	[tilespmem:s10], [sflag:$0x1] =	stream.strided.gather [hbm4b:s1+s14], $0x800, s15, s14, $0x38;
	[tilespmem:$0x15200] =	vst v63  }
0x5c: {  	s8 =	sshrl.u32 s7, $0x19;
	p0 =	por !p1, !p2;
	s1 =	sadd.s32 $0x1E8500, s1  }
0x5d: {  	[tilespmem:s11], [sflag:$0x1] =	stream.linear.gather [hbm4b:s1+s3], $0x100, $0x38;
	[tilespmem:$0x15200] =	vst v63  }
0x5e: {  	s5 =	simm.s32 $0x1;
	p0 =	por !p0, !p0;
	s1 =	sadd.s32 s8, s12  }
0x5f: {  	s5 =	simm.s32 @!p0 $0x0;
	s1 =	sshrl.u32 s1, $0x7  }
0x60: {  	s10 =	simm.s32 $0x2600;
	s1 =	ssub.s32 s1, s5  }
0x61: {  	s11 =	simm.s32 $0x2E00;
	s12 =	spop (v2sf);
	s1 =	sshll.u32 s1, $0x7  }
0x62: {  	s6 =	sand.u32 $0x7F, s12;
	s7 =	sshra.s32 s12, $0x1F;
	s1 =	sand.u32 $0x1FFFFF80, s1  }
0x63: {  	p3 =	slt.s32 s12, $0x1;
	p4 =	sne.s32 s6, $0x0;
	s1 =	sadd.s32 s2, s1  }
0x64: {  	(v2sf) =	vpush v39, $0x7;
	[tilespmem:s10], [sflag:$0x1] =	stream.strided.gather [hbm4b:s1+s14], $0x800, s15, s14, $0x38;
	[tilespmem:$0x15200] =	vst v63  }
0x65: {  	s8 =	sshrl.u32 s7, $0x19;
	p0 =	por !p3, !p4;
	s1 =	sadd.s32 $0x1E8500, s1  }
0x66: {  	[tilespmem:s11], [sflag:$0x1] =	stream.linear.gather [hbm4b:s1+s3], $0x100, $0x38;
	[tilespmem:$0x15200] =	vst v63  }
0x67: {  	s5 =	simm.s32 $0x1;
	p0 =	por !p0, !p0;
	s1 =	sadd.s32 s8, s12  }
0x68: {  	s5 =	simm.s32 @!p0 $0x0;
	s1 =	sshrl.u32 s1, $0x7  }
0x69: {  	s10 =	simm.s32 $0x2F00;
	s1 =	ssub.s32 s1, s5  }
0x6a: {  	s11 =	simm.s32 $0x3700;
	s12 =	spop (v2sf);
	s1 =	sshll.u32 s1, $0x7  }
0x6b: {  	s6 =	sand.u32 $0x7F, s12;
	s7 =	sshra.s32 s12, $0x1F;
	s1 =	sand.u32 $0x1FFFFF80, s1  }
0x6c: {  	p5 =	slt.s32 s12, $0x1;
	p6 =	sne.s32 s6, $0x0;
	s1 =	sadd.s32 s2, s1  }
0x6d: {  	(v2sf) =	vpush v39, $0x8;
	[tilespmem:s10], [sflag:$0x1] =	stream.strided.gather [hbm4b:s1+s14], $0x800, s15, s14, $0x38;
	[tilespmem:$0x15200] =	vst v63  }
0x6e: {  	s8 =	sshrl.u32 s7, $0x19;
	p0 =	por !p5, !p6;
	s1 =	sadd.s32 $0x1E8500, s1  }
0x6f: {  	[tilespmem:s11], [sflag:$0x1] =	stream.linear.gather [hbm4b:s1+s3], $0x100, $0x38;
	[tilespmem:$0x15200] =	vst v63  }
0x70: {  	s5 =	simm.s32 $0x1;
	p0 =	por !p0, !p0;
	s1 =	sadd.s32 s8, s12  }
0x71: {  	s5 =	simm.s32 @!p0 $0x0;
	s1 =	sshrl.u32 s1, $0x7  }
0x72: {  	s10 =	simm.s32 $0x3800;
	s1 =	ssub.s32 s1, s5  }
0x73: {  	s11 =	simm.s32 $0x4000;
	s12 =	spop (v2sf);
	s1 =	sshll.u32 s1, $0x7  }
0x74: {  	s6 =	sand.u32 $0x7F, s12;
	s7 =	sshra.s32 s12, $0x1F;
	s1 =	sand.u32 $0x1FFFFF80, s1  }
0x75: {  	p1 =	slt.s32 s12, $0x1;
	p2 =	sne.s32 s6, $0x0;
	s1 =	sadd.s32 s2, s1  }
0x76: {  	(v2sf) =	vpush v39, $0x9;
	[tilespmem:s10], [sflag:$0x1] =	stream.strided.gather [hbm4b:s1+s14], $0x800, s15, s14, $0x38;
	[tilespmem:$0x15200] =	vst v63  }
0x77: {  	s8 =	sshrl.u32 s7, $0x19;
	p0 =	por !p1, !p2;
	s1 =	sadd.s32 $0x1E8500, s1  }
0x78: {  	[tilespmem:s11], [sflag:$0x1] =	stream.linear.gather [hbm4b:s1+s3], $0x100, $0x38;
	[tilespmem:$0x15200] =	vst v63  }
0x79: {  	s5 =	simm.s32 $0x1;
	p0 =	por !p0, !p0;
	s1 =	sadd.s32 s8, s12  }
0x7a: {  	s5 =	simm.s32 @!p0 $0x0;
	s1 =	sshrl.u32 s1, $0x7  }
0x7b: {  	s10 =	simm.s32 $0x4100;
	s1 =	ssub.s32 s1, s5  }
0x7c: {  	s11 =	simm.s32 $0x4900;
	s12 =	spop (v2sf);
	s1 =	sshll.u32 s1, $0x7  }
0x7d: {  	s6 =	sand.u32 $0x7F, s12;
	s7 =	sshra.s32 s12, $0x1F;
	s1 =	sand.u32 $0x1FFFFF80, s1  }
0x7e: {  	p3 =	slt.s32 s12, $0x1;
	p4 =	sne.s32 s6, $0x0;
	s1 =	sadd.s32 s2, s1  }
0x7f: {  	(v2sf) =	vpush v39, $0xA;
	[tilespmem:s10], [sflag:$0x1] =	stream.strided.gather [hbm4b:s1+s14], $0x800, s15, s14, $0x38;
	[tilespmem:$0x15200] =	vst v63  }
0x80: {  	s8 =	sshrl.u32 s7, $0x19;
	p0 =	por !p3, !p4;
	s1 =	sadd.s32 $0x1E8500, s1  }
0x81: {  	[tilespmem:s11], [sflag:$0x1] =	stream.linear.gather [hbm4b:s1+s3], $0x100, $0x38;
	[tilespmem:$0x15200] =	vst v63  }
0x82: {  	s5 =	simm.s32 $0x1;
	p0 =	por !p0, !p0;
	s1 =	sadd.s32 s8, s12  }
0x83: {  	s5 =	simm.s32 @!p0 $0x0;
	s1 =	sshrl.u32 s1, $0x7  }
0x84: {  	s10 =	simm.s32 $0x4A00;
	s1 =	ssub.s32 s1, s5  }
0x85: {  	s11 =	simm.s32 $0x5200;
	s12 =	spop (v2sf);
	s1 =	sshll.u32 s1, $0x7  }
0x86: {  	s6 =	sand.u32 $0x7F, s12;
	s7 =	sshra.s32 s12, $0x1F;
	s1 =	sand.u32 $0x1FFFFF80, s1  }
0x87: {  	p5 =	slt.s32 s12, $0x1;
	p6 =	sne.s32 s6, $0x0;
	s1 =	sadd.s32 s2, s1  }
0x88: {  	(v2sf) =	vpush v39, $0xB;
	[tilespmem:s10], [sflag:$0x1] =	stream.strided.gather [hbm4b:s1+s14], $0x800, s15, s14, $0x38;
	[tilespmem:$0x15200] =	vst v63  }
0x89: {  	s8 =	sshrl.u32 s7, $0x19;
	p0 =	por !p5, !p6;
	s1 =	sadd.s32 $0x1E8500, s1  }
0x8a: {  	[tilespmem:s11], [sflag:$0x1] =	stream.linear.gather [hbm4b:s1+s3], $0x100, $0x38;
	[tilespmem:$0x15200] =	vst v63  }
0x8b: {  	s5 =	simm.s32 $0x1;
	p0 =	por !p0, !p0;
	s1 =	sadd.s32 s8, s12  }
0x8c: {  	s5 =	simm.s32 @!p0 $0x0;
	s1 =	sshrl.u32 s1, $0x7  }
0x8d: {  	s10 =	simm.s32 $0x5300;
	s1 =	ssub.s32 s1, s5  }
0x8e: {  	s11 =	simm.s32 $0x5B00;
	s12 =	spop (v2sf);
	s1 =	sshll.u32 s1, $0x7  }
0x8f: {  	s6 =	sand.u32 $0x7F, s12;
	s7 =	sshra.s32 s12, $0x1F;
	s1 =	sand.u32 $0x1FFFFF80, s1  }
0x90: {  	p1 =	slt.s32 s12, $0x1;
	p2 =	sne.s32 s6, $0x0;
	s1 =	sadd.s32 s2, s1  }
0x91: {  	(v2sf) =	vpush v39, $0xC;
	[tilespmem:s10], [sflag:$0x1] =	stream.strided.gather [hbm4b:s1+s14], $0x800, s15, s14, $0x38;
	[tilespmem:$0x15200] =	vst v63  }
0x92: {  	s8 =	sshrl.u32 s7, $0x19;
	p0 =	por !p1, !p2;
	s1 =	sadd.s32 $0x1E8500, s1  }
0x93: {  	[tilespmem:s11], [sflag:$0x1] =	stream.linear.gather [hbm4b:s1+s3], $0x100, $0x38;
	[tilespmem:$0x15200] =	vst v63  }
0x94: {  	s5 =	simm.s32 $0x1;
	p0 =	por !p0, !p0;
	s1 =	sadd.s32 s8, s12  }
0x95: {  	s5 =	simm.s32 @!p0 $0x0;
	s1 =	sshrl.u32 s1, $0x7  }
0x96: {  	s10 =	simm.s32 $0x5C00;
	s1 =	ssub.s32 s1, s5  }
0x97: {  	s11 =	simm.s32 $0x6400;
	s12 =	spop (v2sf);
	s1 =	sshll.u32 s1, $0x7  }
0x98: {  	s6 =	sand.u32 $0x7F, s12;
	s7 =	sshra.s32 s12, $0x1F;
	s1 =	sand.u32 $0x1FFFFF80, s1  }
0x99: {  	p3 =	slt.s32 s12, $0x1;
	p4 =	sne.s32 s6, $0x0;
	s1 =	sadd.s32 s2, s1  }
0x9a: {  	(v2sf) =	vpush v39, $0xD;
	[tilespmem:s10], [sflag:$0x1] =	stream.strided.gather [hbm4b:s1+s14], $0x800, s15, s14, $0x38;
	[tilespmem:$0x15200] =	vst v63  }
0x9b: {  	s8 =	sshrl.u32 s7, $0x19;
	p0 =	por !p3, !p4;
	s1 =	sadd.s32 $0x1E8500, s1  }
0x9c: {  	[tilespmem:s11], [sflag:$0x1] =	stream.linear.gather [hbm4b:s1+s3], $0x100, $0x38;
	[tilespmem:$0x15200] =	vst v63  }
0x9d: {  	s5 =	simm.s32 $0x1;
	p0 =	por !p0, !p0;
	s1 =	sadd.s32 s8, s12  }
0x9e: {  	s5 =	simm.s32 @!p0 $0x0;
	s1 =	sshrl.u32 s1, $0x7  }
0x9f: {  	s10 =	simm.s32 $0x6500;
	s1 =	ssub.s32 s1, s5  }
0xa0: {  	s11 =	simm.s32 $0x6D00;
	s12 =	spop (v2sf);
	s1 =	sshll.u32 s1, $0x7  }
0xa1: {  	s6 =	sand.u32 $0x7F, s12;
	s7 =	sshra.s32 s12, $0x1F;
	s1 =	sand.u32 $0x1FFFFF80, s1  }
0xa2: {  	p5 =	slt.s32 s12, $0x1;
	p6 =	sne.s32 s6, $0x0;
	s1 =	sadd.s32 s2, s1  }
0xa3: {  	(v2sf) =	vpush v39, $0xE;
	[tilespmem:s10], [sflag:$0x1] =	stream.strided.gather [hbm4b:s1+s14], $0x800, s15, s14, $0x38;
	[tilespmem:$0x15200] =	vst v63  }
0xa4: {  	s8 =	sshrl.u32 s7, $0x19;
	p0 =	por !p5, !p6;
	s1 =	sadd.s32 $0x1E8500, s1  }
0xa5: {  	[tilespmem:s11], [sflag:$0x1] =	stream.linear.gather [hbm4b:s1+s3], $0x100, $0x38;
	[tilespmem:$0x15200] =	vst v63  }
0xa6: {  	s5 =	simm.s32 $0x1;
	p0 =	por !p0, !p0;
	s1 =	sadd.s32 s8, s12  }
0xa7: {  	s5 =	simm.s32 @!p0 $0x0;
	s1 =	sshrl.u32 s1, $0x7  }
0xa8: {  	s10 =	simm.s32 $0x6E00;
	s1 =	ssub.s32 s1, s5  }
0xa9: {  	s11 =	simm.s32 $0x7600;
	s12 =	spop (v2sf);
	s1 =	sshll.u32 s1, $0x7  }
0xaa: {  	s6 =	sand.u32 $0x7F, s12;
	s7 =	sshra.s32 s12, $0x1F;
	s1 =	sand.u32 $0x1FFFFF80, s1  }
0xab: {  	p1 =	slt.s32 s12, $0x1;
	p2 =	sne.s32 s6, $0x0;
	s1 =	sadd.s32 s2, s1  }
0xac: {  	(v2sf) =	vpush v39, $0xF;
	[tilespmem:s10], [sflag:$0x1] =	stream.strided.gather [hbm4b:s1+s14], $0x800, s15, s14, $0x38;
	[tilespmem:$0x15200] =	vst v63  }
0xad: {  	s8 =	sshrl.u32 s7, $0x19;
	p0 =	por !p1, !p2;
	s1 =	sadd.s32 $0x1E8500, s1  }
0xae: {  	[tilespmem:s11], [sflag:$0x1] =	stream.linear.gather [hbm4b:s1+s3], $0x100, $0x38;
	[tilespmem:$0x15200] =	vst v63  }
0xaf: {  	s5 =	simm.s32 $0x1;
	p0 =	por !p0, !p0;
	s1 =	sadd.s32 s8, s12  }
0xb0: {  	s5 =	simm.s32 @!p0 $0x0;
	s1 =	sshrl.u32 s1, $0x7  }
0xb1: {  	s10 =	simm.s32 $0x7700;
	s1 =	ssub.s32 s1, s5  }
0xb2: {  	s11 =	spop (v2sf);
	s12 =	simm.s32 $0x7F00;
	s1 =	sshll.u32 s1, $0x7  }
0xb3: {  	s6 =	sand.u32 $0x7F, s11;
	s7 =	sshra.s32 s11, $0x1F;
	s1 =	sand.u32 $0x1FFFFF80, s1  }
0xb4: {  	p3 =	slt.s32 s11, $0x1;
	p4 =	sne.s32 s6, $0x0;
	s1 =	sadd.s32 s2, s1  }
0xb5: {  	[tilespmem:s10], [sflag:$0x1] =	stream.strided.gather [hbm4b:s1+s14], $0x800, s15, s14, $0x38;
	[tilespmem:$0x15200] =	vst v63  }
0xb6: {  	s8 =	sshrl.u32 s7, $0x19;
	p0 =	por !p3, !p4;
	s1 =	sadd.s32 $0x1E8500, s1  }
0xb7: {  	[tilespmem:s12], [sflag:$0x1] =	stream.linear.gather [hbm4b:s1+s3], $0x100, $0x38;
	[tilespmem:$0x15200] =	vst v63  }
0xb8: {  	s5 =	simm.s32 $0x1;
	p0 =	por !p0, !p0;
	s1 =	sadd.s32 s8, s11  }
0xb9: {  	s5 =	simm.s32 @!p0 $0x0;
	s1 =	sshrl.u32 s1, $0x7  }
0xba: {  	s10 =	simm.s32 $0x8000;
	s1 =	ssub.s32 s1, s5  }
0xbb: {  	s11 =	simm.s32 $0x8800;
	s12 =	spop (v2sf);
	s1 =	sshll.u32 s1, $0x7  }
0xbc: {  	s7 =	sand.u32 $0x7F, s12;
	s8 =	sshra.s32 s12, $0x1F;
	s1 =	sand.u32 $0x1FFFFF80, s1  }
0xbd: {  	p5 =	slt.s32 s12, $0x1;
	p6 =	sne.s32 s7, $0x0;
	s1 =	sadd.s32 s2, s1  }
0xbe: {  	[tilespmem:s10], [sflag:$0x1] =	stream.strided.gather [hbm4b:s1+s14], $0x800, s15, s14, $0x38;
	[tilespmem:$0x15200] =	vst v63  }
0xbf: {  	p0 =	por !p5, !p6;
	s1 =	sadd.s32 $0x1E8500, s1;
	s10 =	sshrl.u32 s8, $0x19  }
0xc0: {  	[tilespmem:s11], [sflag:$0x1] =	stream.linear.gather [hbm4b:s1+s3], $0x100, $0x38;
	[tilespmem:$0x15200] =	vst v63  }
0xc1: {  	s5 =	simm.s32 $0x1;
	p0 =	por !p0, !p0;
	s1 =	sadd.s32 s10, s12  }
0xc2: {  	s5 =	simm.s32 @!p0 $0x0;
	s1 =	sshrl.u32 s1, $0x7  }
0xc3: {  	s1 =	ssub.s32 s1, s5  }
0xc4: {  	s1 =	sshll.u32 s1, $0x7  }
0xc5: {  	s1 =	sand.u32 $0x1FFFFF80, s1  }
.Ltmp2:
0xc6: {  	s11 =	simm.s32 $0x8900;
	s1 =	sadd.s32 s2, s1;
	(pc) =	sbr.rel .LBB2_2-.Ltmp2, $4  }
0xc7: {  	[tilespmem:s11], [sflag:$0x1] =	stream.strided.gather [hbm4b:s1+s14], $0x800, s15, s14, $0x38;
	[tilespmem:$0x15200] =	vst v63  }
0xc8: {  	s12 =	simm.s32 $0x9100;
	s1 =	sadd.s32 $0x1E8500, s1  }
0xc9: {  	[tilespmem:s12], [sflag:$0x1] =	stream.linear.gather [hbm4b:s1+s3], $0x100, $0x38;
	[tilespmem:$0x15200] =	vst v63  }
0xca: {  	s10 =	simm.s32 $0x2;
	s11 =	simm.s32 $0x0;
	s1 =	simm.s32 $0x20  }
.LBB2_4:
0xcb: {  	_ = 	snop  }
0xcc: {  	_ =	swait.ge [sflag:s0], $0x9000  }
0xcd: {  	[sflag:s0] =	ssyncset.done $0x0  }
0xce: {  	[sflag:s0] =	ssyncadd.s32 $0xFFFF7000  }
0xcf: {  	v39 =	vld.idx.msk [tilespmem:v39+s3+$0x0], $0xffff;
	_ =	sdelay $0x4  }
0xd0: {  	v40 =	vshra.s32 v39, $0x1F  }
0xd1: {  	v40 =	vshrl.u32 v40, $0x19  }
0xd2: {  	v40 =	vadd.s32 v40, v39  }
0xd3: {  	v40 =	vshrl.u32 v40, $0x7  }
0xd4: {  	v40 =	vshll.u32 v40, $0x7  }
0xd5: {  	v39 =	vsub.s32 v39, v40  }
0xd6: {  	v40 =	vadd.s32 v21, v39  }
0xd7: {  	v41 =	vadd.s32 v22, v39;
	_ =	sdelay $0x1  }
0xd8: {  	v42 =	vadd.s32 v23, v39;
	_ =	sdelay $0x1  }
0xd9: {  	v43 =	vadd.s32 v24, v39;
	v40 =	vld.idx.msk [tilespmem:v40+s16+$0x0], $0xffff  }
0xda: {  	v41 =	vld.idx.msk [tilespmem:v41+s16+$0x0], $0xffff  }
0xdb: {  	v44 =	vadd.s32 v25, v39  }
0xdc: {  	v42 =	vld.idx.msk [tilespmem:v42+s16+$0x0], $0xffff  }
0xdd: {  	v45 =	vadd.s32 v26, v39  }
0xde: {  	v43 =	vld.idx.msk [tilespmem:v43+s16+$0x0], $0xffff  }
0xdf: {  	v46 =	vadd.s32 v27, v39;
	vm0 =	vgt.f32 v41, v40  }
0xe0: {  	v49 =	vld.idx.msk [tilespmem:v44+s16+$0x0], $0xffff;
	v40 =	vsel vm0, v41, v40  }
0xe1: {  	v50 =	vadd.s32 v28, v39;
	vm1 =	vgt.f32 v42, v40  }
0xe2: {  	v51 =	vld.idx.msk [tilespmem:v45+s16+$0x0], $0xffff;
	v40 =	vsel vm1, v42, v40  }
0xe3: {  	v52 =	vadd.s32 v29, v39;
	vm2 =	vgt.f32 v43, v40  }
0xe4: {  	v53 =	vld.idx.msk [tilespmem:v46+s16+$0x0], $0xffff;
	v40 =	vsel vm2, v43, v40  }
0xe5: {  	v54 =	vadd.s32 v30, v39;
	vm3 =	vgt.f32 v49, v40  }
0xe6: {  	v55 =	vld.idx.msk [tilespmem:v50+s16+$0x0], $0xffff;
	v40 =	vsel vm3, v49, v40  }
0xe7: {  	v56 =	vadd.s32 v31, v39;
	vm4 =	vgt.f32 v51, v40  }
0xe8: {  	v57 =	vld.idx.msk [tilespmem:v52+s16+$0x0], $0xffff;
	v40 =	vsel vm4, v51, v40  }
0xe9: {  	v58 =	vadd.s32 v32, v39;
	vm5 =	vgt.f32 v53, v40  }
0xea: {  	v59 =	vld.idx.msk [tilespmem:v54+s16+$0x0], $0xffff;
	v40 =	vsel vm5, v53, v40  }
0xeb: {  	v60 =	vadd.s32 v33, v39;
	vm6 =	vgt.f32 v55, v40  }
0xec: {  	v61 =	vld.idx.msk [tilespmem:v56+s16+$0x0], $0xffff;
	v40 =	vsel vm6, v55, v40  }
0xed: {  	v62 =	vadd.s32 v34, v39;
	vm7 =	vgt.f32 v57, v40  }
0xee: {  	v63 =	vld.idx.msk [tilespmem:v58+s16+$0x0], $0xffff;
	v40 =	vsel vm7, v57, v40  }
0xef: {  	v49 =	vadd.s32 v35, v39;
	vm12 =	vgt.f32 v59, v40  }
0xf0: {  	v50 =	vld.idx.msk [tilespmem:v60+s16+$0x0], $0xffff;
	v40 =	vsel vm12, v59, v40  }
0xf1: {  	v47 =	vsel vm0, $0x1, v18;
	v51 =	vadd.s32 v36, v39;
	vm13 =	vgt.f32 v61, v40  }
0xf2: {  	v52 =	vld.idx.msk [tilespmem:v62+s16+$0x0], $0xffff;
	v48 =	vsel vm1, $0x2, v47;
	v40 =	vsel vm13, v61, v40  }
0xf3: {  	v54 =	vadd.s32 v37, v39;
	v45 =	vsel vm2, $0x3, v48;
	vm14 =	vgt.f32 v63, v40  }
0xf4: {  	v45 =	vsel vm3, $0x4, v45;
	v55 =	vld.idx.msk [tilespmem:v49+s16+$0x0], $0xffff;
	v40 =	vsel vm14, v63, v40  }
0xf5: {  	v45 =	vsel vm4, $0x5, v45;
	v39 =	vadd.s32 v38, v39;
	vm15 =	vgt.f32 v50, v40  }
0xf6: {  	v53 =	vsel vm5, $0x6, v45;
	v56 =	vld.idx.msk [tilespmem:v51+s16+$0x0], $0xffff;
	v40 =	vsel vm15, v50, v40  }
0xf7: {  	v44 =	vsel vm6, $0x7, v53;
	vm6 =	vgt.f32 v52, v40  }
0xf8: {  	v44 =	vsel vm7, $0x8, v44;
	v57 =	vld.idx.msk [tilespmem:v54+s16+$0x0], $0xffff;
	v40 =	vsel vm6, v52, v40  }
0xf9: {  	v44 =	vsel vm12, $0x9, v44;
	vm7 =	vgt.f32 v55, v40  }
0xfa: {  	v60 =	vor.u32 s12, v0;
	v39 =	vld.idx.msk [tilespmem:v39+s16+$0x0], $0xffff;
	v44 =	vsel vm13, $0xA, v44;
	v40 =	vsel vm7, v55, v40  }
0xfb: {  	v59 =	vmov s12;
	v44 =	vsel vm14, $0xB, v44;
	vm8 =	vgt.f32 v56, v40  }
0xfc: {  	v43 =	vshll.u32 v59, $0x3;
	v44 =	vsel vm15, $0xC, v44;
	v40 =	vsel vm8, v56, v40  }
0xfd: {  	v61 =	vand.u32 $0x7F, v60;
	v44 =	vsel vm6, $0xD, v44;
	vm9 =	vgt.f32 v57, v40  }
0xfe: {  	v62 =	vand.u32 $0xC00, v43;
	v58 =	vsel vm7, $0xE, v44;
	v40 =	vsel vm9, v57, v40  }
0xff: {  	v42 =	vsel vm8, $0xF, v58;
	vm10 =	vgt.f32 v39, v40;
	v39 =	vor.u32 v61, v62  }
0x100: {  	v42 =	vsel vm9, $0x10, v42;
	v63 =	vor.u32 $0x80, v39  }
0x101: {  	v40 =	vsel vm10, $0x11, v42;
	v44 =	vor.u32 $0x100, v39  }
0x102: {  	v41 =	vor.u32 v61, v43;
	v53 =	vor.u32 $0x180, v39;
	vm0 =	veq.s32 v40, $0x0  }
0x103: {  	v54 =	vor.u32 $0x200, v39;
	vm11 =	veq.s32 v40, $0x1;
	v52 =	vsel vm0, $0x3D851EB8, v20  }
0x104: {  	v49 =	vor.u32 $0x280, v39;
	vm12 =	veq.s32 v40, $0x2;
	v48 =	vsel vm11, $0x3D851EB8, v20;
	[tilespmem:v39+s31+$0x0] =	vst.idx.msk $0xffff, v52  }
0x105: {  	v56 =	vor.u32 $0x300, v39;
	vm13 =	veq.s32 v40, $0x3;
	v55 =	vsel vm12, $0x3D851EB8, v20;
	[tilespmem:v63+s31+$0x0] =	vst.idx.msk $0xffff, v48  }
0x106: {  	v41 =	vor.u32 $0x380, v41;
	vm14 =	veq.s32 v40, $0x4;
	v57 =	vsel vm13, $0x3D851EB8, v20;
	[tilespmem:v44+s31+$0x0] =	vst.idx.msk $0xffff, v55  }
0x107: {  	v59 =	vor.u32 $0x1000, v39;
	vm15 =	veq.s32 v40, $0x5;
	v58 =	vsel vm14, $0x3D851EB8, v20;
	[tilespmem:v53+s31+$0x0] =	vst.idx.msk $0xffff, v57  }
0x108: {  	v61 =	vor.u32 $0x1080, v39;
	vm4 =	veq.s32 v40, $0x6;
	v60 =	vsel vm15, $0x3D851EB8, v20;
	[tilespmem:v54+s31+$0x0] =	vst.idx.msk $0xffff, v58  }
0x109: {  	vm5 =	veq.s32 v40, $0x7;
	v62 =	vsel vm4, $0x3D851EB8, v20;
	v63 =	vor.u32 $0x1100, v39;
	[tilespmem:v49+s31+$0x0] =	vst.idx.msk $0xffff, v60  }
0x10a: {  	vm6 =	veq.s32 v40, $0x8;
	v48 =	vsel vm5, $0x3D851EB8, v20;
	v49 =	vor.u32 $0x1180, v39;
	[tilespmem:v56+s31+$0x0] =	vst.idx.msk $0xffff, v62  }
0x10b: {  	v51 =	vor.u32 $0x1200, v39;
	vm7 =	veq.s32 v40, $0x9;
	v50 =	vsel vm6, $0x3D851EB8, v20;
	[tilespmem:v41+s31+$0x0] =	vst.idx.msk $0xffff, v48  }
0x10c: {  	vm8 =	veq.s32 v40, $0xA;
	v52 =	vsel vm7, $0x3D851EB8, v20;
	v53 =	vor.u32 $0x1280, v39;
	[tilespmem:v59+s31+$0x0] =	vst.idx.msk $0xffff, v50  }
0x10d: {  	vm9 =	veq.s32 v40, $0xB;
	v55 =	vor.u32 $0x1300, v39;
	v54 =	vsel vm8, $0x3D851EB8, v20;
	[tilespmem:v61+s31+$0x0] =	vst.idx.msk $0xffff, v52  }
0x10e: {  	vm10 =	veq.s32 v40, $0xC;
	v57 =	vor.u32 $0x1380, v39;
	v56 =	vsel vm9, $0x3D851EB8, v20;
	[tilespmem:v63+s31+$0x0] =	vst.idx.msk $0xffff, v54  }
0x10f: {  	s1 =	sadd.s32 $0x20, s1;
	vm11 =	veq.s32 v40, $0xD;
	v58 =	vsel vm10, $0x3D851EB8, v20;
	v59 =	vor.u32 $0x2000, v39;
	[tilespmem:v49+s31+$0x0] =	vst.idx.msk $0xffff, v56  }
0x110: {  	p0 =	sne.s32 s1, $0x220;
	vm12 =	veq.s32 v40, $0xE;
	v60 =	vsel vm11, $0x3D851EB8, v20;
	v39 =	vor.u32 $0x2080, v39;
	[tilespmem:v51+s31+$0x0] =	vst.idx.msk $0xffff, v58  }
.Ltmp3:
0x111: {  	vm13 =	veq.s32 v40, $0xF;
	v61 =	vsel vm12, $0x3D851EB8, v20;
	[tilespmem:v53+s31+$0x0] =	vst.idx.msk $0xffff, v60;
	(pc) =	sbr.rel @!p0 .LBB2_5-.Ltmp3, $4  }
0x112: {  	vm14 =	veq.s32 v40, $0x10;
	v62 =	vsel vm13, $0x3D851EB8, v20;
	[tilespmem:v55+s31+$0x0] =	vst.idx.msk $0xffff, v61  }
0x113: {  	vm15 =	veq.s32 v40, $0x11;
	v63 =	vsel vm14, $0x3D851EB8, v20;
	[tilespmem:v57+s31+$0x0] =	vst.idx.msk $0xffff, v62  }
0x114: {  	v40 =	vsel vm15, $0x3D851EB8, v20;
	[tilespmem:v59+s31+$0x0] =	vst.idx.msk $0xffff, v63  }
0x115: {  	s11 =	sadd.s32 $0x1, s11;
	s10 =	sadd.s32 $0x2, s10;
	[tilespmem:v39+s31+$0x0] =	vst.idx.msk $0xffff, v40  }
.LBB2_2:
0x116: {  	s12 =	sadd.s32 $0xFFFFFFF0, s1;
	s5 =	sshll.u32 s11, $0x5  }
0x117: {  	s6 =	sand.u32 $0x70, s12;
	s5 =	sand.u32 $0xFFFFFF80, s5  }
0x118: {  	s6 =	sor.u32 s5, s6  }
0x119: {  	v39 =	vor.u32 s6, v0;
	_ =	sdelay $0x4  }
0x11a: {  	v40 =	vld.idx.msk [tilespmem:v39+s3+$0x0], $0xffff;
	_ =	sdelay $0x4  }
0x11b: {  	(v2sf) =	vpush v40, $0x0;
	_ =	sdelay $0xc  }
0x11c: {  	(v2sf) =	vpush v40, $0x1;
	_ =	sdelay $0x1  }
0x11d: {  	s6 =	spop (v2sf)  }
0x11e: {  	s7 =	sand.u32 $0x7F, s6  }
0x11f: {  	s8 =	sshra.s32 s6, $0x1F;
	p0 =	slt.s32 s6, $0x1;
	p1 =	sne.s32 s7, $0x0  }
0x120: {  	s8 =	sshrl.u32 s8, $0x19;
	p0 =	por !p0, !p1  }
0x121: {  	s7 =	simm.s32 $0x1;
	s6 =	sadd.s32 s8, s6;
	p0 =	por !p0, !p0  }
0x122: {  	s6 =	sshrl.u32 s6, $0x7;
	s7 =	simm.s32 @!p0 $0x0  }
0x123: {  	s6 =	ssub.s32 s6, s7  }
0x124: {  	s6 =	sshll.u32 s6, $0x7  }
0x125: {  	s6 =	sand.u32 $0x1FFFFF80, s6  }
0x126: {  	s8 =	simm.s32 $0x9200;
	s6 =	sadd.s32 s2, s6  }
0x127: {  	[tilespmem:s8], [sflag:$0x2] =	stream.strided.gather [hbm4b:s6+s14], $0x800, s15, s14, $0x38;
	[tilespmem:$0x15200] =	vst v63  }
0x128: {  	(v2sf) =	vpush v40, $0x2;
	s6 =	sadd.s32 $0x1E8500, s6;
	s8 =	simm.s32 $0x9A00  }
0x129: {  	[tilespmem:s8], [sflag:$0x2] =	stream.linear.gather [hbm4b:s6+s3], $0x100, $0x38;
	[tilespmem:$0x15200] =	vst v63  }
0x12a: {  	s6 =	spop (v2sf)  }
0x12b: {  	s7 =	sand.u32 $0x7F, s6  }
0x12c: {  	s8 =	sshra.s32 s6, $0x1F;
	p1 =	slt.s32 s6, $0x1;
	p2 =	sne.s32 s7, $0x0  }
0x12d: {  	s8 =	sshrl.u32 s8, $0x19;
	p0 =	por !p1, !p2  }
0x12e: {  	s7 =	simm.s32 $0x1;
	s6 =	sadd.s32 s8, s6;
	p0 =	por !p0, !p0  }
0x12f: {  	s6 =	sshrl.u32 s6, $0x7;
	s7 =	simm.s32 @!p0 $0x0  }
0x130: {  	s6 =	ssub.s32 s6, s7  }
0x131: {  	s6 =	sshll.u32 s6, $0x7  }
0x132: {  	s6 =	sand.u32 $0x1FFFFF80, s6  }
0x133: {  	s8 =	simm.s32 $0x9B00;
	s6 =	sadd.s32 s2, s6  }
0x134: {  	[tilespmem:s8], [sflag:$0x2] =	stream.strided.gather [hbm4b:s6+s14], $0x800, s15, s14, $0x38;
	[tilespmem:$0x15200] =	vst v63  }
0x135: {  	(v2sf) =	vpush v40, $0x3;
	s6 =	sadd.s32 $0x1E8500, s6;
	s8 =	simm.s32 $0xA300  }
0x136: {  	[tilespmem:s8], [sflag:$0x2] =	stream.linear.gather [hbm4b:s6+s3], $0x100, $0x38;
	[tilespmem:$0x15200] =	vst v63  }
0x137: {  	s6 =	spop (v2sf)  }
0x138: {  	s7 =	sand.u32 $0x7F, s6  }
0x139: {  	s8 =	sshra.s32 s6, $0x1F;
	p3 =	slt.s32 s6, $0x1;
	p4 =	sne.s32 s7, $0x0  }
0x13a: {  	s8 =	sshrl.u32 s8, $0x19;
	p0 =	por !p3, !p4  }
0x13b: {  	s7 =	simm.s32 $0x1;
	s6 =	sadd.s32 s8, s6;
	p0 =	por !p0, !p0  }
0x13c: {  	s6 =	sshrl.u32 s6, $0x7;
	s7 =	simm.s32 @!p0 $0x0  }
0x13d: {  	s6 =	ssub.s32 s6, s7  }
0x13e: {  	s6 =	sshll.u32 s6, $0x7  }
0x13f: {  	s6 =	sand.u32 $0x1FFFFF80, s6  }
0x140: {  	s8 =	simm.s32 $0xA400;
	s6 =	sadd.s32 s2, s6  }
0x141: {  	[tilespmem:s8], [sflag:$0x2] =	stream.strided.gather [hbm4b:s6+s14], $0x800, s15, s14, $0x38;
	[tilespmem:$0x15200] =	vst v63  }
0x142: {  	(v2sf) =	vpush v40, $0x4;
	s6 =	sadd.s32 $0x1E8500, s6;
	s8 =	simm.s32 $0xAC00  }
0x143: {  	[tilespmem:s8], [sflag:$0x2] =	stream.linear.gather [hbm4b:s6+s3], $0x100, $0x38;
	[tilespmem:$0x15200] =	vst v63  }
0x144: {  	s6 =	spop (v2sf)  }
0x145: {  	s7 =	sand.u32 $0x7F, s6  }
0x146: {  	s8 =	sshra.s32 s6, $0x1F;
	p5 =	slt.s32 s6, $0x1;
	p6 =	sne.s32 s7, $0x0  }
0x147: {  	s8 =	sshrl.u32 s8, $0x19;
	p0 =	por !p5, !p6  }
0x148: {  	s7 =	simm.s32 $0x1;
	s6 =	sadd.s32 s8, s6;
	p0 =	por !p0, !p0  }
0x149: {  	s6 =	sshrl.u32 s6, $0x7;
	s7 =	simm.s32 @!p0 $0x0  }
0x14a: {  	s6 =	ssub.s32 s6, s7  }
0x14b: {  	s6 =	sshll.u32 s6, $0x7  }
0x14c: {  	s6 =	sand.u32 $0x1FFFFF80, s6  }
0x14d: {  	s8 =	simm.s32 $0xAD00;
	s6 =	sadd.s32 s2, s6  }
0x14e: {  	[tilespmem:s8], [sflag:$0x2] =	stream.strided.gather [hbm4b:s6+s14], $0x800, s15, s14, $0x38;
	[tilespmem:$0x15200] =	vst v63  }
0x14f: {  	(v2sf) =	vpush v40, $0x5;
	s6 =	sadd.s32 $0x1E8500, s6;
	s8 =	simm.s32 $0xB500  }
0x150: {  	[tilespmem:s8], [sflag:$0x2] =	stream.linear.gather [hbm4b:s6+s3], $0x100, $0x38;
	[tilespmem:$0x15200] =	vst v63  }
0x151: {  	s6 =	spop (v2sf)  }
0x152: {  	s7 =	sand.u32 $0x7F, s6  }
0x153: {  	s8 =	sshra.s32 s6, $0x1F;
	p1 =	slt.s32 s6, $0x1;
	p2 =	sne.s32 s7, $0x0  }
0x154: {  	s8 =	sshrl.u32 s8, $0x19;
	p0 =	por !p1, !p2  }
0x155: {  	s7 =	simm.s32 $0x1;
	s6 =	sadd.s32 s8, s6;
	p0 =	por !p0, !p0  }
0x156: {  	s6 =	sshrl.u32 s6, $0x7;
	s7 =	simm.s32 @!p0 $0x0  }
0x157: {  	s6 =	ssub.s32 s6, s7  }
0x158: {  	s6 =	sshll.u32 s6, $0x7  }
0x159: {  	s6 =	sand.u32 $0x1FFFFF80, s6  }
0x15a: {  	s8 =	simm.s32 $0xB600;
	s6 =	sadd.s32 s2, s6  }
0x15b: {  	[tilespmem:s8], [sflag:$0x2] =	stream.strided.gather [hbm4b:s6+s14], $0x800, s15, s14, $0x38;
	[tilespmem:$0x15200] =	vst v63  }
0x15c: {  	(v2sf) =	vpush v40, $0x6;
	s6 =	sadd.s32 $0x1E8500, s6;
	s8 =	simm.s32 $0xBE00  }
0x15d: {  	[tilespmem:s8], [sflag:$0x2] =	stream.linear.gather [hbm4b:s6+s3], $0x100, $0x38;
	[tilespmem:$0x15200] =	vst v63  }
0x15e: {  	s6 =	spop (v2sf)  }
0x15f: {  	s7 =	sand.u32 $0x7F, s6  }
0x160: {  	s8 =	sshra.s32 s6, $0x1F;
	p3 =	slt.s32 s6, $0x1;
	p4 =	sne.s32 s7, $0x0  }
0x161: {  	s8 =	sshrl.u32 s8, $0x19;
	p0 =	por !p3, !p4  }
0x162: {  	s7 =	simm.s32 $0x1;
	s6 =	sadd.s32 s8, s6;
	p0 =	por !p0, !p0  }
0x163: {  	s6 =	sshrl.u32 s6, $0x7;
	s7 =	simm.s32 @!p0 $0x0  }
0x164: {  	s6 =	ssub.s32 s6, s7  }
0x165: {  	s6 =	sshll.u32 s6, $0x7  }
0x166: {  	s6 =	sand.u32 $0x1FFFFF80, s6  }
0x167: {  	s8 =	simm.s32 $0xBF00;
	s6 =	sadd.s32 s2, s6  }
0x168: {  	[tilespmem:s8], [sflag:$0x2] =	stream.strided.gather [hbm4b:s6+s14], $0x800, s15, s14, $0x38;
	[tilespmem:$0x15200] =	vst v63  }
0x169: {  	(v2sf) =	vpush v40, $0x7;
	s6 =	sadd.s32 $0x1E8500, s6;
	s8 =	simm.s32 $0xC700  }
0x16a: {  	[tilespmem:s8], [sflag:$0x2] =	stream.linear.gather [hbm4b:s6+s3], $0x100, $0x38;
	[tilespmem:$0x15200] =	vst v63  }
0x16b: {  	s6 =	spop (v2sf)  }
0x16c: {  	s7 =	sand.u32 $0x7F, s6  }
0x16d: {  	s8 =	sshra.s32 s6, $0x1F;
	p5 =	slt.s32 s6, $0x1;
	p6 =	sne.s32 s7, $0x0  }
0x16e: {  	s8 =	sshrl.u32 s8, $0x19;
	p0 =	por !p5, !p6  }
0x16f: {  	s7 =	simm.s32 $0x1;
	s6 =	sadd.s32 s8, s6;
	p0 =	por !p0, !p0  }
0x170: {  	s6 =	sshrl.u32 s6, $0x7;
	s7 =	simm.s32 @!p0 $0x0  }
0x171: {  	s6 =	ssub.s32 s6, s7  }
0x172: {  	s6 =	sshll.u32 s6, $0x7  }
0x173: {  	s6 =	sand.u32 $0x1FFFFF80, s6  }
0x174: {  	s8 =	simm.s32 $0xC800;
	s6 =	sadd.s32 s2, s6  }
0x175: {  	[tilespmem:s8], [sflag:$0x2] =	stream.strided.gather [hbm4b:s6+s14], $0x800, s15, s14, $0x38;
	[tilespmem:$0x15200] =	vst v63  }
0x176: {  	(v2sf) =	vpush v40, $0x8;
	s6 =	sadd.s32 $0x1E8500, s6;
	s8 =	simm.s32 $0xD000  }
0x177: {  	[tilespmem:s8], [sflag:$0x2] =	stream.linear.gather [hbm4b:s6+s3], $0x100, $0x38;
	[tilespmem:$0x15200] =	vst v63  }
0x178: {  	s6 =	spop (v2sf)  }
0x179: {  	s7 =	sand.u32 $0x7F, s6  }
0x17a: {  	s8 =	sshra.s32 s6, $0x1F;
	p1 =	slt.s32 s6, $0x1;
	p2 =	sne.s32 s7, $0x0  }
0x17b: {  	s8 =	sshrl.u32 s8, $0x19;
	p0 =	por !p1, !p2  }
0x17c: {  	s7 =	simm.s32 $0x1;
	s6 =	sadd.s32 s8, s6;
	p0 =	por !p0, !p0  }
0x17d: {  	s6 =	sshrl.u32 s6, $0x7;
	s7 =	simm.s32 @!p0 $0x0  }
0x17e: {  	s6 =	ssub.s32 s6, s7  }
0x17f: {  	s6 =	sshll.u32 s6, $0x7  }
0x180: {  	s6 =	sand.u32 $0x1FFFFF80, s6  }
0x181: {  	s8 =	simm.s32 $0xD100;
	s6 =	sadd.s32 s2, s6  }
0x182: {  	[tilespmem:s8], [sflag:$0x2] =	stream.strided.gather [hbm4b:s6+s14], $0x800, s15, s14, $0x38;
	[tilespmem:$0x15200] =	vst v63  }
0x183: {  	(v2sf) =	vpush v40, $0x9;
	s6 =	sadd.s32 $0x1E8500, s6;
	s8 =	simm.s32 $0xD900  }
0x184: {  	[tilespmem:s8], [sflag:$0x2] =	stream.linear.gather [hbm4b:s6+s3], $0x100, $0x38;
	[tilespmem:$0x15200] =	vst v63  }
0x185: {  	s6 =	spop (v2sf)  }
0x186: {  	s7 =	sand.u32 $0x7F, s6  }
0x187: {  	s8 =	sshra.s32 s6, $0x1F;
	p3 =	slt.s32 s6, $0x1;
	p4 =	sne.s32 s7, $0x0  }
0x188: {  	s8 =	sshrl.u32 s8, $0x19;
	p0 =	por !p3, !p4  }
0x189: {  	s7 =	simm.s32 $0x1;
	s6 =	sadd.s32 s8, s6;
	p0 =	por !p0, !p0  }
0x18a: {  	s6 =	sshrl.u32 s6, $0x7;
	s7 =	simm.s32 @!p0 $0x0  }
0x18b: {  	s6 =	ssub.s32 s6, s7  }
0x18c: {  	s6 =	sshll.u32 s6, $0x7  }
0x18d: {  	s6 =	sand.u32 $0x1FFFFF80, s6  }
0x18e: {  	s8 =	simm.s32 $0xDA00;
	s6 =	sadd.s32 s2, s6  }
0x18f: {  	[tilespmem:s8], [sflag:$0x2] =	stream.strided.gather [hbm4b:s6+s14], $0x800, s15, s14, $0x38;
	[tilespmem:$0x15200] =	vst v63  }
0x190: {  	(v2sf) =	vpush v40, $0xA;
	s6 =	sadd.s32 $0x1E8500, s6  }
0x191: {  	[tilespmem:s9], [sflag:$0x2] =	stream.linear.gather [hbm4b:s6+s3], $0x100, $0x38;
	[tilespmem:$0x15200] =	vst v63  }
0x192: {  	s6 =	spop (v2sf)  }
0x193: {  	s7 =	sand.u32 $0x7F, s6  }
0x194: {  	s8 =	sshra.s32 s6, $0x1F;
	p5 =	slt.s32 s6, $0x1;
	p6 =	sne.s32 s7, $0x0  }
0x195: {  	s8 =	sshrl.u32 s8, $0x19;
	p0 =	por !p5, !p6  }
0x196: {  	s7 =	simm.s32 $0x1;
	s6 =	sadd.s32 s8, s6;
	p0 =	por !p0, !p0  }
0x197: {  	s6 =	sshrl.u32 s6, $0x7;
	s7 =	simm.s32 @!p0 $0x0  }
0x198: {  	s6 =	ssub.s32 s6, s7  }
0x199: {  	s6 =	sshll.u32 s6, $0x7  }
0x19a: {  	s6 =	sand.u32 $0x1FFFFF80, s6  }
0x19b: {  	s6 =	sadd.s32 s2, s6  }
0x19c: {  	[tilespmem:s4], [sflag:$0x2] =	stream.strided.gather [hbm4b:s6+s14], $0x800, s15, s14, $0x38;
	[tilespmem:$0x15200] =	vst v63  }
0x19d: {  	(v2sf) =	vpush v40, $0xB;
	s6 =	sadd.s32 $0x1E8500, s6  }
0x19e: {  	[tilespmem:s17], [sflag:$0x2] =	stream.linear.gather [hbm4b:s6+s3], $0x100, $0x38;
	[tilespmem:$0x15200] =	vst v63  }
0x19f: {  	s6 =	spop (v2sf)  }
0x1a0: {  	s7 =	sand.u32 $0x7F, s6  }
0x1a1: {  	s8 =	sshra.s32 s6, $0x1F;
	p1 =	slt.s32 s6, $0x1;
	p2 =	sne.s32 s7, $0x0  }
0x1a2: {  	s8 =	sshrl.u32 s8, $0x19;
	p0 =	por !p1, !p2  }
0x1a3: {  	s7 =	simm.s32 $0x1;
	s6 =	sadd.s32 s8, s6;
	p0 =	por !p0, !p0  }
0x1a4: {  	s6 =	sshrl.u32 s6, $0x7;
	s7 =	simm.s32 @!p0 $0x0  }
0x1a5: {  	s6 =	ssub.s32 s6, s7  }
0x1a6: {  	s6 =	sshll.u32 s6, $0x7  }
0x1a7: {  	s6 =	sand.u32 $0x1FFFFF80, s6  }
0x1a8: {  	s6 =	sadd.s32 s2, s6  }
0x1a9: {  	[tilespmem:s18], [sflag:$0x2] =	stream.strided.gather [hbm4b:s6+s14], $0x800, s15, s14, $0x38;
	[tilespmem:$0x15200] =	vst v63  }
0x1aa: {  	(v2sf) =	vpush v40, $0xC;
	s6 =	sadd.s32 $0x1E8500, s6  }
0x1ab: {  	[tilespmem:s19], [sflag:$0x2] =	stream.linear.gather [hbm4b:s6+s3], $0x100, $0x38;
	[tilespmem:$0x15200] =	vst v63  }
0x1ac: {  	s6 =	spop (v2sf)  }
0x1ad: {  	s7 =	sand.u32 $0x7F, s6  }
0x1ae: {  	s8 =	sshra.s32 s6, $0x1F;
	p3 =	slt.s32 s6, $0x1;
	p4 =	sne.s32 s7, $0x0  }
0x1af: {  	s8 =	sshrl.u32 s8, $0x19;
	p0 =	por !p3, !p4  }
0x1b0: {  	s7 =	simm.s32 $0x1;
	s6 =	sadd.s32 s8, s6;
	p0 =	por !p0, !p0  }
0x1b1: {  	s6 =	sshrl.u32 s6, $0x7;
	s7 =	simm.s32 @!p0 $0x0  }
0x1b2: {  	s6 =	ssub.s32 s6, s7  }
0x1b3: {  	s6 =	sshll.u32 s6, $0x7  }
0x1b4: {  	s6 =	sand.u32 $0x1FFFFF80, s6  }
0x1b5: {  	s6 =	sadd.s32 s2, s6  }
0x1b6: {  	[tilespmem:s20], [sflag:$0x2] =	stream.strided.gather [hbm4b:s6+s14], $0x800, s15, s14, $0x38;
	[tilespmem:$0x15200] =	vst v63  }
0x1b7: {  	(v2sf) =	vpush v40, $0xD;
	s6 =	sadd.s32 $0x1E8500, s6  }
0x1b8: {  	[tilespmem:s21], [sflag:$0x2] =	stream.linear.gather [hbm4b:s6+s3], $0x100, $0x38;
	[tilespmem:$0x15200] =	vst v63  }
0x1b9: {  	s6 =	spop (v2sf)  }
0x1ba: {  	s7 =	sand.u32 $0x7F, s6  }
0x1bb: {  	s8 =	sshra.s32 s6, $0x1F;
	p5 =	slt.s32 s6, $0x1;
	p6 =	sne.s32 s7, $0x0  }
0x1bc: {  	s8 =	sshrl.u32 s8, $0x19;
	p0 =	por !p5, !p6  }
0x1bd: {  	s7 =	simm.s32 $0x1;
	s6 =	sadd.s32 s8, s6;
	p0 =	por !p0, !p0  }
0x1be: {  	s6 =	sshrl.u32 s6, $0x7;
	s7 =	simm.s32 @!p0 $0x0  }
0x1bf: {  	s6 =	ssub.s32 s6, s7  }
0x1c0: {  	s6 =	sshll.u32 s6, $0x7  }
0x1c1: {  	s6 =	sand.u32 $0x1FFFFF80, s6  }
0x1c2: {  	(v2sf) =	vpush v40, $0xE;
	s6 =	sadd.s32 s2, s6  }
0x1c3: {  	[tilespmem:s22], [sflag:$0x2] =	stream.strided.gather [hbm4b:s6+s14], $0x800, s15, s14, $0x38;
	[tilespmem:$0x15200] =	vst v63  }
0x1c4: {  	s6 =	sadd.s32 $0x1E8500, s6  }
0x1c5: {  	[tilespmem:s23], [sflag:$0x2] =	stream.linear.gather [hbm4b:s6+s3], $0x100, $0x38;
	[tilespmem:$0x15200] =	vst v63  }
0x1c6: {  	s6 =	spop (v2sf)  }
0x1c7: {  	s7 =	sand.u32 $0x7F, s6  }
0x1c8: {  	s8 =	sshra.s32 s6, $0x1F;
	p1 =	slt.s32 s6, $0x1;
	p2 =	sne.s32 s7, $0x0  }
0x1c9: {  	s8 =	sshrl.u32 s8, $0x19;
	p0 =	por !p1, !p2  }
0x1ca: {  	s7 =	simm.s32 $0x1;
	s6 =	sadd.s32 s8, s6;
	p0 =	por !p0, !p0  }
0x1cb: {  	s6 =	sshrl.u32 s6, $0x7;
	s7 =	simm.s32 @!p0 $0x0  }
0x1cc: {  	s6 =	ssub.s32 s6, s7  }
0x1cd: {  	s6 =	sshll.u32 s6, $0x7  }
0x1ce: {  	s6 =	sand.u32 $0x1FFFFF80, s6  }
0x1cf: {  	s6 =	sadd.s32 s2, s6  }
0x1d0: {  	(v2sf) =	vpush v40, $0xF;
	[tilespmem:s24], [sflag:$0x2] =	stream.strided.gather [hbm4b:s6+s14], $0x800, s15, s14, $0x38;
	[tilespmem:$0x15200] =	vst v63  }
0x1d1: {  	s7 =	spop (v2sf);
	s6 =	sadd.s32 $0x1E8500, s6  }
0x1d2: {  	[tilespmem:s25], [sflag:$0x2] =	stream.linear.gather [hbm4b:s6+s3], $0x100, $0x38;
	[tilespmem:$0x15200] =	vst v63  }
0x1d3: {  	s6 =	sand.u32 $0x7F, s7  }
0x1d4: {  	s8 =	sshra.s32 s7, $0x1F;
	p3 =	slt.s32 s7, $0x1;
	p4 =	sne.s32 s6, $0x0  }
0x1d5: {  	s8 =	sshrl.u32 s8, $0x19;
	p0 =	por !p3, !p4  }
0x1d6: {  	s6 =	sadd.s32 s8, s7;
	s7 =	simm.s32 $0x1;
	p0 =	por !p0, !p0  }
0x1d7: {  	s6 =	sshrl.u32 s6, $0x7;
	s7 =	simm.s32 @!p0 $0x0  }
0x1d8: {  	s6 =	ssub.s32 s6, s7  }
0x1d9: {  	s6 =	sshll.u32 s6, $0x7  }
0x1da: {  	s6 =	sand.u32 $0x1FFFFF80, s6  }
0x1db: {  	s6 =	sadd.s32 s2, s6  }
0x1dc: {  	[tilespmem:s26], [sflag:$0x2] =	stream.strided.gather [hbm4b:s6+s14], $0x800, s15, s14, $0x38;
	[tilespmem:$0x15200] =	vst v63  }
0x1dd: {  	s6 =	sadd.s32 $0x1E8500, s6  }
0x1de: {  	[tilespmem:s28], [sflag:$0x2] =	stream.linear.gather [hbm4b:s6+s3], $0x100, $0x38;
	[tilespmem:$0x15200] =	vst v63  }
0x1df: {  	s6 =	spop (v2sf)  }
0x1e0: {  	s7 =	sand.u32 $0x7F, s6  }
0x1e1: {  	s8 =	sshra.s32 s6, $0x1F;
	p5 =	slt.s32 s6, $0x1;
	p6 =	sne.s32 s7, $0x0  }
0x1e2: {  	s8 =	sshrl.u32 s8, $0x19;
	p0 =	por !p5, !p6  }
0x1e3: {  	s7 =	simm.s32 $0x1;
	s6 =	sadd.s32 s8, s6;
	p0 =	por !p0, !p0  }
0x1e4: {  	s6 =	sshrl.u32 s6, $0x7;
	s7 =	simm.s32 @!p0 $0x0  }
0x1e5: {  	s7 =	ssub.s32 s6, s7  }
0x1e6: {  	s6 =	sadd.s32 $0xFFFFFFE0, s1;
	s7 =	sshll.u32 s7, $0x7  }
0x1e7: {  	s8 =	sand.u32 $0x60, s6;
	s7 =	sand.u32 $0x1FFFFF80, s7  }
0x1e8: {  	s5 =	sor.u32 s8, s5;
	s7 =	sadd.s32 s2, s7  }
0x1e9: {  	[tilespmem:s29], [sflag:$0x2] =	stream.strided.gather [hbm4b:s7+s14], $0x800, s15, s14, $0x38;
	[tilespmem:$0x15200] =	vst v63  }
0x1ea: {  	v59 =	vor.u32 s5, v0;
	s8 =	sadd.s32 $0x1E8500, s7  }
0x1eb: {  	[tilespmem:s30], [sflag:$0x2] =	stream.linear.gather [hbm4b:s8+s3], $0x100, $0x38;
	[tilespmem:$0x15200] =	vst v63  }
0x1ec: {  	_ =	swait.ge [sflag:s13], $0x9000  }
0x1ed: {  	[sflag:s13] =	ssyncset.done $0x0  }
0x1ee: {  	[sflag:s13] =	ssyncadd.s32 $0xFFFF7000  }
0x1ef: {  	v40 =	vld.idx.msk [tilespmem:v59+s3+$0x0], $0xffff;
	_ =	sdelay $0x4  }
0x1f0: {  	v41 =	vshra.s32 v40, $0x1F  }
0x1f1: {  	v41 =	vshrl.u32 v41, $0x19  }
0x1f2: {  	v41 =	vadd.s32 v41, v40  }
0x1f3: {  	v41 =	vshrl.u32 v41, $0x7  }
0x1f4: {  	v41 =	vshll.u32 v41, $0x7  }
0x1f5: {  	v40 =	vsub.s32 v40, v41  }
0x1f6: {  	v41 =	vadd.s32 v1, v40  }
0x1f7: {  	v42 =	vadd.s32 v2, v40;
	_ =	sdelay $0x1  }
0x1f8: {  	v43 =	vadd.s32 v3, v40;
	_ =	sdelay $0x1  }
0x1f9: {  	v44 =	vadd.s32 v4, v40;
	v41 =	vld.idx.msk [tilespmem:v41+s16+$0x0], $0xffff  }
0x1fa: {  	v42 =	vld.idx.msk [tilespmem:v42+s16+$0x0], $0xffff  }
0x1fb: {  	v45 =	vadd.s32 v5, v40  }
0x1fc: {  	v43 =	vld.idx.msk [tilespmem:v43+s16+$0x0], $0xffff  }
0x1fd: {  	v46 =	vadd.s32 v6, v40  }
0x1fe: {  	v44 =	vld.idx.msk [tilespmem:v44+s16+$0x0], $0xffff  }
0x1ff: {  	v47 =	vadd.s32 v7, v40;
	vm0 =	vgt.f32 v42, v41  }
0x200: {  	v60 =	vld.idx.msk [tilespmem:v45+s16+$0x0], $0xffff;
	v41 =	vsel vm0, v42, v41  }
0x201: {  	v61 =	vadd.s32 v8, v40;
	vm1 =	vgt.f32 v43, v41  }
0x202: {  	v62 =	vld.idx.msk [tilespmem:v46+s16+$0x0], $0xffff;
	v41 =	vsel vm1, v43, v41  }
0x203: {  	v63 =	vadd.s32 v9, v40;
	vm2 =	vgt.f32 v44, v41  }
0x204: {  	v48 =	vld.idx.msk [tilespmem:v47+s16+$0x0], $0xffff;
	v41 =	vsel vm2, v44, v41  }
0x205: {  	v49 =	vadd.s32 v10, v40;
	vm3 =	vgt.f32 v60, v41  }
0x206: {  	v50 =	vld.idx.msk [tilespmem:v61+s16+$0x0], $0xffff;
	v41 =	vsel vm3, v60, v41  }
0x207: {  	v51 =	vadd.s32 v11, v40;
	vm4 =	vgt.f32 v62, v41  }
0x208: {  	v52 =	vld.idx.msk [tilespmem:v63+s16+$0x0], $0xffff;
	v41 =	vsel vm4, v62, v41  }
0x209: {  	v53 =	vadd.s32 v12, v40;
	vm5 =	vgt.f32 v48, v41  }
0x20a: {  	v54 =	vld.idx.msk [tilespmem:v49+s16+$0x0], $0xffff;
	v41 =	vsel vm5, v48, v41  }
0x20b: {  	v55 =	vadd.s32 v13, v40;
	vm6 =	vgt.f32 v50, v41  }
0x20c: {  	v56 =	vld.idx.msk [tilespmem:v51+s16+$0x0], $0xffff;
	v41 =	vsel vm6, v50, v41  }
0x20d: {  	v57 =	vadd.s32 v14, v40;
	vm7 =	vgt.f32 v52, v41  }
0x20e: {  	v58 =	vld.idx.msk [tilespmem:v53+s16+$0x0], $0xffff;
	v41 =	vsel vm7, v52, v41  }
0x20f: {  	v48 =	vadd.s32 v15, v40;
	vm12 =	vgt.f32 v54, v41  }
0x210: {  	v59 =	vsel vm0, $0x1, v18;
	v60 =	vld.idx.msk [tilespmem:v55+s16+$0x0], $0xffff;
	v41 =	vsel vm12, v54, v41  }
0x211: {  	v61 =	vadd.s32 v16, v40;
	v46 =	vsel vm1, $0x2, v59;
	vm13 =	vgt.f32 v56, v41  }
0x212: {  	v46 =	vsel vm2, $0x3, v46;
	v62 =	vld.idx.msk [tilespmem:v57+s16+$0x0], $0xffff;
	v41 =	vsel vm13, v56, v41  }
0x213: {  	v49 =	vadd.s32 v17, v40;
	v46 =	vsel vm3, $0x4, v46;
	vm14 =	vgt.f32 v58, v41  }
0x214: {  	v63 =	vsel vm4, $0x5, v46;
	v50 =	vld.idx.msk [tilespmem:v48+s16+$0x0], $0xffff;
	v41 =	vsel vm14, v58, v41  }
0x215: {  	v45 =	vsel vm5, $0x6, v63;
	v40 =	vadd.s32 v19, v40;
	vm15 =	vgt.f32 v60, v41  }
0x216: {  	v51 =	vld.idx.msk [tilespmem:v61+s16+$0x0], $0xffff;
	v45 =	vsel vm6, $0x7, v45;
	v41 =	vsel vm15, v60, v41  }
0x217: {  	v45 =	vsel vm7, $0x8, v45;
	vm6 =	vgt.f32 v62, v41  }
0x218: {  	v52 =	vld.idx.msk [tilespmem:v49+s16+$0x0], $0xffff;
	v45 =	vsel vm12, $0x9, v45;
	v41 =	vsel vm6, v62, v41  }
0x219: {  	v53 =	vmov s6;
	v45 =	vsel vm13, $0xA, v45;
	vm7 =	vgt.f32 v50, v41  }
0x21a: {  	v43 =	vshll.u32 v53, $0x3;
	v40 =	vld.idx.msk [tilespmem:v40+s16+$0x0], $0xffff;
	v45 =	vsel vm14, $0xB, v45;
	v41 =	vsel vm7, v50, v41  }
0x21b: {  	v54 =	vor.u32 s6, v0;
	v45 =	vsel vm15, $0xC, v45;
	vm8 =	vgt.f32 v51, v41  }
0x21c: {  	v55 =	vand.u32 $0x6F, v54;
	v45 =	vsel vm6, $0xD, v45;
	v41 =	vsel vm8, v51, v41  }
0x21d: {  	v56 =	vand.u32 $0xC00, v43;
	v45 =	vsel vm7, $0xE, v45;
	vm9 =	vgt.f32 v52, v41  }
0x21e: {  	v42 =	vor.u32 v55, v56;
	v45 =	vsel vm8, $0xF, v45;
	v41 =	vsel vm9, v52, v41  }
0x21f: {  	v57 =	vor.u32 $0x80, v42;
	v45 =	vsel vm9, $0x10, v45;
	vm10 =	vgt.f32 v40, v41  }
0x220: {  	v58 =	vor.u32 $0x100, v42;
	v41 =	vsel vm10, $0x11, v45  }
0x221: {  	v43 =	vor.u32 v43, v55;
	v46 =	vor.u32 $0x180, v42;
	vm0 =	veq.s32 v41, $0x0  }
0x222: {  	v49 =	vor.u32 $0x200, v42;
	vm11 =	veq.s32 v41, $0x1;
	v59 =	vsel vm0, $0x3D851EB8, v20  }
0x223: {  	v61 =	vor.u32 $0x280, v42;
	vm12 =	veq.s32 v41, $0x2;
	v60 =	vsel vm11, $0x3D851EB8, v20;
	[tilespmem:v42+s31+$0x0] =	vst.idx.msk $0xffff, v59  }
0x224: {  	v63 =	vor.u32 $0x300, v43;
	vm13 =	veq.s32 v41, $0x3;
	v62 =	vsel vm12, $0x3D851EB8, v20;
	[tilespmem:v57+s31+$0x0] =	vst.idx.msk $0xffff, v60  }
0x225: {  	v53 =	vor.u32 $0x380, v43;
	vm14 =	veq.s32 v41, $0x4;
	v52 =	vsel vm13, $0x3D851EB8, v20;
	[tilespmem:v58+s31+$0x0] =	vst.idx.msk $0xffff, v62  }
0x226: {  	v55 =	vor.u32 $0x1000, v42;
	vm15 =	veq.s32 v41, $0x5;
	v54 =	vsel vm14, $0x3D851EB8, v20;
	[tilespmem:v46+s31+$0x0] =	vst.idx.msk $0xffff, v52  }
0x227: {  	vm4 =	veq.s32 v41, $0x6;
	v56 =	vsel vm15, $0x3D851EB8, v20;
	v57 =	vor.u32 $0x1080, v42;
	[tilespmem:v49+s31+$0x0] =	vst.idx.msk $0xffff, v54  }
0x228: {  	vm5 =	veq.s32 v41, $0x7;
	v59 =	vor.u32 $0x1100, v42;
	v58 =	vsel vm4, $0x3D851EB8, v20;
	[tilespmem:v61+s31+$0x0] =	vst.idx.msk $0xffff, v56  }
0x229: {  	vm6 =	veq.s32 v41, $0x8;
	v60 =	vsel vm5, $0x3D851EB8, v20;
	v61 =	vor.u32 $0x1180, v42;
	[tilespmem:v63+s31+$0x0] =	vst.idx.msk $0xffff, v58  }
0x22a: {  	vm7 =	veq.s32 v41, $0x9;
	v62 =	vsel vm6, $0x3D851EB8, v20;
	v63 =	vor.u32 $0x1200, v42;
	[tilespmem:v53+s31+$0x0] =	vst.idx.msk $0xffff, v60  }
0x22b: {  	vm8 =	veq.s32 v41, $0xA;
	v52 =	vsel vm7, $0x3D851EB8, v20;
	v53 =	vor.u32 $0x1280, v42;
	[tilespmem:v55+s31+$0x0] =	vst.idx.msk $0xffff, v62  }
0x22c: {  	vm9 =	veq.s32 v41, $0xB;
	v54 =	vsel vm8, $0x3D851EB8, v20;
	v55 =	vor.u32 $0x1300, v43;
	[tilespmem:v57+s31+$0x0] =	vst.idx.msk $0xffff, v52  }
0x22d: {  	vm10 =	veq.s32 v41, $0xC;
	v56 =	vsel vm9, $0x3D851EB8, v20;
	v43 =	vor.u32 $0x1380, v43;
	[tilespmem:v59+s31+$0x0] =	vst.idx.msk $0xffff, v54  }
0x22e: {  	vm11 =	veq.s32 v41, $0xD;
	v58 =	vor.u32 $0x2000, v42;
	v57 =	vsel vm10, $0x3D851EB8, v20;
	[tilespmem:v61+s31+$0x0] =	vst.idx.msk $0xffff, v56  }
0x22f: {  	p0 =	seq.s32 s1, $0x200;
	vm12 =	veq.s32 v41, $0xE;
	v42 =	vor.u32 $0x2080, v42;
	v59 =	vsel vm11, $0x3D851EB8, v20;
	[tilespmem:v63+s31+$0x0] =	vst.idx.msk $0xffff, v57  }
.Ltmp4:
0x230: {  	vm13 =	veq.s32 v41, $0xF;
	v60 =	vsel vm12, $0x3D851EB8, v20;
	[tilespmem:v53+s31+$0x0] =	vst.idx.msk $0xffff, v59;
	(pc) =	sbr.rel @p0 .LBB2_4-.Ltmp4, $4  }
0x231: {  	vm14 =	veq.s32 v41, $0x10;
	v61 =	vsel vm13, $0x3D851EB8, v20;
	[tilespmem:v55+s31+$0x0] =	vst.idx.msk $0xffff, v60  }
0x232: {  	vm15 =	veq.s32 v41, $0x11;
	v62 =	vsel vm14, $0x3D851EB8, v20;
	[tilespmem:v43+s31+$0x0] =	vst.idx.msk $0xffff, v61  }
0x233: {  	v63 =	vsel vm15, $0x3D851EB8, v20;
	[tilespmem:v58+s31+$0x0] =	vst.idx.msk $0xffff, v62  }
0x234: {  	[tilespmem:v42+s31+$0x0] =	vst.idx.msk $0xffff, v63  }
0x235: {  	s5 =	sshll.u32 s10, $0x4  }
0x236: {  	s6 =	sand.u32 $0x60, s1;
	s5 =	sand.u32 $0xFFFFFF80, s5  }
0x237: {  	s5 =	sor.u32 s6, s5  }
0x238: {  	v40 =	vor.u32 s5, v0;
	_ =	sdelay $0x4  }
0x239: {  	v40 =	vld.idx.msk [tilespmem:v40+s3+$0x0], $0xffff;
	_ =	sdelay $0x4  }
0x23a: {  	(v2sf) =	vpush v40, $0x0;
	_ =	sdelay $0xc  }
0x23b: {  	(v2sf) =	vpush v40, $0x1;
	_ =	sdelay $0x1  }
0x23c: {  	s5 =	spop (v2sf)  }
0x23d: {  	s7 =	sand.u32 $0x7F, s5  }
0x23e: {  	s8 =	sshra.s32 s5, $0x1F;
	p1 =	slt.s32 s5, $0x1;
	p0 =	sne.s32 s7, $0x0  }
0x23f: {  	s6 =	sshrl.u32 s8, $0x19;
	p0 =	por !p1, !p0  }
0x240: {  	s5 =	sadd.s32 s6, s5;
	s6 =	simm.s32 $0x1;
	p0 =	por !p0, !p0  }
0x241: {  	s5 =	sshrl.u32 s5, $0x7;
	s6 =	simm.s32 @!p0 $0x0  }
0x242: {  	s5 =	ssub.s32 s5, s6  }
0x243: {  	s5 =	sshll.u32 s5, $0x7  }
0x244: {  	s5 =	sand.u32 $0x1FFFFF80, s5  }
0x245: {  	s5 =	sadd.s32 s2, s5  }
0x246: {  	[tilespmem:s16], [sflag:$0x1] =	stream.strided.gather [hbm4b:s5+s14], $0x800, s15, s14, $0x38;
	[tilespmem:$0x15200] =	vst v63  }
0x247: {  	(v2sf) =	vpush v40, $0x2;
	s7 =	simm.s32 $0xA00;
	s5 =	sadd.s32 $0x1E8500, s5  }
0x248: {  	[tilespmem:s7], [sflag:$0x1] =	stream.linear.gather [hbm4b:s5+s3], $0x100, $0x38;
	[tilespmem:$0x15200] =	vst v63  }
0x249: {  	s5 =	spop (v2sf)  }
0x24a: {  	s8 =	sand.u32 $0x7F, s5  }
0x24b: {  	s7 =	sshra.s32 s5, $0x1F;
	p2 =	slt.s32 s5, $0x1;
	p1 =	sne.s32 s8, $0x0  }
0x24c: {  	s6 =	sshrl.u32 s7, $0x19;
	p0 =	por !p2, !p1  }
0x24d: {  	s5 =	sadd.s32 s6, s5;
	s6 =	simm.s32 $0x1;
	p0 =	por !p0, !p0  }
0x24e: {  	s5 =	sshrl.u32 s5, $0x7;
	s6 =	simm.s32 @!p0 $0x0  }
0x24f: {  	s5 =	ssub.s32 s5, s6  }
0x250: {  	s5 =	sshll.u32 s5, $0x7  }
0x251: {  	s5 =	sand.u32 $0x1FFFFF80, s5  }
0x252: {  	s8 =	simm.s32 $0xB00;
	s5 =	sadd.s32 s2, s5  }
0x253: {  	[tilespmem:s8], [sflag:$0x1] =	stream.strided.gather [hbm4b:s5+s14], $0x800, s15, s14, $0x38;
	[tilespmem:$0x15200] =	vst v63  }
0x254: {  	(v2sf) =	vpush v40, $0x3;
	s7 =	simm.s32 $0x1300;
	s5 =	sadd.s32 $0x1E8500, s5  }
0x255: {  	[tilespmem:s7], [sflag:$0x1] =	stream.linear.gather [hbm4b:s5+s3], $0x100, $0x38;
	[tilespmem:$0x15200] =	vst v63  }
0x256: {  	s5 =	spop (v2sf)  }
0x257: {  	s8 =	sand.u32 $0x7F, s5  }
0x258: {  	s7 =	sshra.s32 s5, $0x1F;
	p4 =	slt.s32 s5, $0x1;
	p3 =	sne.s32 s8, $0x0  }
0x259: {  	s6 =	sshrl.u32 s7, $0x19;
	p0 =	por !p4, !p3  }
0x25a: {  	s5 =	sadd.s32 s6, s5;
	s6 =	simm.s32 $0x1;
	p0 =	por !p0, !p0  }
0x25b: {  	s5 =	sshrl.u32 s5, $0x7;
	s6 =	simm.s32 @!p0 $0x0  }
0x25c: {  	s5 =	ssub.s32 s5, s6  }
0x25d: {  	s5 =	sshll.u32 s5, $0x7  }
0x25e: {  	s5 =	sand.u32 $0x1FFFFF80, s5  }
0x25f: {  	s8 =	simm.s32 $0x1400;
	s5 =	sadd.s32 s2, s5  }
0x260: {  	[tilespmem:s8], [sflag:$0x1] =	stream.strided.gather [hbm4b:s5+s14], $0x800, s15, s14, $0x38;
	[tilespmem:$0x15200] =	vst v63  }
0x261: {  	(v2sf) =	vpush v40, $0x4;
	s7 =	simm.s32 $0x1C00;
	s5 =	sadd.s32 $0x1E8500, s5  }
0x262: {  	[tilespmem:s7], [sflag:$0x1] =	stream.linear.gather [hbm4b:s5+s3], $0x100, $0x38;
	[tilespmem:$0x15200] =	vst v63  }
0x263: {  	s5 =	spop (v2sf)  }
0x264: {  	s8 =	sand.u32 $0x7F, s5  }
0x265: {  	s7 =	sshra.s32 s5, $0x1F;
	p6 =	slt.s32 s5, $0x1;
	p5 =	sne.s32 s8, $0x0  }
0x266: {  	s6 =	sshrl.u32 s7, $0x19;
	p0 =	por !p6, !p5  }
0x267: {  	s5 =	sadd.s32 s6, s5;
	s6 =	simm.s32 $0x1;
	p0 =	por !p0, !p0  }
0x268: {  	s5 =	sshrl.u32 s5, $0x7;
	s6 =	simm.s32 @!p0 $0x0  }
0x269: {  	s5 =	ssub.s32 s5, s6  }
0x26a: {  	s5 =	sshll.u32 s5, $0x7  }
0x26b: {  	s5 =	sand.u32 $0x1FFFFF80, s5  }
0x26c: {  	s8 =	simm.s32 $0x1D00;
	s5 =	sadd.s32 s2, s5  }
0x26d: {  	[tilespmem:s8], [sflag:$0x1] =	stream.strided.gather [hbm4b:s5+s14], $0x800, s15, s14, $0x38;
	[tilespmem:$0x15200] =	vst v63  }
0x26e: {  	(v2sf) =	vpush v40, $0x5;
	s7 =	simm.s32 $0x2500;
	s5 =	sadd.s32 $0x1E8500, s5  }
0x26f: {  	[tilespmem:s7], [sflag:$0x1] =	stream.linear.gather [hbm4b:s5+s3], $0x100, $0x38;
	[tilespmem:$0x15200] =	vst v63  }
0x270: {  	s5 =	spop (v2sf)  }
0x271: {  	s8 =	sand.u32 $0x7F, s5  }
0x272: {  	s7 =	sshra.s32 s5, $0x1F;
	p2 =	slt.s32 s5, $0x1;
	p1 =	sne.s32 s8, $0x0  }
0x273: {  	s6 =	sshrl.u32 s7, $0x19;
	p0 =	por !p2, !p1  }
0x274: {  	s5 =	sadd.s32 s6, s5;
	s6 =	simm.s32 $0x1;
	p0 =	por !p0, !p0  }
0x275: {  	s5 =	sshrl.u32 s5, $0x7;
	s6 =	simm.s32 @!p0 $0x0  }
0x276: {  	s5 =	ssub.s32 s5, s6  }
0x277: {  	s5 =	sshll.u32 s5, $0x7  }
0x278: {  	s5 =	sand.u32 $0x1FFFFF80, s5  }
0x279: {  	s8 =	simm.s32 $0x2600;
	s5 =	sadd.s32 s2, s5  }
0x27a: {  	[tilespmem:s8], [sflag:$0x1] =	stream.strided.gather [hbm4b:s5+s14], $0x800, s15, s14, $0x38;
	[tilespmem:$0x15200] =	vst v63  }
0x27b: {  	(v2sf) =	vpush v40, $0x6;
	s7 =	simm.s32 $0x2E00;
	s5 =	sadd.s32 $0x1E8500, s5  }
0x27c: {  	[tilespmem:s7], [sflag:$0x1] =	stream.linear.gather [hbm4b:s5+s3], $0x100, $0x38;
	[tilespmem:$0x15200] =	vst v63  }
0x27d: {  	s5 =	spop (v2sf)  }
0x27e: {  	s8 =	sand.u32 $0x7F, s5  }
0x27f: {  	s7 =	sshra.s32 s5, $0x1F;
	p4 =	slt.s32 s5, $0x1;
	p3 =	sne.s32 s8, $0x0  }
0x280: {  	s6 =	sshrl.u32 s7, $0x19;
	p0 =	por !p4, !p3  }
0x281: {  	s5 =	sadd.s32 s6, s5;
	s6 =	simm.s32 $0x1;
	p0 =	por !p0, !p0  }
0x282: {  	s5 =	sshrl.u32 s5, $0x7;
	s6 =	simm.s32 @!p0 $0x0  }
0x283: {  	s5 =	ssub.s32 s5, s6  }
0x284: {  	s5 =	sshll.u32 s5, $0x7  }
0x285: {  	s5 =	sand.u32 $0x1FFFFF80, s5  }
0x286: {  	s8 =	simm.s32 $0x2F00;
	s5 =	sadd.s32 s2, s5  }
0x287: {  	[tilespmem:s8], [sflag:$0x1] =	stream.strided.gather [hbm4b:s5+s14], $0x800, s15, s14, $0x38;
	[tilespmem:$0x15200] =	vst v63  }
0x288: {  	(v2sf) =	vpush v40, $0x7;
	s7 =	simm.s32 $0x3700;
	s5 =	sadd.s32 $0x1E8500, s5  }
0x289: {  	[tilespmem:s7], [sflag:$0x1] =	stream.linear.gather [hbm4b:s5+s3], $0x100, $0x38;
	[tilespmem:$0x15200] =	vst v63  }
0x28a: {  	s5 =	spop (v2sf)  }
0x28b: {  	s8 =	sand.u32 $0x7F, s5  }
0x28c: {  	s7 =	sshra.s32 s5, $0x1F;
	p6 =	slt.s32 s5, $0x1;
	p5 =	sne.s32 s8, $0x0  }
0x28d: {  	s6 =	sshrl.u32 s7, $0x19;
	p0 =	por !p6, !p5  }
0x28e: {  	s5 =	sadd.s32 s6, s5;
	s6 =	simm.s32 $0x1;
	p0 =	por !p0, !p0  }
0x28f: {  	s5 =	sshrl.u32 s5, $0x7;
	s6 =	simm.s32 @!p0 $0x0  }
0x290: {  	s5 =	ssub.s32 s5, s6  }
0x291: {  	s5 =	sshll.u32 s5, $0x7  }
0x292: {  	s5 =	sand.u32 $0x1FFFFF80, s5  }
0x293: {  	s8 =	simm.s32 $0x3800;
	s5 =	sadd.s32 s2, s5  }
0x294: {  	[tilespmem:s8], [sflag:$0x1] =	stream.strided.gather [hbm4b:s5+s14], $0x800, s15, s14, $0x38;
	[tilespmem:$0x15200] =	vst v63  }
0x295: {  	(v2sf) =	vpush v40, $0x8;
	s7 =	simm.s32 $0x4000;
	s5 =	sadd.s32 $0x1E8500, s5  }
0x296: {  	[tilespmem:s7], [sflag:$0x1] =	stream.linear.gather [hbm4b:s5+s3], $0x100, $0x38;
	[tilespmem:$0x15200] =	vst v63  }
0x297: {  	s5 =	spop (v2sf)  }
0x298: {  	s8 =	sand.u32 $0x7F, s5  }
0x299: {  	s7 =	sshra.s32 s5, $0x1F;
	p2 =	slt.s32 s5, $0x1;
	p1 =	sne.s32 s8, $0x0  }
0x29a: {  	s6 =	sshrl.u32 s7, $0x19;
	p0 =	por !p2, !p1  }
0x29b: {  	s5 =	sadd.s32 s6, s5;
	s6 =	simm.s32 $0x1;
	p0 =	por !p0, !p0  }
0x29c: {  	s5 =	sshrl.u32 s5, $0x7;
	s6 =	simm.s32 @!p0 $0x0  }
0x29d: {  	s5 =	ssub.s32 s5, s6  }
0x29e: {  	s5 =	sshll.u32 s5, $0x7  }
0x29f: {  	s5 =	sand.u32 $0x1FFFFF80, s5  }
0x2a0: {  	s8 =	simm.s32 $0x4100;
	s5 =	sadd.s32 s2, s5  }
0x2a1: {  	[tilespmem:s8], [sflag:$0x1] =	stream.strided.gather [hbm4b:s5+s14], $0x800, s15, s14, $0x38;
	[tilespmem:$0x15200] =	vst v63  }
0x2a2: {  	(v2sf) =	vpush v40, $0x9;
	s7 =	simm.s32 $0x4900;
	s5 =	sadd.s32 $0x1E8500, s5  }
0x2a3: {  	[tilespmem:s7], [sflag:$0x1] =	stream.linear.gather [hbm4b:s5+s3], $0x100, $0x38;
	[tilespmem:$0x15200] =	vst v63  }
0x2a4: {  	s5 =	spop (v2sf)  }
0x2a5: {  	s8 =	sand.u32 $0x7F, s5  }
0x2a6: {  	s7 =	sshra.s32 s5, $0x1F;
	p4 =	slt.s32 s5, $0x1;
	p3 =	sne.s32 s8, $0x0  }
0x2a7: {  	s6 =	sshrl.u32 s7, $0x19;
	p0 =	por !p4, !p3  }
0x2a8: {  	s5 =	sadd.s32 s6, s5;
	s6 =	simm.s32 $0x1;
	p0 =	por !p0, !p0  }
0x2a9: {  	s5 =	sshrl.u32 s5, $0x7;
	s6 =	simm.s32 @!p0 $0x0  }
0x2aa: {  	s5 =	ssub.s32 s5, s6  }
0x2ab: {  	s5 =	sshll.u32 s5, $0x7  }
0x2ac: {  	s5 =	sand.u32 $0x1FFFFF80, s5  }
0x2ad: {  	s8 =	simm.s32 $0x4A00;
	s5 =	sadd.s32 s2, s5  }
0x2ae: {  	[tilespmem:s8], [sflag:$0x1] =	stream.strided.gather [hbm4b:s5+s14], $0x800, s15, s14, $0x38;
	[tilespmem:$0x15200] =	vst v63  }
0x2af: {  	(v2sf) =	vpush v40, $0xA;
	s7 =	simm.s32 $0x5200;
	s5 =	sadd.s32 $0x1E8500, s5  }
0x2b0: {  	[tilespmem:s7], [sflag:$0x1] =	stream.linear.gather [hbm4b:s5+s3], $0x100, $0x38;
	[tilespmem:$0x15200] =	vst v63  }
0x2b1: {  	s5 =	spop (v2sf)  }
0x2b2: {  	s8 =	sand.u32 $0x7F, s5  }
0x2b3: {  	s7 =	sshra.s32 s5, $0x1F;
	p6 =	slt.s32 s5, $0x1;
	p5 =	sne.s32 s8, $0x0  }
0x2b4: {  	s6 =	sshrl.u32 s7, $0x19;
	p0 =	por !p6, !p5  }
0x2b5: {  	s5 =	sadd.s32 s6, s5;
	s6 =	simm.s32 $0x1;
	p0 =	por !p0, !p0  }
0x2b6: {  	s5 =	sshrl.u32 s5, $0x7;
	s6 =	simm.s32 @!p0 $0x0  }
0x2b7: {  	s5 =	ssub.s32 s5, s6  }
0x2b8: {  	s5 =	sshll.u32 s5, $0x7  }
0x2b9: {  	s5 =	sand.u32 $0x1FFFFF80, s5  }
0x2ba: {  	s8 =	simm.s32 $0x5300;
	s5 =	sadd.s32 s2, s5  }
0x2bb: {  	[tilespmem:s8], [sflag:$0x1] =	stream.strided.gather [hbm4b:s5+s14], $0x800, s15, s14, $0x38;
	[tilespmem:$0x15200] =	vst v63  }
0x2bc: {  	(v2sf) =	vpush v40, $0xB;
	s7 =	simm.s32 $0x5B00;
	s5 =	sadd.s32 $0x1E8500, s5  }
0x2bd: {  	[tilespmem:s7], [sflag:$0x1] =	stream.linear.gather [hbm4b:s5+s3], $0x100, $0x38;
	[tilespmem:$0x15200] =	vst v63  }
0x2be: {  	s5 =	spop (v2sf)  }
0x2bf: {  	s8 =	sand.u32 $0x7F, s5  }
0x2c0: {  	s7 =	sshra.s32 s5, $0x1F;
	p2 =	slt.s32 s5, $0x1;
	p1 =	sne.s32 s8, $0x0  }
0x2c1: {  	s6 =	sshrl.u32 s7, $0x19;
	p0 =	por !p2, !p1  }
0x2c2: {  	s5 =	sadd.s32 s6, s5;
	s6 =	simm.s32 $0x1;
	p0 =	por !p0, !p0  }
0x2c3: {  	s5 =	sshrl.u32 s5, $0x7;
	s6 =	simm.s32 @!p0 $0x0  }
0x2c4: {  	s5 =	ssub.s32 s5, s6  }
0x2c5: {  	s5 =	sshll.u32 s5, $0x7  }
0x2c6: {  	s5 =	sand.u32 $0x1FFFFF80, s5  }
0x2c7: {  	s8 =	simm.s32 $0x5C00;
	s5 =	sadd.s32 s2, s5  }
0x2c8: {  	[tilespmem:s8], [sflag:$0x1] =	stream.strided.gather [hbm4b:s5+s14], $0x800, s15, s14, $0x38;
	[tilespmem:$0x15200] =	vst v63  }
0x2c9: {  	(v2sf) =	vpush v40, $0xC;
	s7 =	simm.s32 $0x6400;
	s5 =	sadd.s32 $0x1E8500, s5  }
0x2ca: {  	[tilespmem:s7], [sflag:$0x1] =	stream.linear.gather [hbm4b:s5+s3], $0x100, $0x38;
	[tilespmem:$0x15200] =	vst v63  }
0x2cb: {  	s5 =	spop (v2sf)  }
0x2cc: {  	s8 =	sand.u32 $0x7F, s5  }
0x2cd: {  	s7 =	sshra.s32 s5, $0x1F;
	p4 =	slt.s32 s5, $0x1;
	p3 =	sne.s32 s8, $0x0  }
0x2ce: {  	s6 =	sshrl.u32 s7, $0x19;
	p0 =	por !p4, !p3  }
0x2cf: {  	s5 =	sadd.s32 s6, s5;
	s6 =	simm.s32 $0x1;
	p0 =	por !p0, !p0  }
0x2d0: {  	s5 =	sshrl.u32 s5, $0x7;
	s6 =	simm.s32 @!p0 $0x0  }
0x2d1: {  	s5 =	ssub.s32 s5, s6  }
0x2d2: {  	s5 =	sshll.u32 s5, $0x7  }
0x2d3: {  	s5 =	sand.u32 $0x1FFFFF80, s5  }
0x2d4: {  	s8 =	simm.s32 $0x6500;
	s5 =	sadd.s32 s2, s5  }
0x2d5: {  	[tilespmem:s8], [sflag:$0x1] =	stream.strided.gather [hbm4b:s5+s14], $0x800, s15, s14, $0x38;
	[tilespmem:$0x15200] =	vst v63  }
0x2d6: {  	(v2sf) =	vpush v40, $0xD;
	s7 =	simm.s32 $0x6D00;
	s5 =	sadd.s32 $0x1E8500, s5  }
0x2d7: {  	[tilespmem:s7], [sflag:$0x1] =	stream.linear.gather [hbm4b:s5+s3], $0x100, $0x38;
	[tilespmem:$0x15200] =	vst v63  }
0x2d8: {  	s5 =	spop (v2sf)  }
0x2d9: {  	s8 =	sand.u32 $0x7F, s5  }
0x2da: {  	s7 =	sshra.s32 s5, $0x1F;
	p6 =	slt.s32 s5, $0x1;
	p5 =	sne.s32 s8, $0x0  }
0x2db: {  	s6 =	sshrl.u32 s7, $0x19;
	p0 =	por !p6, !p5  }
0x2dc: {  	s5 =	sadd.s32 s6, s5;
	s6 =	simm.s32 $0x1;
	p0 =	por !p0, !p0  }
0x2dd: {  	s5 =	sshrl.u32 s5, $0x7;
	s6 =	simm.s32 @!p0 $0x0  }
0x2de: {  	s5 =	ssub.s32 s5, s6  }
0x2df: {  	s5 =	sshll.u32 s5, $0x7  }
0x2e0: {  	s5 =	sand.u32 $0x1FFFFF80, s5  }
0x2e1: {  	(v2sf) =	vpush v40, $0xE;
	s8 =	simm.s32 $0x6E00;
	s5 =	sadd.s32 s2, s5  }
0x2e2: {  	[tilespmem:s8], [sflag:$0x1] =	stream.strided.gather [hbm4b:s5+s14], $0x800, s15, s14, $0x38;
	[tilespmem:$0x15200] =	vst v63  }
0x2e3: {  	s7 =	simm.s32 $0x7600;
	s5 =	sadd.s32 $0x1E8500, s5  }
0x2e4: {  	[tilespmem:s7], [sflag:$0x1] =	stream.linear.gather [hbm4b:s5+s3], $0x100, $0x38;
	[tilespmem:$0x15200] =	vst v63  }
0x2e5: {  	s5 =	spop (v2sf)  }
0x2e6: {  	s8 =	sand.u32 $0x7F, s5  }
0x2e7: {  	s7 =	sshra.s32 s5, $0x1F;
	p2 =	slt.s32 s5, $0x1;
	p1 =	sne.s32 s8, $0x0  }
0x2e8: {  	s6 =	sshrl.u32 s7, $0x19;
	p0 =	por !p2, !p1  }
0x2e9: {  	s5 =	sadd.s32 s6, s5;
	s6 =	simm.s32 $0x1;
	p0 =	por !p0, !p0  }
0x2ea: {  	s5 =	sshrl.u32 s5, $0x7;
	s6 =	simm.s32 @!p0 $0x0  }
0x2eb: {  	s5 =	ssub.s32 s5, s6  }
0x2ec: {  	s5 =	sshll.u32 s5, $0x7  }
0x2ed: {  	s5 =	sand.u32 $0x1FFFFF80, s5  }
0x2ee: {  	s8 =	simm.s32 $0x7700;
	s5 =	sadd.s32 s2, s5  }
0x2ef: {  	(v2sf) =	vpush v40, $0xF;
	[tilespmem:s8], [sflag:$0x1] =	stream.strided.gather [hbm4b:s5+s14], $0x800, s15, s14, $0x38;
	[tilespmem:$0x15200] =	vst v63  }
0x2f0: {  	s7 =	simm.s32 $0x7F00;
	s6 =	spop (v2sf);
	s5 =	sadd.s32 $0x1E8500, s5  }
0x2f1: {  	[tilespmem:s7], [sflag:$0x1] =	stream.linear.gather [hbm4b:s5+s3], $0x100, $0x38;
	[tilespmem:$0x15200] =	vst v63  }
0x2f2: {  	s7 =	sand.u32 $0x7F, s6  }
0x2f3: {  	p4 =	slt.s32 s6, $0x1;
	s8 =	sshra.s32 s6, $0x1F;
	p3 =	sne.s32 s7, $0x0  }
0x2f4: {  	s5 =	sshrl.u32 s8, $0x19;
	p0 =	por !p4, !p3  }
0x2f5: {  	s5 =	sadd.s32 s5, s6;
	s6 =	simm.s32 $0x1;
	p0 =	por !p0, !p0  }
0x2f6: {  	s5 =	sshrl.u32 s5, $0x7;
	s6 =	simm.s32 @!p0 $0x0  }
0x2f7: {  	s5 =	ssub.s32 s5, s6  }
0x2f8: {  	s5 =	sshll.u32 s5, $0x7  }
0x2f9: {  	s5 =	sand.u32 $0x1FFFFF80, s5  }
0x2fa: {  	s7 =	simm.s32 $0x8000;
	s5 =	sadd.s32 s2, s5  }
0x2fb: {  	[tilespmem:s7], [sflag:$0x1] =	stream.strided.gather [hbm4b:s5+s14], $0x800, s15, s14, $0x38;
	[tilespmem:$0x15200] =	vst v63  }
0x2fc: {  	s8 =	simm.s32 $0x8800;
	s5 =	sadd.s32 $0x1E8500, s5  }
0x2fd: {  	[tilespmem:s8], [sflag:$0x1] =	stream.linear.gather [hbm4b:s5+s3], $0x100, $0x38;
	[tilespmem:$0x15200] =	vst v63  }
0x2fe: {  	s5 =	spop (v2sf)  }
0x2ff: {  	s7 =	sand.u32 $0x7F, s5  }
0x300: {  	s8 =	sshra.s32 s5, $0x1F;
	p6 =	slt.s32 s5, $0x1;
	p5 =	sne.s32 s7, $0x0  }
0x301: {  	s6 =	sshrl.u32 s8, $0x19;
	p0 =	por !p6, !p5  }
0x302: {  	s5 =	sadd.s32 s6, s5;
	s6 =	simm.s32 $0x1;
	p0 =	por !p0, !p0  }
0x303: {  	s5 =	sshrl.u32 s5, $0x7;
	s6 =	simm.s32 @!p0 $0x0  }
0x304: {  	s5 =	ssub.s32 s5, s6  }
0x305: {  	s5 =	sshll.u32 s5, $0x7  }
.Ltmp5:
0x306: {  	s5 =	sand.u32 $0x1FFFFF80, s5;
	(pc) =	sbr.rel .LBB2_4-.Ltmp5, $4  }
0x307: {  	s7 =	simm.s32 $0x8900;
	s5 =	sadd.s32 s2, s5  }
0x308: {  	[tilespmem:s7], [sflag:$0x1] =	stream.strided.gather [hbm4b:s5+s14], $0x800, s15, s14, $0x38;
	[tilespmem:$0x15200] =	vst v63  }
0x309: {  	s8 =	simm.s32 $0x9100;
	s5 =	sadd.s32 $0x1E8500, s5  }
0x30a: {  	[tilespmem:s8], [sflag:$0x1] =	stream.linear.gather [hbm4b:s5+s3], $0x100, $0x38;
	[tilespmem:$0x15200] =	vst v63  }
.LBB2_6:
0x30b: {  	_ =	sfence.sel $0x180000  }
0x30c: {  	[bflag:$0x0] =	sbarrier.arrive $0xFFFF  }
0x30d: {  	_ =	strace $0x90000047  }
0x30e: {  	s0 =	stileid.u32;
	[bflag:$0x2] =	sbarrier.arrive $0xFFFF  }
0x30f: {  	p0 =	sne.s32 s0, $0x0;
	s0 =	rddreg [dreg:$0x3]  }
0x310: {  	s0 =	sadd.s32 @!p0 $0x100000, s0  }
0x311: {  	[sflag:s0] =	ssyncadd.tile.s32 @!p0 $0x1;
	_ =	shalt  }
.Lfunc_end2:
_tile_overlayer_lowered:
.L_overlay_start_2:
0x312: {  	(tag) =	ssettag $0x2  }
0x313: {  	s0 =	rddreg [dreg:$0x0];
	s2 =	stileid.u32  }
0x314: {  	s1 =	rddreg [dreg:$0x1];
	p0 =	sne.s32 s2, $0x0  }
0x315: {  	s3 =	rddreg [dreg:$0x2];
	[bflag:$0x3] =	sbarrier.arrive $0xFFFF;
	s2 =	simm.s32 @!p0 $0x1C03  }
0x316: {  	[timem:s3], [sflag:s2] =	dma.local @!p0 [hbm:s0], s1  }
0x317: {  	s0 =	simm.s32 @!p0 $0x3  }
0x318: {  	_ =	swait.ge @!p0 [sflag:s0], s1  }
0x319: {  	s1 =	ssub.s32 @!p0 $0x0, s1;
	[sflag:s0] =	ssyncset.done @!p0 $0x0  }
0x31a: {  	[sflag:s0] =	ssyncadd.s32 @!p0 s1  }
0x31b: {  	[bflag:$0x3] =	sbarrier.arrive $0xFFFF  }
0x31c: {  	_ =	shalt  }

</sc_bundles>
